<compile_context>
chip_gen: v7x
topology: tpu7x:2x2x1
jax: 0.10.2.dev20260603
libtpu: 0.0.44.dev20260713+nightly
codegen_flags: <defaults>
</compile_context>

<pallas_src>
import functools

import jax
import jax.numpy as jnp
from jax import lax
from jax.experimental import pallas as pl
from jax.experimental.pallas import tpu as pltpu
from jax.experimental.pallas import tpu_sc as plsc

NC = 2
NS = 16
NW = NC * NS
L = 16
CHUNK = 80


def _sc_mesh():
    return plsc.VectorSubcoreMesh(
        core_axis_name="c", subcore_axis_name="s", num_cores=NC, num_subcores=NS
    )


def _zero_rows(buf, rows, cols):
    zero = jnp.zeros((L,), jnp.float32)

    def body(r, _):
        for c in range(cols // L):
            buf[r, pl.ds(c * L, L)] = zero
        return 0

    lax.fori_loop(0, rows, body, 0, unroll=False)


def _fill_ones(buf, rows, cols):
    one = jnp.full((L,), 1.0, jnp.float32)

    def body(r, _):
        for c in range(cols // L):
            buf[r, pl.ds(c * L, L)] = one
        return 0

    lax.fori_loop(0, rows, body, 0, unroll=False)


def _make_agg_kernel(n_pad, e, d, count_only=False):
    assert e % (NW * CHUNK) == 0 and n_pad % (NS * 8) == 0
    iters = e // (NW * CHUNK)
    rows_per_tile = n_pad // NS
    assert rows_per_tile % 5 == 0 and (rows_per_tile // 5) % 8 == 0
    copy_rows = rows_per_tile // 5

    def agg_body(g_hbm, src_hbm, dst_hbm, out_hbm,
                 src_v, dst_v, rows_v, bounce_v, acc_sh, sem):
        cid = lax.axis_index("c")
        sid = lax.axis_index("s")
        wid = sid * NC + cid
        row0 = sid * rows_per_tile
        _zero_rows(bounce_v, copy_rows, d)
        if count_only:
            _fill_ones(rows_v, CHUNK, d)
        for j in range(5):
            pltpu.sync_copy(bounce_v, acc_sh.at[pl.ds(row0 + j * copy_rows, copy_rows)])
        plsc.subcore_barrier()

        base = wid * (iters * CHUNK)
        if not count_only:
            pltpu.sync_copy(src_hbm.at[pl.ds(base, iters * CHUNK)], src_v)

        def body(i, _):
            off = base + i * CHUNK
            pltpu.sync_copy(dst_hbm.at[pl.ds(off, CHUNK)], dst_v)
            if not count_only:
                pltpu.async_copy(g_hbm.at[src_v.at[pl.ds(i * CHUNK, CHUNK)]],
                                 rows_v, sem).wait()
            pltpu.sync_copy(rows_v, acc_sh.at[dst_v], add=True)
            return 0

        lax.fori_loop(0, iters, body, 0, unroll=False)
        plsc.subcore_barrier()
        for j in range(5):
            r = row0 + j * copy_rows
            pltpu.sync_copy(acc_sh.at[pl.ds(r, copy_rows)], bounce_v)
            pltpu.sync_copy(bounce_v, out_hbm.at[cid, pl.ds(r, copy_rows)])

    kernel_kwargs = dict(
        out_type=jax.ShapeDtypeStruct((NC, n_pad, d), jnp.float32),
        mesh=_sc_mesh(),
        scratch_types=[
            pltpu.VMEM((e // NW,), jnp.int32),
            pltpu.VMEM((CHUNK,), jnp.int32),
            pltpu.VMEM((CHUNK, d), jnp.float32),
            pltpu.VMEM((copy_rows, d), jnp.float32),
            pltpu.VMEM_SHARED((n_pad, d), jnp.float32),
            pltpu.SemaphoreType.DMA,
        ],
    )
    if count_only:
        @functools.partial(pl.kernel, **kernel_kwargs)
        def count_kernel(dst_hbm, out_hbm, src_v, dst_v, rows_v, bounce_v,
                         acc_sh, sem):
            agg_body(None, None, dst_hbm, out_hbm,
                     src_v, dst_v, rows_v, bounce_v, acc_sh, sem)

        return count_kernel

    @functools.partial(pl.kernel, **kernel_kwargs)
    def agg_kernel(g_hbm, src_hbm, dst_hbm, out_hbm,
                   src_v, dst_v, rows_v, bounce_v, acc_sh, sem):
        agg_body(g_hbm, src_hbm, dst_hbm, out_hbm,
                 src_v, dst_v, rows_v, bounce_v, acc_sh, sem)

    return agg_kernel



_BLK = 400


def _tc1_body(x_ref, w_ref, deg_ref, g_ref, dis_ref):
    d = deg_ref[0][:, :1] + deg_ref[1][:, :1] + 1.0
    di = lax.rsqrt(d)
    dis_ref[...] = di + jnp.zeros((_BLK, L), jnp.float32)
    m = jnp.dot(x_ref[...], w_ref[...], preferred_element_type=jnp.float32)
    g_ref[...] = m * di


def _tc2_body(acc_ref, g_ref, dis_ref, b_ref, w_ref, out_ref):
    di = dis_ref[...][:, :1]
    pre = (acc_ref[0] + acc_ref[1] + g_ref[...]) * di + b_ref[...]
    h = jnp.maximum(pre, 0.0)
    out_ref[...] = jnp.dot(h, w_ref[...], preferred_element_type=jnp.float32) * di


def _tc3_body(acc_ref, g_ref, dis_ref, b_ref, out_ref):
    di = dis_ref[...][:, :1]
    pre = (acc_ref[0] + acc_ref[1] + g_ref[...]) * di + b_ref[...]
    out_ref[...] = jnp.maximum(pre, 0.0)


def _row_spec(d):
    return pl.BlockSpec((_BLK, d), lambda i: (i, 0))


def _pair_spec(d):
    return pl.BlockSpec((NC, _BLK, d), lambda i: (0, i, 0))


def _full_spec(shape):
    return pl.BlockSpec(shape, lambda i: tuple(0 for _ in shape))


def kernel(x, edge_index, W1, b1, W2, b2):
    n, d0 = x.shape
    h1 = W1.shape[1]
    h2 = W2.shape[1]
    e = edge_index.shape[1]
    src = edge_index[0].astype(jnp.int32)
    dst = edge_index[1].astype(jnp.int32)
    b1m = b1.reshape(1, h1)
    b2m = b2.reshape(1, h2)
    n_pad = ((n + NS * 8 - 1) // (NS * 8)) * (NS * 8)
    if (n_pad // NS) % 40 != 0:
        n_pad = ((n + NS * 40 - 1) // (NS * 40)) * (NS * 40)

    deg = _make_agg_kernel(n_pad, e, h1, count_only=True)(dst)

    grid = (n // _BLK,)
    g1, dis = pl.pallas_call(
        _tc1_body,
        grid=grid,
        in_specs=[_row_spec(d0), _full_spec((d0, h1)), _pair_spec(h1)],
        out_specs=[_row_spec(h1), _row_spec(L)],
        out_shape=[
            jax.ShapeDtypeStruct((n, h1), jnp.float32),
            jax.ShapeDtypeStruct((n, L), jnp.float32),
        ],
    )(x, W1, deg)

    agg = _make_agg_kernel(n_pad, e, h1)
    acc1 = agg(g1, src, dst)

    g2 = pl.pallas_call(
        _tc2_body,
        grid=grid,
        in_specs=[_pair_spec(h1), _row_spec(h1), _row_spec(L),
                  _full_spec((1, h1)), _full_spec((h1, h2))],
        out_specs=_row_spec(h2),
        out_shape=jax.ShapeDtypeStruct((n, h2), jnp.float32),
    )(acc1, g1, dis, b1m, W2)

    acc2 = agg(g2, src, dst)

    out = pl.pallas_call(
        _tc3_body,
        grid=grid,
        in_specs=[_pair_spec(h2), _row_spec(h2), _row_spec(L),
                  _full_spec((1, h2))],
        out_specs=_row_spec(h2),
        out_shape=jax.ShapeDtypeStruct((n, h2), jnp.float32),
    )(acc2, g2, dis, b2m)

    return out

# --- scband reference (transcript-rebuilt; emitter-appended) ---
"""Pipeline reference for scband-convolution-layers-35270271434944 (READ-ONLY COPY).

The authoritative reference and input builder live on the scoring server;
editing this copy changes nothing except your own understanding.
"""

import jax, jax.numpy as jnp
import numpy as np

N = 10000
E = 320000
D = 128
H1 = 128
H2 = 128


def setup_inputs(seed: int = 0) -> dict:
    key = jax.random.key(seed)
    k1, k2, k3, k4, k5, k6 = jax.random.split(key, 6)
    x = jax.random.normal(k1, (N, D), dtype=jnp.float32)
    edge_index = jax.random.randint(k2, (2, E), 0, N, dtype=jnp.int64)
    W1 = jax.random.normal(k3, (D, H1), dtype=jnp.float32) * 0.05
    b1 = jnp.zeros((H1,), dtype=jnp.float32)
    W2 = jax.random.normal(k4, (H1, H2), dtype=jnp.float32) * 0.05
    b2 = jnp.zeros((H2,), dtype=jnp.float32)
    return {"x": x, "edge_index": edge_index, "W1": W1, "b1": b1, "W2": W2, "b2": b2}


def gcn_conv(x, edge_index, W, b):
    # PyG GCNConv: add self-loops, symmetric normalization D^-1/2 (A+I) D^-1/2, then x @ W + b
    n = x.shape[0]
    loop = jnp.arange(n, dtype=edge_index.dtype)
    src = jnp.concatenate([edge_index[0], loop])
    dst = jnp.concatenate([edge_index[1], loop])
    deg = jax.ops.segment_sum(jnp.ones_like(dst, dtype=x.dtype), dst, num_segments=n)
    deg_inv_sqrt = jnp.where(deg > 0, 1.0 / jnp.sqrt(deg), 0.0)
    norm = deg_inv_sqrt[src] * deg_inv_sqrt[dst]
    h = x @ W
    msg = h[src] * norm[:, None]
    out = jax.ops.segment_sum(msg, dst, num_segments=n)
    return out + b


def reference(x, edge_index, W1, b1, W2, b2):
    # ConvolutionLayers forward: conv -> relu -> dropout(p=0.0) per layer
    h = gcn_conv(x, edge_index, W1, b1)
    h = jax.nn.relu(h)
    h = gcn_conv(h, edge_index, W2, b2)
    h = jax.nn.relu(h)
    return h

if __name__ == "__main__":
    import jax
    _d = setup_inputs()
    print(jax.jit(kernel)(*tuple(_d.values())))

</pallas_src>

<mosaic_0001>
#map = affine_map<(d0, d1) -> (0)>
#map1 = affine_map<(d0, d1) -> (0, 0, 0)>
module attributes {stable_mosaic.version = 14 : i64} {
  func.func @count_kernel(%arg0: i32, %arg1: i32, %arg2: memref<320000xi32, #tpu.memory_space<hbm>>, %arg3: memref<2x10240x128xf32, #tpu.memory_space<hbm>>, %arg4: memref<10000xi32, #tpu.memory_space<vmem>>, %arg5: memref<80xi32, #tpu.memory_space<vmem>>, %arg6: memref<80x128xf32, #tpu.memory_space<vmem>>, %arg7: memref<128x128xf32, #tpu.memory_space<vmem>>, %arg8: memref<10240x128xf32, #tpu.memory_space<vmem_shared>>, %arg9: memref<!tpu.dma_semaphore, #tpu.memory_space<semaphore_mem>>) attributes {dimension_semantics = [#tpu.dimension_semantics<core_parallel>, #tpu.dimension_semantics<subcore_parallel>], iteration_bounds = array<i64: 2, 16>, scalar_prefetch = 0 : i64, scratch_operands = 6 : i64, tpu.core_type = #tpu.core_type<sc_vector_subcore>, window_params = [{transform_indices = #map}, {transform_indices = #map1}]} {
    %mul3A = arith.constant 2 : i32
    %mul3A_0 = arith.muli %arg1, %mul3A : i32
    %add3A = arith.addi %mul3A_0, %arg0 : i32
    %mul3A_1 = arith.constant 640 : i32
    %mul3A_2 = arith.muli %arg1, %mul3A_1 : i32
    %broadcast_in_dim3A = arith.constant 0.000000e+00 : f32
    %broadcast_in_dim3A_3 = vector.broadcast %broadcast_in_dim3A : f32 to vector<16xf32>
    %scan3A = arith.constant 0 : i32
    %scan3A_4 = arith.constant 0 : i32
    %scan3A_5 = arith.constant 128 : i32
    %scan3A_6 = arith.addi %scan3A_4, %scan3A_5 : i32
    %scan3A_7 = arith.constant 1 : i32
    %scan3A_8 = scf.for %scan3A_49 = %scan3A_4 to %scan3A_6 step %scan3A_7 iter_args(%scan3A_50 = %scan3A) -> (i32)  : i32 {
      %swap3A = arith.index_cast %scan3A_49 : i32 to index
      %swap3A_51 = arith.constant 0 : index
      %swap3A_52 = tpu.vector_load %arg7[%swap3A, %swap3A_51] {strides = array<i32>} : memref<128x128xf32, #tpu.memory_space<vmem>>, vector<1x16xf32>,
      %swap3A_53 = vector.shape_cast %swap3A_52 : vector<1x16xf32> to vector<16xf32>
      %swap3A_54 = vector.shape_cast %broadcast_in_dim3A_3 : vector<16xf32> to vector<1x16xf32>
      tpu.vector_store %arg7[%swap3A, %swap3A_51], %swap3A_54 {strides = array<i32>} : memref<128x128xf32, #tpu.memory_space<vmem>>, vector<1x16xf32>,
      %swap3A_55 = arith.index_cast %scan3A_49 : i32 to index
      %swap3A_56 = arith.constant 16 : index
      %swap3A_57 = tpu.vector_load %arg7[%swap3A_55, %swap3A_56] {strides = array<i32>} : memref<128x128xf32, #tpu.memory_space<vmem>>, vector<1x16xf32>,
      %swap3A_58 = vector.shape_cast %swap3A_57 : vector<1x16xf32> to vector<16xf32>
      %swap3A_59 = vector.shape_cast %broadcast_in_dim3A_3 : vector<16xf32> to vector<1x16xf32>
      tpu.vector_store %arg7[%swap3A_55, %swap3A_56], %swap3A_59 {strides = array<i32>} : memref<128x128xf32, #tpu.memory_space<vmem>>, vector<1x16xf32>,
      %swap3A_60 = arith.index_cast %scan3A_49 : i32 to index
      %swap3A_61 = arith.constant 32 : index
      %swap3A_62 = tpu.vector_load %arg7[%swap3A_60, %swap3A_61] {strides = array<i32>} : memref<128x128xf32, #tpu.memory_space<vmem>>, vector<1x16xf32>,
      %swap3A_63 = vector.shape_cast %swap3A_62 : vector<1x16xf32> to vector<16xf32>
      %swap3A_64 = vector.shape_cast %broadcast_in_dim3A_3 : vector<16xf32> to vector<1x16xf32>
      tpu.vector_store %arg7[%swap3A_60, %swap3A_61], %swap3A_64 {strides = array<i32>} : memref<128x128xf32, #tpu.memory_space<vmem>>, vector<1x16xf32>,
      %swap3A_65 = arith.index_cast %scan3A_49 : i32 to index
      %swap3A_66 = arith.constant 48 : index
      %swap3A_67 = tpu.vector_load %arg7[%swap3A_65, %swap3A_66] {strides = array<i32>} : memref<128x128xf32, #tpu.memory_space<vmem>>, vector<1x16xf32>,
      %swap3A_68 = vector.shape_cast %swap3A_67 : vector<1x16xf32> to vector<16xf32>
      %swap3A_69 = vector.shape_cast %broadcast_in_dim3A_3 : vector<16xf32> to vector<1x16xf32>
      tpu.vector_store %arg7[%swap3A_65, %swap3A_66], %swap3A_69 {strides = array<i32>} : memref<128x128xf32, #tpu.memory_space<vmem>>, vector<1x16xf32>,
      %swap3A_70 = arith.index_cast %scan3A_49 : i32 to index
      %swap3A_71 = arith.constant 64 : index
      %swap3A_72 = tpu.vector_load %arg7[%swap3A_70, %swap3A_71] {strides = array<i32>} : memref<128x128xf32, #tpu.memory_space<vmem>>, vector<1x16xf32>,
      %swap3A_73 = vector.shape_cast %swap3A_72 : vector<1x16xf32> to vector<16xf32>
      %swap3A_74 = vector.shape_cast %broadcast_in_dim3A_3 : vector<16xf32> to vector<1x16xf32>
      tpu.vector_store %arg7[%swap3A_70, %swap3A_71], %swap3A_74 {strides = array<i32>} : memref<128x128xf32, #tpu.memory_space<vmem>>, vector<1x16xf32>,
      %swap3A_75 = arith.index_cast %scan3A_49 : i32 to index
      %swap3A_76 = arith.constant 80 : index
      %swap3A_77 = tpu.vector_load %arg7[%swap3A_75, %swap3A_76] {strides = array<i32>} : memref<128x128xf32, #tpu.memory_space<vmem>>, vector<1x16xf32>,
      %swap3A_78 = vector.shape_cast %swap3A_77 : vector<1x16xf32> to vector<16xf32>
      %swap3A_79 = vector.shape_cast %broadcast_in_dim3A_3 : vector<16xf32> to vector<1x16xf32>
      tpu.vector_store %arg7[%swap3A_75, %swap3A_76], %swap3A_79 {strides = array<i32>} : memref<128x128xf32, #tpu.memory_space<vmem>>, vector<1x16xf32>,
      %swap3A_80 = arith.index_cast %scan3A_49 : i32 to index
      %swap3A_81 = arith.constant 96 : index
      %swap3A_82 = tpu.vector_load %arg7[%swap3A_80, %swap3A_81] {strides = array<i32>} : memref<128x128xf32, #tpu.memory_space<vmem>>, vector<1x16xf32>,
      %swap3A_83 = vector.shape_cast %swap3A_82 : vector<1x16xf32> to vector<16xf32>
      %swap3A_84 = vector.shape_cast %broadcast_in_dim3A_3 : vector<16xf32> to vector<1x16xf32>
      tpu.vector_store %arg7[%swap3A_80, %swap3A_81], %swap3A_84 {strides = array<i32>} : memref<128x128xf32, #tpu.memory_space<vmem>>, vector<1x16xf32>,
      %swap3A_85 = arith.index_cast %scan3A_49 : i32 to index
      %swap3A_86 = arith.constant 112 : index
      %swap3A_87 = tpu.vector_load %arg7[%swap3A_85, %swap3A_86] {strides = array<i32>} : memref<128x128xf32, #tpu.memory_space<vmem>>, vector<1x16xf32>,
      %swap3A_88 = vector.shape_cast %swap3A_87 : vector<1x16xf32> to vector<16xf32>
      %swap3A_89 = vector.shape_cast %broadcast_in_dim3A_3 : vector<16xf32> to vector<1x16xf32>
      tpu.vector_store %arg7[%swap3A_85, %swap3A_86], %swap3A_89 {strides = array<i32>} : memref<128x128xf32, #tpu.memory_space<vmem>>, vector<1x16xf32>,
      %scan3A_90 = arith.constant 0 : i32
      scf.yield %scan3A_90 : i32
    }
    %scan3A_9 = arith.constant 128 : i32
    %broadcast_in_dim3A_10 = arith.constant 1.000000e+00 : f32
    %broadcast_in_dim3A_11 = vector.broadcast %broadcast_in_dim3A_10 : f32 to vector<16xf32>
    %scan3A_12 = arith.constant 0 : i32
    %scan3A_13 = arith.constant 0 : i32
    %scan3A_14 = arith.constant 80 : i32
    %scan3A_15 = arith.addi %scan3A_13, %scan3A_14 : i32
    %scan3A_16 = arith.constant 1 : i32
    %scan3A_17 = scf.for %scan3A_49 = %scan3A_13 to %scan3A_15 step %scan3A_16 iter_args(%scan3A_50 = %scan3A_12) -> (i32)  : i32 {
      %swap3A = arith.index_cast %scan3A_49 : i32 to index
      %swap3A_51 = arith.constant 0 : index
      %swap3A_52 = tpu.vector_load %arg6[%swap3A, %swap3A_51] {strides = array<i32>} : memref<80x128xf32, #tpu.memory_space<vmem>>, vector<1x16xf32>,
      %swap3A_53 = vector.shape_cast %swap3A_52 : vector<1x16xf32> to vector<16xf32>
      %swap3A_54 = vector.shape_cast %broadcast_in_dim3A_11 : vector<16xf32> to vector<1x16xf32>
      tpu.vector_store %arg6[%swap3A, %swap3A_51], %swap3A_54 {strides = array<i32>} : memref<80x128xf32, #tpu.memory_space<vmem>>, vector<1x16xf32>,
      %swap3A_55 = arith.index_cast %scan3A_49 : i32 to index
      %swap3A_56 = arith.constant 16 : index
      %swap3A_57 = tpu.vector_load %arg6[%swap3A_55, %swap3A_56] {strides = array<i32>} : memref<80x128xf32, #tpu.memory_space<vmem>>, vector<1x16xf32>,
      %swap3A_58 = vector.shape_cast %swap3A_57 : vector<1x16xf32> to vector<16xf32>
      %swap3A_59 = vector.shape_cast %broadcast_in_dim3A_11 : vector<16xf32> to vector<1x16xf32>
      tpu.vector_store %arg6[%swap3A_55, %swap3A_56], %swap3A_59 {strides = array<i32>} : memref<80x128xf32, #tpu.memory_space<vmem>>, vector<1x16xf32>,
      %swap3A_60 = arith.index_cast %scan3A_49 : i32 to index
      %swap3A_61 = arith.constant 32 : index
      %swap3A_62 = tpu.vector_load %arg6[%swap3A_60, %swap3A_61] {strides = array<i32>} : memref<80x128xf32, #tpu.memory_space<vmem>>, vector<1x16xf32>,
      %swap3A_63 = vector.shape_cast %swap3A_62 : vector<1x16xf32> to vector<16xf32>
      %swap3A_64 = vector.shape_cast %broadcast_in_dim3A_11 : vector<16xf32> to vector<1x16xf32>
      tpu.vector_store %arg6[%swap3A_60, %swap3A_61], %swap3A_64 {strides = array<i32>} : memref<80x128xf32, #tpu.memory_space<vmem>>, vector<1x16xf32>,
      %swap3A_65 = arith.index_cast %scan3A_49 : i32 to index
      %swap3A_66 = arith.constant 48 : index
      %swap3A_67 = tpu.vector_load %arg6[%swap3A_65, %swap3A_66] {strides = array<i32>} : memref<80x128xf32, #tpu.memory_space<vmem>>, vector<1x16xf32>,
      %swap3A_68 = vector.shape_cast %swap3A_67 : vector<1x16xf32> to vector<16xf32>
      %swap3A_69 = vector.shape_cast %broadcast_in_dim3A_11 : vector<16xf32> to vector<1x16xf32>
      tpu.vector_store %arg6[%swap3A_65, %swap3A_66], %swap3A_69 {strides = array<i32>} : memref<80x128xf32, #tpu.memory_space<vmem>>, vector<1x16xf32>,
      %swap3A_70 = arith.index_cast %scan3A_49 : i32 to index
      %swap3A_71 = arith.constant 64 : index
      %swap3A_72 = tpu.vector_load %arg6[%swap3A_70, %swap3A_71] {strides = array<i32>} : memref<80x128xf32, #tpu.memory_space<vmem>>, vector<1x16xf32>,
      %swap3A_73 = vector.shape_cast %swap3A_72 : vector<1x16xf32> to vector<16xf32>
      %swap3A_74 = vector.shape_cast %broadcast_in_dim3A_11 : vector<16xf32> to vector<1x16xf32>
      tpu.vector_store %arg6[%swap3A_70, %swap3A_71], %swap3A_74 {strides = array<i32>} : memref<80x128xf32, #tpu.memory_space<vmem>>, vector<1x16xf32>,
      %swap3A_75 = arith.index_cast %scan3A_49 : i32 to index
      %swap3A_76 = arith.constant 80 : index
      %swap3A_77 = tpu.vector_load %arg6[%swap3A_75, %swap3A_76] {strides = array<i32>} : memref<80x128xf32, #tpu.memory_space<vmem>>, vector<1x16xf32>,
      %swap3A_78 = vector.shape_cast %swap3A_77 : vector<1x16xf32> to vector<16xf32>
      %swap3A_79 = vector.shape_cast %broadcast_in_dim3A_11 : vector<16xf32> to vector<1x16xf32>
      tpu.vector_store %arg6[%swap3A_75, %swap3A_76], %swap3A_79 {strides = array<i32>} : memref<80x128xf32, #tpu.memory_space<vmem>>, vector<1x16xf32>,
      %swap3A_80 = arith.index_cast %scan3A_49 : i32 to index
      %swap3A_81 = arith.constant 96 : index
      %swap3A_82 = tpu.vector_load %arg6[%swap3A_80, %swap3A_81] {strides = array<i32>} : memref<80x128xf32, #tpu.memory_space<vmem>>, vector<1x16xf32>,
      %swap3A_83 = vector.shape_cast %swap3A_82 : vector<1x16xf32> to vector<16xf32>
      %swap3A_84 = vector.shape_cast %broadcast_in_dim3A_11 : vector<16xf32> to vector<1x16xf32>
      tpu.vector_store %arg6[%swap3A_80, %swap3A_81], %swap3A_84 {strides = array<i32>} : memref<80x128xf32, #tpu.memory_space<vmem>>, vector<1x16xf32>,
      %swap3A_85 = arith.index_cast %scan3A_49 : i32 to index
      %swap3A_86 = arith.constant 112 : index
      %swap3A_87 = tpu.vector_load %arg6[%swap3A_85, %swap3A_86] {strides = array<i32>} : memref<80x128xf32, #tpu.memory_space<vmem>>, vector<1x16xf32>,
      %swap3A_88 = vector.shape_cast %swap3A_87 : vector<1x16xf32> to vector<16xf32>
      %swap3A_89 = vector.shape_cast %broadcast_in_dim3A_11 : vector<16xf32> to vector<1x16xf32>
      tpu.vector_store %arg6[%swap3A_85, %swap3A_86], %swap3A_89 {strides = array<i32>} : memref<80x128xf32, #tpu.memory_space<vmem>>, vector<1x16xf32>,
      %scan3A_90 = arith.constant 0 : i32
      scf.yield %scan3A_90 : i32
    }
    %scan3A_18 = arith.constant 80 : i32
    %add3A_19 = arith.constant 0 : i32
    %add3A_20 = arith.addi %mul3A_2, %add3A_19 : i32
    "tpu.region"() ({
      %run_scoped3A = tpu.sem_alloc : memref<!tpu.dma_semaphore, #tpu.memory_space<semaphore_mem>>
      %dma_start3A = arith.constant 0 : i32
      %dma_start3A_49 = tpu.memref_slice %arg8[%add3A_20, %dma_start3A] : memref<10240x128xf32, #tpu.memory_space<vmem_shared>> -> memref<128x128xf32, #tpu.memory_space<vmem_shared>>
      %dma_start3A_50 = arith.constant 0 : i32
      %dma_start3A_51 = tpu.memref_slice %arg8[%add3A_20, %dma_start3A_50] : memref<10240x128xf32, #tpu.memory_space<vmem_shared>> -> memref<128x128xf32, #tpu.memory_space<vmem_shared>>
      tpu.enqueue_dma source(%arg7 : memref<128x128xf32, #tpu.memory_space<vmem>>) target(%dma_start3A_51 : memref<128x128xf32, #tpu.memory_space<vmem_shared>>) target_semaphore(%run_scoped3A : memref<!tpu.dma_semaphore, #tpu.memory_space<semaphore_mem>>)
      %dma_wait3A = arith.constant 0 : i32
      %dma_wait3A_52 = tpu.memref_slice %arg8[%add3A_20, %dma_wait3A] : memref<10240x128xf32, #tpu.memory_space<vmem_shared>> -> memref<128x128xf32, #tpu.memory_space<vmem_shared>>
      %dma_wait3A_53 = arith.constant 0 : i32
      %dma_wait3A_54 = tpu.memref_slice %arg8[%add3A_20, %dma_wait3A_53] : memref<10240x128xf32, #tpu.memory_space<vmem_shared>> -> memref<128x128xf32, #tpu.memory_space<vmem_shared>>
      tpu.wait_dma2 semaphore(%run_scoped3A : memref<!tpu.dma_semaphore, #tpu.memory_space<semaphore_mem>>) src(%arg7 : memref<128x128xf32, #tpu.memory_space<vmem>>) dst(%dma_wait3A_54 : memref<128x128xf32, #tpu.memory_space<vmem_shared>>)
      tpu.yield
    }) : () -> ()
    %add3A_21 = arith.constant 128 : i32
    %add3A_22 = arith.addi %mul3A_2, %add3A_21 : i32
    "tpu.region"() ({
      %run_scoped3A = tpu.sem_alloc : memref<!tpu.dma_semaphore, #tpu.memory_space<semaphore_mem>>
      %dma_start3A = arith.constant 0 : i32
      %dma_start3A_49 = tpu.memref_slice %arg8[%add3A_22, %dma_start3A] : memref<10240x128xf32, #tpu.memory_space<vmem_shared>> -> memref<128x128xf32, #tpu.memory_space<vmem_shared>>
      %dma_start3A_50 = arith.constant 0 : i32
      %dma_start3A_51 = tpu.memref_slice %arg8[%add3A_22, %dma_start3A_50] : memref<10240x128xf32, #tpu.memory_space<vmem_shared>> -> memref<128x128xf32, #tpu.memory_space<vmem_shared>>
      tpu.enqueue_dma source(%arg7 : memref<128x128xf32, #tpu.memory_space<vmem>>) target(%dma_start3A_51 : memref<128x128xf32, #tpu.memory_space<vmem_shared>>) target_semaphore(%run_scoped3A : memref<!tpu.dma_semaphore, #tpu.memory_space<semaphore_mem>>)
      %dma_wait3A = arith.constant 0 : i32
      %dma_wait3A_52 = tpu.memref_slice %arg8[%add3A_22, %dma_wait3A] : memref<10240x128xf32, #tpu.memory_space<vmem_shared>> -> memref<128x128xf32, #tpu.memory_space<vmem_shared>>
      %dma_wait3A_53 = arith.constant 0 : i32
      %dma_wait3A_54 = tpu.memref_slice %arg8[%add3A_22, %dma_wait3A_53] : memref<10240x128xf32, #tpu.memory_space<vmem_shared>> -> memref<128x128xf32, #tpu.memory_space<vmem_shared>>
      tpu.wait_dma2 semaphore(%run_scoped3A : memref<!tpu.dma_semaphore, #tpu.memory_space<semaphore_mem>>) src(%arg7 : memref<128x128xf32, #tpu.memory_space<vmem>>) dst(%dma_wait3A_54 : memref<128x128xf32, #tpu.memory_space<vmem_shared>>)
      tpu.yield
    }) : () -> ()
    %add3A_23 = arith.constant 256 : i32
    %add3A_24 = arith.addi %mul3A_2, %add3A_23 : i32
    "tpu.region"() ({
      %run_scoped3A = tpu.sem_alloc : memref<!tpu.dma_semaphore, #tpu.memory_space<semaphore_mem>>
      %dma_start3A = arith.constant 0 : i32
      %dma_start3A_49 = tpu.memref_slice %arg8[%add3A_24, %dma_start3A] : memref<10240x128xf32, #tpu.memory_space<vmem_shared>> -> memref<128x128xf32, #tpu.memory_space<vmem_shared>>
      %dma_start3A_50 = arith.constant 0 : i32
      %dma_start3A_51 = tpu.memref_slice %arg8[%add3A_24, %dma_start3A_50] : memref<10240x128xf32, #tpu.memory_space<vmem_shared>> -> memref<128x128xf32, #tpu.memory_space<vmem_shared>>
      tpu.enqueue_dma source(%arg7 : memref<128x128xf32, #tpu.memory_space<vmem>>) target(%dma_start3A_51 : memref<128x128xf32, #tpu.memory_space<vmem_shared>>) target_semaphore(%run_scoped3A : memref<!tpu.dma_semaphore, #tpu.memory_space<semaphore_mem>>)
      %dma_wait3A = arith.constant 0 : i32
      %dma_wait3A_52 = tpu.memref_slice %arg8[%add3A_24, %dma_wait3A] : memref<10240x128xf32, #tpu.memory_space<vmem_shared>> -> memref<128x128xf32, #tpu.memory_space<vmem_shared>>
      %dma_wait3A_53 = arith.constant 0 : i32
      %dma_wait3A_54 = tpu.memref_slice %arg8[%add3A_24, %dma_wait3A_53] : memref<10240x128xf32, #tpu.memory_space<vmem_shared>> -> memref<128x128xf32, #tpu.memory_space<vmem_shared>>
      tpu.wait_dma2 semaphore(%run_scoped3A : memref<!tpu.dma_semaphore, #tpu.memory_space<semaphore_mem>>) src(%arg7 : memref<128x128xf32, #tpu.memory_space<vmem>>) dst(%dma_wait3A_54 : memref<128x128xf32, #tpu.memory_space<vmem_shared>>)
      tpu.yield
    }) : () -> ()
    %add3A_25 = arith.constant 384 : i32
    %add3A_26 = arith.addi %mul3A_2, %add3A_25 : i32
    "tpu.region"() ({
      %run_scoped3A = tpu.sem_alloc : memref<!tpu.dma_semaphore, #tpu.memory_space<semaphore_mem>>
      %dma_start3A = arith.constant 0 : i32
      %dma_start3A_49 = tpu.memref_slice %arg8[%add3A_26, %dma_start3A] : memref<10240x128xf32, #tpu.memory_space<vmem_shared>> -> memref<128x128xf32, #tpu.memory_space<vmem_shared>>
      %dma_start3A_50 = arith.constant 0 : i32
      %dma_start3A_51 = tpu.memref_slice %arg8[%add3A_26, %dma_start3A_50] : memref<10240x128xf32, #tpu.memory_space<vmem_shared>> -> memref<128x128xf32, #tpu.memory_space<vmem_shared>>
      tpu.enqueue_dma source(%arg7 : memref<128x128xf32, #tpu.memory_space<vmem>>) target(%dma_start3A_51 : memref<128x128xf32, #tpu.memory_space<vmem_shared>>) target_semaphore(%run_scoped3A : memref<!tpu.dma_semaphore, #tpu.memory_space<semaphore_mem>>)
      %dma_wait3A = arith.constant 0 : i32
      %dma_wait3A_52 = tpu.memref_slice %arg8[%add3A_26, %dma_wait3A] : memref<10240x128xf32, #tpu.memory_space<vmem_shared>> -> memref<128x128xf32, #tpu.memory_space<vmem_shared>>
      %dma_wait3A_53 = arith.constant 0 : i32
      %dma_wait3A_54 = tpu.memref_slice %arg8[%add3A_26, %dma_wait3A_53] : memref<10240x128xf32, #tpu.memory_space<vmem_shared>> -> memref<128x128xf32, #tpu.memory_space<vmem_shared>>
      tpu.wait_dma2 semaphore(%run_scoped3A : memref<!tpu.dma_semaphore, #tpu.memory_space<semaphore_mem>>) src(%arg7 : memref<128x128xf32, #tpu.memory_space<vmem>>) dst(%dma_wait3A_54 : memref<128x128xf32, #tpu.memory_space<vmem_shared>>)
      tpu.yield
    }) : () -> ()
    %add3A_27 = arith.constant 512 : i32
    %add3A_28 = arith.addi %mul3A_2, %add3A_27 : i32
    "tpu.region"() ({
      %run_scoped3A = tpu.sem_alloc : memref<!tpu.dma_semaphore, #tpu.memory_space<semaphore_mem>>
      %dma_start3A = arith.constant 0 : i32
      %dma_start3A_49 = tpu.memref_slice %arg8[%add3A_28, %dma_start3A] : memref<10240x128xf32, #tpu.memory_space<vmem_shared>> -> memref<128x128xf32, #tpu.memory_space<vmem_shared>>
      %dma_start3A_50 = arith.constant 0 : i32
      %dma_start3A_51 = tpu.memref_slice %arg8[%add3A_28, %dma_start3A_50] : memref<10240x128xf32, #tpu.memory_space<vmem_shared>> -> memref<128x128xf32, #tpu.memory_space<vmem_shared>>
      tpu.enqueue_dma source(%arg7 : memref<128x128xf32, #tpu.memory_space<vmem>>) target(%dma_start3A_51 : memref<128x128xf32, #tpu.memory_space<vmem_shared>>) target_semaphore(%run_scoped3A : memref<!tpu.dma_semaphore, #tpu.memory_space<semaphore_mem>>)
      %dma_wait3A = arith.constant 0 : i32
      %dma_wait3A_52 = tpu.memref_slice %arg8[%add3A_28, %dma_wait3A] : memref<10240x128xf32, #tpu.memory_space<vmem_shared>> -> memref<128x128xf32, #tpu.memory_space<vmem_shared>>
      %dma_wait3A_53 = arith.constant 0 : i32
      %dma_wait3A_54 = tpu.memref_slice %arg8[%add3A_28, %dma_wait3A_53] : memref<10240x128xf32, #tpu.memory_space<vmem_shared>> -> memref<128x128xf32, #tpu.memory_space<vmem_shared>>
      tpu.wait_dma2 semaphore(%run_scoped3A : memref<!tpu.dma_semaphore, #tpu.memory_space<semaphore_mem>>) src(%arg7 : memref<128x128xf32, #tpu.memory_space<vmem>>) dst(%dma_wait3A_54 : memref<128x128xf32, #tpu.memory_space<vmem_shared>>)
      tpu.yield
    }) : () -> ()
    %barrier3A = arith.constant 0 : index
    tpu.barrier barrier_id(%barrier3A)
    %mul3A_29 = arith.constant 10000 : i32
    %mul3A_30 = arith.muli %add3A, %mul3A_29 : i32
    %scan3A_31 = arith.constant 0 : i32
    %scan3A_32 = arith.constant 0 : i32
    %scan3A_33 = arith.constant 125 : i32
    %scan3A_34 = arith.addi %scan3A_32, %scan3A_33 : i32
    %scan3A_35 = arith.constant 1 : i32
    %scan3A_36 = scf.for %scan3A_49 = %scan3A_32 to %scan3A_34 step %scan3A_35 iter_args(%scan3A_50 = %scan3A_31) -> (i32)  : i32 {
      %mul3A_51 = arith.constant 80 : i32
      %mul3A_52 = arith.muli %scan3A_49, %mul3A_51 : i32
      %add3A_53 = arith.addi %mul3A_30, %mul3A_52 : i32
      "tpu.region"() ({
        %run_scoped3A = tpu.sem_alloc : memref<!tpu.dma_semaphore, #tpu.memory_space<semaphore_mem>>
        %dma_start3A = tpu.memref_slice %arg2[%add3A_53] : memref<320000xi32, #tpu.memory_space<hbm>> -> memref<80xi32, #tpu.memory_space<hbm>>
        %dma_start3A_55 = tpu.memref_slice %arg2[%add3A_53] : memref<320000xi32, #tpu.memory_space<hbm>> -> memref<80xi32, #tpu.memory_space<hbm>>
        tpu.enqueue_dma source(%dma_start3A_55 : memref<80xi32, #tpu.memory_space<hbm>>) target(%arg5 : memref<80xi32, #tpu.memory_space<vmem>>) target_semaphore(%run_scoped3A : memref<!tpu.dma_semaphore, #tpu.memory_space<semaphore_mem>>)
        %dma_wait3A = tpu.memref_slice %arg2[%add3A_53] : memref<320000xi32, #tpu.memory_space<hbm>> -> memref<80xi32, #tpu.memory_space<hbm>>
        %dma_wait3A_56 = tpu.memref_slice %arg2[%add3A_53] : memref<320000xi32, #tpu.memory_space<hbm>> -> memref<80xi32, #tpu.memory_space<hbm>>
        tpu.wait_dma2 semaphore(%run_scoped3A : memref<!tpu.dma_semaphore, #tpu.memory_space<semaphore_mem>>) src(%dma_wait3A_56 : memref<80xi32, #tpu.memory_space<hbm>>) dst(%arg5 : memref<80xi32, #tpu.memory_space<vmem>>)
        tpu.yield
      }) : () -> ()
      "tpu.region"() ({
        %run_scoped3A = tpu.sem_alloc : memref<!tpu.dma_semaphore, #tpu.memory_space<semaphore_mem>>
        %dma_start3A = arith.constant 0 : i32
        %dma_start3A_55 = arith.constant 0 : i32
        %dma_start3A_56 = tpu.memref_slice %arg8[%dma_start3A, %dma_start3A_55] : memref<10240x128xf32, #tpu.memory_space<vmem_shared>> -> memref<10240x128xf32, #tpu.memory_space<vmem_shared>>
        tpu.enqueue_indirect_dma source(%arg6 : memref<80x128xf32, #tpu.memory_space<vmem>>) target(%dma_start3A_56 : memref<10240x128xf32, #tpu.memory_space<vmem_shared>>) offsets(%arg5 : memref<80xi32, #tpu.memory_space<vmem>>) semaphore(%run_scoped3A : memref<!tpu.dma_semaphore, #tpu.memory_space<semaphore_mem>>) {add = true}
        %dma_wait3A = arith.constant 0 : i32
        %dma_wait3A_57 = arith.constant 0 : i32
        %dma_wait3A_58 = tpu.memref_slice %arg8[%dma_wait3A, %dma_wait3A_57] : memref<10240x128xf32, #tpu.memory_space<vmem_shared>> -> memref<10240x128xf32, #tpu.memory_space<vmem_shared>>
        tpu.wait_indirect_dma semaphore(%run_scoped3A : memref<!tpu.dma_semaphore, #tpu.memory_space<semaphore_mem>>) src(%arg6 : memref<80x128xf32, #tpu.memory_space<vmem>>) dst(%dma_wait3A_58 : memref<10240x128xf32, #tpu.memory_space<vmem_shared>>)
        tpu.yield
      }) : () -> ()
      %scan3A_54 = arith.constant 0 : i32
      scf.yield %scan3A_54 : i32
    }
    %scan3A_37 = arith.constant 125 : i32
    %barrier3A_38 = arith.constant 0 : index
    tpu.barrier barrier_id(%barrier3A_38)
    %add3A_39 = arith.constant 0 : i32
    %add3A_40 = arith.addi %mul3A_2, %add3A_39 : i32
    "tpu.region"() ({
      %run_scoped3A = tpu.sem_alloc : memref<!tpu.dma_semaphore, #tpu.memory_space<semaphore_mem>>
      %dma_start3A = arith.constant 0 : i32
      %dma_start3A_49 = tpu.memref_slice %arg8[%add3A_40, %dma_start3A] : memref<10240x128xf32, #tpu.memory_space<vmem_shared>> -> memref<128x128xf32, #tpu.memory_space<vmem_shared>>
      %dma_start3A_50 = arith.constant 0 : i32
      %dma_start3A_51 = tpu.memref_slice %arg8[%add3A_40, %dma_start3A_50] : memref<10240x128xf32, #tpu.memory_space<vmem_shared>> -> memref<128x128xf32, #tpu.memory_space<vmem_shared>>
      tpu.enqueue_dma source(%dma_start3A_51 : memref<128x128xf32, #tpu.memory_space<vmem_shared>>) target(%arg7 : memref<128x128xf32, #tpu.memory_space<vmem>>) target_semaphore(%run_scoped3A : memref<!tpu.dma_semaphore, #tpu.memory_space<semaphore_mem>>)
      %dma_wait3A = arith.constant 0 : i32
      %dma_wait3A_52 = tpu.memref_slice %arg8[%add3A_40, %dma_wait3A] : memref<10240x128xf32, #tpu.memory_space<vmem_shared>> -> memref<128x128xf32, #tpu.memory_space<vmem_shared>>
      %dma_wait3A_53 = arith.constant 0 : i32
      %dma_wait3A_54 = tpu.memref_slice %arg8[%add3A_40, %dma_wait3A_53] : memref<10240x128xf32, #tpu.memory_space<vmem_shared>> -> memref<128x128xf32, #tpu.memory_space<vmem_shared>>
      tpu.wait_dma2 semaphore(%run_scoped3A : memref<!tpu.dma_semaphore, #tpu.memory_space<semaphore_mem>>) src(%dma_wait3A_54 : memref<128x128xf32, #tpu.memory_space<vmem_shared>>) dst(%arg7 : memref<128x128xf32, #tpu.memory_space<vmem>>)
      tpu.yield
    }) : () -> ()
    "tpu.region"() ({
      %run_scoped3A = tpu.sem_alloc : memref<!tpu.dma_semaphore, #tpu.memory_space<semaphore_mem>>
      %dma_start3A = arith.constant 0 : i32
      %dma_start3A_49 = tpu.memref_slice %arg3[%arg0, %add3A_40, %dma_start3A] : memref<2x10240x128xf32, #tpu.memory_space<hbm>> -> memref<1x128x128xf32, #tpu.memory_space<hbm>>
      %dma_start3A_50 = tpu.memref_squeeze %dma_start3A_49 : memref<1x128x128xf32, #tpu.memory_space<hbm>> -> memref<128x128xf32, #tpu.memory_space<hbm>>
      %dma_start3A_51 = arith.constant 0 : i32
      %dma_start3A_52 = tpu.memref_slice %arg3[%arg0, %add3A_40, %dma_start3A_51] : memref<2x10240x128xf32, #tpu.memory_space<hbm>> -> memref<1x128x128xf32, #tpu.memory_space<hbm>>
      %dma_start3A_53 = tpu.memref_squeeze %dma_start3A_52 : memref<1x128x128xf32, #tpu.memory_space<hbm>> -> memref<128x128xf32, #tpu.memory_space<hbm>>
      tpu.enqueue_dma source(%arg7 : memref<128x128xf32, #tpu.memory_space<vmem>>) target(%dma_start3A_53 : memref<128x128xf32, #tpu.memory_space<hbm>>) target_semaphore(%run_scoped3A : memref<!tpu.dma_semaphore, #tpu.memory_space<semaphore_mem>>)
      %dma_wait3A = arith.constant 0 : i32
      %dma_wait3A_54 = tpu.memref_slice %arg3[%arg0, %add3A_40, %dma_wait3A] : memref<2x10240x128xf32, #tpu.memory_space<hbm>> -> memref<1x128x128xf32, #tpu.memory_space<hbm>>
      %dma_wait3A_55 = tpu.memref_squeeze %dma_wait3A_54 : memref<1x128x128xf32, #tpu.memory_space<hbm>> -> memref<128x128xf32, #tpu.memory_space<hbm>>
      %dma_wait3A_56 = arith.constant 0 : i32
      %dma_wait3A_57 = tpu.memref_slice %arg3[%arg0, %add3A_40, %dma_wait3A_56] : memref<2x10240x128xf32, #tpu.memory_space<hbm>> -> memref<1x128x128xf32, #tpu.memory_space<hbm>>
      %dma_wait3A_58 = tpu.memref_squeeze %dma_wait3A_57 : memref<1x128x128xf32, #tpu.memory_space<hbm>> -> memref<128x128xf32, #tpu.memory_space<hbm>>
      tpu.wait_dma2 semaphore(%run_scoped3A : memref<!tpu.dma_semaphore, #tpu.memory_space<semaphore_mem>>) src(%arg7 : memref<128x128xf32, #tpu.memory_space<vmem>>) dst(%dma_wait3A_58 : memref<128x128xf32, #tpu.memory_space<hbm>>)
      tpu.yield
    }) : () -> ()
    %add3A_41 = arith.constant 128 : i32
    %add3A_42 = arith.addi %mul3A_2, %add3A_41 : i32
    "tpu.region"() ({
      %run_scoped3A = tpu.sem_alloc : memref<!tpu.dma_semaphore, #tpu.memory_space<semaphore_mem>>
      %dma_start3A = arith.constant 0 : i32
      %dma_start3A_49 = tpu.memref_slice %arg8[%add3A_42, %dma_start3A] : memref<10240x128xf32, #tpu.memory_space<vmem_shared>> -> memref<128x128xf32, #tpu.memory_space<vmem_shared>>
      %dma_start3A_50 = arith.constant 0 : i32
      %dma_start3A_51 = tpu.memref_slice %arg8[%add3A_42, %dma_start3A_50] : memref<10240x128xf32, #tpu.memory_space<vmem_shared>> -> memref<128x128xf32, #tpu.memory_space<vmem_shared>>
      tpu.enqueue_dma source(%dma_start3A_51 : memref<128x128xf32, #tpu.memory_space<vmem_shared>>) target(%arg7 : memref<128x128xf32, #tpu.memory_space<vmem>>) target_semaphore(%run_scoped3A : memref<!tpu.dma_semaphore, #tpu.memory_space<semaphore_mem>>)
      %dma_wait3A = arith.constant 0 : i32
      %dma_wait3A_52 = tpu.memref_slice %arg8[%add3A_42, %dma_wait3A] : memref<10240x128xf32, #tpu.memory_space<vmem_shared>> -> memref<128x128xf32, #tpu.memory_space<vmem_shared>>
      %dma_wait3A_53 = arith.constant 0 : i32
      %dma_wait3A_54 = tpu.memref_slice %arg8[%add3A_42, %dma_wait3A_53] : memref<10240x128xf32, #tpu.memory_space<vmem_shared>> -> memref<128x128xf32, #tpu.memory_space<vmem_shared>>
      tpu.wait_dma2 semaphore(%run_scoped3A : memref<!tpu.dma_semaphore, #tpu.memory_space<semaphore_mem>>) src(%dma_wait3A_54 : memref<128x128xf32, #tpu.memory_space<vmem_shared>>) dst(%arg7 : memref<128x128xf32, #tpu.memory_space<vmem>>)
      tpu.yield
    }) : () -> ()
    "tpu.region"() ({
      %run_scoped3A = tpu.sem_alloc : memref<!tpu.dma_semaphore, #tpu.memory_space<semaphore_mem>>
      %dma_start3A = arith.constant 0 : i32
      %dma_start3A_49 = tpu.memref_slice %arg3[%arg0, %add3A_42, %dma_start3A] : memref<2x10240x128xf32, #tpu.memory_space<hbm>> -> memref<1x128x128xf32, #tpu.memory_space<hbm>>
      %dma_start3A_50 = tpu.memref_squeeze %dma_start3A_49 : memref<1x128x128xf32, #tpu.memory_space<hbm>> -> memref<128x128xf32, #tpu.memory_space<hbm>>
      %dma_start3A_51 = arith.constant 0 : i32
      %dma_start3A_52 = tpu.memref_slice %arg3[%arg0, %add3A_42, %dma_start3A_51] : memref<2x10240x128xf32, #tpu.memory_space<hbm>> -> memref<1x128x128xf32, #tpu.memory_space<hbm>>
      %dma_start3A_53 = tpu.memref_squeeze %dma_start3A_52 : memref<1x128x128xf32, #tpu.memory_space<hbm>> -> memref<128x128xf32, #tpu.memory_space<hbm>>
      tpu.enqueue_dma source(%arg7 : memref<128x128xf32, #tpu.memory_space<vmem>>) target(%dma_start3A_53 : memref<128x128xf32, #tpu.memory_space<hbm>>) target_semaphore(%run_scoped3A : memref<!tpu.dma_semaphore, #tpu.memory_space<semaphore_mem>>)
      %dma_wait3A = arith.constant 0 : i32
      %dma_wait3A_54 = tpu.memref_slice %arg3[%arg0, %add3A_42, %dma_wait3A] : memref<2x10240x128xf32, #tpu.memory_space<hbm>> -> memref<1x128x128xf32, #tpu.memory_space<hbm>>
      %dma_wait3A_55 = tpu.memref_squeeze %dma_wait3A_54 : memref<1x128x128xf32, #tpu.memory_space<hbm>> -> memref<128x128xf32, #tpu.memory_space<hbm>>
      %dma_wait3A_56 = arith.constant 0 : i32
      %dma_wait3A_57 = tpu.memref_slice %arg3[%arg0, %add3A_42, %dma_wait3A_56] : memref<2x10240x128xf32, #tpu.memory_space<hbm>> -> memref<1x128x128xf32, #tpu.memory_space<hbm>>
      %dma_wait3A_58 = tpu.memref_squeeze %dma_wait3A_57 : memref<1x128x128xf32, #tpu.memory_space<hbm>> -> memref<128x128xf32, #tpu.memory_space<hbm>>
      tpu.wait_dma2 semaphore(%run_scoped3A : memref<!tpu.dma_semaphore, #tpu.memory_space<semaphore_mem>>) src(%arg7 : memref<128x128xf32, #tpu.memory_space<vmem>>) dst(%dma_wait3A_58 : memref<128x128xf32, #tpu.memory_space<hbm>>)
      tpu.yield
    }) : () -> ()
    %add3A_43 = arith.constant 256 : i32
    %add3A_44 = arith.addi %mul3A_2, %add3A_43 : i32
    "tpu.region"() ({
      %run_scoped3A = tpu.sem_alloc : memref<!tpu.dma_semaphore, #tpu.memory_space<semaphore_mem>>
      %dma_start3A = arith.constant 0 : i32
      %dma_start3A_49 = tpu.memref_slice %arg8[%add3A_44, %dma_start3A] : memref<10240x128xf32, #tpu.memory_space<vmem_shared>> -> memref<128x128xf32, #tpu.memory_space<vmem_shared>>
      %dma_start3A_50 = arith.constant 0 : i32
      %dma_start3A_51 = tpu.memref_slice %arg8[%add3A_44, %dma_start3A_50] : memref<10240x128xf32, #tpu.memory_space<vmem_shared>> -> memref<128x128xf32, #tpu.memory_space<vmem_shared>>
      tpu.enqueue_dma source(%dma_start3A_51 : memref<128x128xf32, #tpu.memory_space<vmem_shared>>) target(%arg7 : memref<128x128xf32, #tpu.memory_space<vmem>>) target_semaphore(%run_scoped3A : memref<!tpu.dma_semaphore, #tpu.memory_space<semaphore_mem>>)
      %dma_wait3A = arith.constant 0 : i32
      %dma_wait3A_52 = tpu.memref_slice %arg8[%add3A_44, %dma_wait3A] : memref<10240x128xf32, #tpu.memory_space<vmem_shared>> -> memref<128x128xf32, #tpu.memory_space<vmem_shared>>
      %dma_wait3A_53 = arith.constant 0 : i32
      %dma_wait3A_54 = tpu.memref_slice %arg8[%add3A_44, %dma_wait3A_53] : memref<10240x128xf32, #tpu.memory_space<vmem_shared>> -> memref<128x128xf32, #tpu.memory_space<vmem_shared>>
      tpu.wait_dma2 semaphore(%run_scoped3A : memref<!tpu.dma_semaphore, #tpu.memory_space<semaphore_mem>>) src(%dma_wait3A_54 : memref<128x128xf32, #tpu.memory_space<vmem_shared>>) dst(%arg7 : memref<128x128xf32, #tpu.memory_space<vmem>>)
      tpu.yield
    }) : () -> ()
    "tpu.region"() ({
      %run_scoped3A = tpu.sem_alloc : memref<!tpu.dma_semaphore, #tpu.memory_space<semaphore_mem>>
      %dma_start3A = arith.constant 0 : i32
      %dma_start3A_49 = tpu.memref_slice %arg3[%arg0, %add3A_44, %dma_start3A] : memref<2x10240x128xf32, #tpu.memory_space<hbm>> -> memref<1x128x128xf32, #tpu.memory_space<hbm>>
      %dma_start3A_50 = tpu.memref_squeeze %dma_start3A_49 : memref<1x128x128xf32, #tpu.memory_space<hbm>> -> memref<128x128xf32, #tpu.memory_space<hbm>>
      %dma_start3A_51 = arith.constant 0 : i32
      %dma_start3A_52 = tpu.memref_slice %arg3[%arg0, %add3A_44, %dma_start3A_51] : memref<2x10240x128xf32, #tpu.memory_space<hbm>> -> memref<1x128x128xf32, #tpu.memory_space<hbm>>
      %dma_start3A_53 = tpu.memref_squeeze %dma_start3A_52 : memref<1x128x128xf32, #tpu.memory_space<hbm>> -> memref<128x128xf32, #tpu.memory_space<hbm>>
      tpu.enqueue_dma source(%arg7 : memref<128x128xf32, #tpu.memory_space<vmem>>) target(%dma_start3A_53 : memref<128x128xf32, #tpu.memory_space<hbm>>) target_semaphore(%run_scoped3A : memref<!tpu.dma_semaphore, #tpu.memory_space<semaphore_mem>>)
      %dma_wait3A = arith.constant 0 : i32
      %dma_wait3A_54 = tpu.memref_slice %arg3[%arg0, %add3A_44, %dma_wait3A] : memref<2x10240x128xf32, #tpu.memory_space<hbm>> -> memref<1x128x128xf32, #tpu.memory_space<hbm>>
      %dma_wait3A_55 = tpu.memref_squeeze %dma_wait3A_54 : memref<1x128x128xf32, #tpu.memory_space<hbm>> -> memref<128x128xf32, #tpu.memory_space<hbm>>
      %dma_wait3A_56 = arith.constant 0 : i32
      %dma_wait3A_57 = tpu.memref_slice %arg3[%arg0, %add3A_44, %dma_wait3A_56] : memref<2x10240x128xf32, #tpu.memory_space<hbm>> -> memref<1x128x128xf32, #tpu.memory_space<hbm>>
      %dma_wait3A_58 = tpu.memref_squeeze %dma_wait3A_57 : memref<1x128x128xf32, #tpu.memory_space<hbm>> -> memref<128x128xf32, #tpu.memory_space<hbm>>
      tpu.wait_dma2 semaphore(%run_scoped3A : memref<!tpu.dma_semaphore, #tpu.memory_space<semaphore_mem>>) src(%arg7 : memref<128x128xf32, #tpu.memory_space<vmem>>) dst(%dma_wait3A_58 : memref<128x128xf32, #tpu.memory_space<hbm>>)
      tpu.yield
    }) : () -> ()
    %add3A_45 = arith.constant 384 : i32
    %add3A_46 = arith.addi %mul3A_2, %add3A_45 : i32
    "tpu.region"() ({
      %run_scoped3A = tpu.sem_alloc : memref<!tpu.dma_semaphore, #tpu.memory_space<semaphore_mem>>
      %dma_start3A = arith.constant 0 : i32
      %dma_start3A_49 = tpu.memref_slice %arg8[%add3A_46, %dma_start3A] : memref<10240x128xf32, #tpu.memory_space<vmem_shared>> -> memref<128x128xf32, #tpu.memory_space<vmem_shared>>
      %dma_start3A_50 = arith.constant 0 : i32
      %dma_start3A_51 = tpu.memref_slice %arg8[%add3A_46, %dma_start3A_50] : memref<10240x128xf32, #tpu.memory_space<vmem_shared>> -> memref<128x128xf32, #tpu.memory_space<vmem_shared>>
      tpu.enqueue_dma source(%dma_start3A_51 : memref<128x128xf32, #tpu.memory_space<vmem_shared>>) target(%arg7 : memref<128x128xf32, #tpu.memory_space<vmem>>) target_semaphore(%run_scoped3A : memref<!tpu.dma_semaphore, #tpu.memory_space<semaphore_mem>>)
      %dma_wait3A = arith.constant 0 : i32
      %dma_wait3A_52 = tpu.memref_slice %arg8[%add3A_46, %dma_wait3A] : memref<10240x128xf32, #tpu.memory_space<vmem_shared>> -> memref<128x128xf32, #tpu.memory_space<vmem_shared>>
      %dma_wait3A_53 = arith.constant 0 : i32
      %dma_wait3A_54 = tpu.memref_slice %arg8[%add3A_46, %dma_wait3A_53] : memref<10240x128xf32, #tpu.memory_space<vmem_shared>> -> memref<128x128xf32, #tpu.memory_space<vmem_shared>>
      tpu.wait_dma2 semaphore(%run_scoped3A : memref<!tpu.dma_semaphore, #tpu.memory_space<semaphore_mem>>) src(%dma_wait3A_54 : memref<128x128xf32, #tpu.memory_space<vmem_shared>>) dst(%arg7 : memref<128x128xf32, #tpu.memory_space<vmem>>)
      tpu.yield
    }) : () -> ()
    "tpu.region"() ({
      %run_scoped3A = tpu.sem_alloc : memref<!tpu.dma_semaphore, #tpu.memory_space<semaphore_mem>>
      %dma_start3A = arith.constant 0 : i32
      %dma_start3A_49 = tpu.memref_slice %arg3[%arg0, %add3A_46, %dma_start3A] : memref<2x10240x128xf32, #tpu.memory_space<hbm>> -> memref<1x128x128xf32, #tpu.memory_space<hbm>>
      %dma_start3A_50 = tpu.memref_squeeze %dma_start3A_49 : memref<1x128x128xf32, #tpu.memory_space<hbm>> -> memref<128x128xf32, #tpu.memory_space<hbm>>
      %dma_start3A_51 = arith.constant 0 : i32
      %dma_start3A_52 = tpu.memref_slice %arg3[%arg0, %add3A_46, %dma_start3A_51] : memref<2x10240x128xf32, #tpu.memory_space<hbm>> -> memref<1x128x128xf32, #tpu.memory_space<hbm>>
      %dma_start3A_53 = tpu.memref_squeeze %dma_start3A_52 : memref<1x128x128xf32, #tpu.memory_space<hbm>> -> memref<128x128xf32, #tpu.memory_space<hbm>>
      tpu.enqueue_dma source(%arg7 : memref<128x128xf32, #tpu.memory_space<vmem>>) target(%dma_start3A_53 : memref<128x128xf32, #tpu.memory_space<hbm>>) target_semaphore(%run_scoped3A : memref<!tpu.dma_semaphore, #tpu.memory_space<semaphore_mem>>)
      %dma_wait3A = arith.constant 0 : i32
      %dma_wait3A_54 = tpu.memref_slice %arg3[%arg0, %add3A_46, %dma_wait3A] : memref<2x10240x128xf32, #tpu.memory_space<hbm>> -> memref<1x128x128xf32, #tpu.memory_space<hbm>>
      %dma_wait3A_55 = tpu.memref_squeeze %dma_wait3A_54 : memref<1x128x128xf32, #tpu.memory_space<hbm>> -> memref<128x128xf32, #tpu.memory_space<hbm>>
      %dma_wait3A_56 = arith.constant 0 : i32
      %dma_wait3A_57 = tpu.memref_slice %arg3[%arg0, %add3A_46, %dma_wait3A_56] : memref<2x10240x128xf32, #tpu.memory_space<hbm>> -> memref<1x128x128xf32, #tpu.memory_space<hbm>>
      %dma_wait3A_58 = tpu.memref_squeeze %dma_wait3A_57 : memref<1x128x128xf32, #tpu.memory_space<hbm>> -> memref<128x128xf32, #tpu.memory_space<hbm>>
      tpu.wait_dma2 semaphore(%run_scoped3A : memref<!tpu.dma_semaphore, #tpu.memory_space<semaphore_mem>>) src(%arg7 : memref<128x128xf32, #tpu.memory_space<vmem>>) dst(%dma_wait3A_58 : memref<128x128xf32, #tpu.memory_space<hbm>>)
      tpu.yield
    }) : () -> ()
    %add3A_47 = arith.constant 512 : i32
    %add3A_48 = arith.addi %mul3A_2, %add3A_47 : i32
    "tpu.region"() ({
      %run_scoped3A = tpu.sem_alloc : memref<!tpu.dma_semaphore, #tpu.memory_space<semaphore_mem>>
      %dma_start3A = arith.constant 0 : i32
      %dma_start3A_49 = tpu.memref_slice %arg8[%add3A_48, %dma_start3A] : memref<10240x128xf32, #tpu.memory_space<vmem_shared>> -> memref<128x128xf32, #tpu.memory_space<vmem_shared>>
      %dma_start3A_50 = arith.constant 0 : i32
      %dma_start3A_51 = tpu.memref_slice %arg8[%add3A_48, %dma_start3A_50] : memref<10240x128xf32, #tpu.memory_space<vmem_shared>> -> memref<128x128xf32, #tpu.memory_space<vmem_shared>>
      tpu.enqueue_dma source(%dma_start3A_51 : memref<128x128xf32, #tpu.memory_space<vmem_shared>>) target(%arg7 : memref<128x128xf32, #tpu.memory_space<vmem>>) target_semaphore(%run_scoped3A : memref<!tpu.dma_semaphore, #tpu.memory_space<semaphore_mem>>)
      %dma_wait3A = arith.constant 0 : i32
      %dma_wait3A_52 = tpu.memref_slice %arg8[%add3A_48, %dma_wait3A] : memref<10240x128xf32, #tpu.memory_space<vmem_shared>> -> memref<128x128xf32, #tpu.memory_space<vmem_shared>>
      %dma_wait3A_53 = arith.constant 0 : i32
      %dma_wait3A_54 = tpu.memref_slice %arg8[%add3A_48, %dma_wait3A_53] : memref<10240x128xf32, #tpu.memory_space<vmem_shared>> -> memref<128x128xf32, #tpu.memory_space<vmem_shared>>
      tpu.wait_dma2 semaphore(%run_scoped3A : memref<!tpu.dma_semaphore, #tpu.memory_space<semaphore_mem>>) src(%dma_wait3A_54 : memref<128x128xf32, #tpu.memory_space<vmem_shared>>) dst(%arg7 : memref<128x128xf32, #tpu.memory_space<vmem>>)
      tpu.yield
    }) : () -> ()
    "tpu.region"() ({
      %run_scoped3A = tpu.sem_alloc : memref<!tpu.dma_semaphore, #tpu.memory_space<semaphore_mem>>
      %dma_start3A = arith.constant 0 : i32
      %dma_start3A_49 = tpu.memref_slice %arg3[%arg0, %add3A_48, %dma_start3A] : memref<2x10240x128xf32, #tpu.memory_space<hbm>> -> memref<1x128x128xf32, #tpu.memory_space<hbm>>
      %dma_start3A_50 = tpu.memref_squeeze %dma_start3A_49 : memref<1x128x128xf32, #tpu.memory_space<hbm>> -> memref<128x128xf32, #tpu.memory_space<hbm>>
      %dma_start3A_51 = arith.constant 0 : i32
      %dma_start3A_52 = tpu.memref_slice %arg3[%arg0, %add3A_48, %dma_start3A_51] : memref<2x10240x128xf32, #tpu.memory_space<hbm>> -> memref<1x128x128xf32, #tpu.memory_space<hbm>>
      %dma_start3A_53 = tpu.memref_squeeze %dma_start3A_52 : memref<1x128x128xf32, #tpu.memory_space<hbm>> -> memref<128x128xf32, #tpu.memory_space<hbm>>
      tpu.enqueue_dma source(%arg7 : memref<128x128xf32, #tpu.memory_space<vmem>>) target(%dma_start3A_53 : memref<128x128xf32, #tpu.memory_space<hbm>>) target_semaphore(%run_scoped3A : memref<!tpu.dma_semaphore, #tpu.memory_space<semaphore_mem>>)
      %dma_wait3A = arith.constant 0 : i32
      %dma_wait3A_54 = tpu.memref_slice %arg3[%arg0, %add3A_48, %dma_wait3A] : memref<2x10240x128xf32, #tpu.memory_space<hbm>> -> memref<1x128x128xf32, #tpu.memory_space<hbm>>
      %dma_wait3A_55 = tpu.memref_squeeze %dma_wait3A_54 : memref<1x128x128xf32, #tpu.memory_space<hbm>> -> memref<128x128xf32, #tpu.memory_space<hbm>>
      %dma_wait3A_56 = arith.constant 0 : i32
      %dma_wait3A_57 = tpu.memref_slice %arg3[%arg0, %add3A_48, %dma_wait3A_56] : memref<2x10240x128xf32, #tpu.memory_space<hbm>> -> memref<1x128x128xf32, #tpu.memory_space<hbm>>
      %dma_wait3A_58 = tpu.memref_squeeze %dma_wait3A_57 : memref<1x128x128xf32, #tpu.memory_space<hbm>> -> memref<128x128xf32, #tpu.memory_space<hbm>>
      tpu.wait_dma2 semaphore(%run_scoped3A : memref<!tpu.dma_semaphore, #tpu.memory_space<semaphore_mem>>) src(%arg7 : memref<128x128xf32, #tpu.memory_space<vmem>>) dst(%dma_wait3A_58 : memref<128x128xf32, #tpu.memory_space<hbm>>)
      tpu.yield
    }) : () -> ()
    return
  }
}

#map = affine_map<(d0, d1) -> (0, 0)>
#map1 = affine_map<(d0, d1) -> (0)>
#map2 = affine_map<(d0, d1) -> (0, 0, 0)>
module attributes {stable_mosaic.version = 14 : i64} {
  func.func @agg_kernel(%arg0: i32, %arg1: i32, %arg2: memref<10000x128xf32, #tpu.memory_space<hbm>>, %arg3: memref<320000xi32, #tpu.memory_space<hbm>>, %arg4: memref<320000xi32, #tpu.memory_space<hbm>>, %arg5: memref<2x10240x128xf32, #tpu.memory_space<hbm>>, %arg6: memref<10000xi32, #tpu.memory_space<vmem>>, %arg7: memref<80xi32, #tpu.memory_space<vmem>>, %arg8: memref<80x128xf32, #tpu.memory_space<vmem>>, %arg9: memref<128x128xf32, #tpu.memory_space<vmem>>, %arg10: memref<10240x128xf32, #tpu.memory_space<vmem_shared>>, %arg11: memref<!tpu.dma_semaphore, #tpu.memory_space<semaphore_mem>>) attributes {dimension_semantics = [#tpu.dimension_semantics<core_parallel>, #tpu.dimension_semantics<subcore_parallel>], iteration_bounds = array<i64: 2, 16>, scalar_prefetch = 0 : i64, scratch_operands = 6 : i64, tpu.core_type = #tpu.core_type<sc_vector_subcore>, window_params = [{transform_indices = #map}, {transform_indices = #map1}, {transform_indices = #map1}, {transform_indices = #map2}]} {
    %mul3A = arith.constant 2 : i32
    %mul3A_0 = arith.muli %arg1, %mul3A : i32
    %add3A = arith.addi %mul3A_0, %arg0 : i32
    %mul3A_1 = arith.constant 640 : i32
    %mul3A_2 = arith.muli %arg1, %mul3A_1 : i32
    %broadcast_in_dim3A = arith.constant 0.000000e+00 : f32
    %broadcast_in_dim3A_3 = vector.broadcast %broadcast_in_dim3A : f32 to vector<16xf32>
    %scan3A = arith.constant 0 : i32
    %scan3A_4 = arith.constant 0 : i32
    %scan3A_5 = arith.constant 128 : i32
    %scan3A_6 = arith.addi %scan3A_4, %scan3A_5 : i32
    %scan3A_7 = arith.constant 1 : i32
    %scan3A_8 = scf.for %scan3A_40 = %scan3A_4 to %scan3A_6 step %scan3A_7 iter_args(%scan3A_41 = %scan3A) -> (i32)  : i32 {
      %swap3A = arith.index_cast %scan3A_40 : i32 to index
      %swap3A_42 = arith.constant 0 : index
      %swap3A_43 = tpu.vector_load %arg9[%swap3A, %swap3A_42] {strides = array<i32>} : memref<128x128xf32, #tpu.memory_space<vmem>>, vector<1x16xf32>,
      %swap3A_44 = vector.shape_cast %swap3A_43 : vector<1x16xf32> to vector<16xf32>
      %swap3A_45 = vector.shape_cast %broadcast_in_dim3A_3 : vector<16xf32> to vector<1x16xf32>
      tpu.vector_store %arg9[%swap3A, %swap3A_42], %swap3A_45 {strides = array<i32>} : memref<128x128xf32, #tpu.memory_space<vmem>>, vector<1x16xf32>,
      %swap3A_46 = arith.index_cast %scan3A_40 : i32 to index
      %swap3A_47 = arith.constant 16 : index
      %swap3A_48 = tpu.vector_load %arg9[%swap3A_46, %swap3A_47] {strides = array<i32>} : memref<128x128xf32, #tpu.memory_space<vmem>>, vector<1x16xf32>,
      %swap3A_49 = vector.shape_cast %swap3A_48 : vector<1x16xf32> to vector<16xf32>
      %swap3A_50 = vector.shape_cast %broadcast_in_dim3A_3 : vector<16xf32> to vector<1x16xf32>
      tpu.vector_store %arg9[%swap3A_46, %swap3A_47], %swap3A_50 {strides = array<i32>} : memref<128x128xf32, #tpu.memory_space<vmem>>, vector<1x16xf32>,
      %swap3A_51 = arith.index_cast %scan3A_40 : i32 to index
      %swap3A_52 = arith.constant 32 : index
      %swap3A_53 = tpu.vector_load %arg9[%swap3A_51, %swap3A_52] {strides = array<i32>} : memref<128x128xf32, #tpu.memory_space<vmem>>, vector<1x16xf32>,
      %swap3A_54 = vector.shape_cast %swap3A_53 : vector<1x16xf32> to vector<16xf32>
      %swap3A_55 = vector.shape_cast %broadcast_in_dim3A_3 : vector<16xf32> to vector<1x16xf32>
      tpu.vector_store %arg9[%swap3A_51, %swap3A_52], %swap3A_55 {strides = array<i32>} : memref<128x128xf32, #tpu.memory_space<vmem>>, vector<1x16xf32>,
      %swap3A_56 = arith.index_cast %scan3A_40 : i32 to index
      %swap3A_57 = arith.constant 48 : index
      %swap3A_58 = tpu.vector_load %arg9[%swap3A_56, %swap3A_57] {strides = array<i32>} : memref<128x128xf32, #tpu.memory_space<vmem>>, vector<1x16xf32>,
      %swap3A_59 = vector.shape_cast %swap3A_58 : vector<1x16xf32> to vector<16xf32>
      %swap3A_60 = vector.shape_cast %broadcast_in_dim3A_3 : vector<16xf32> to vector<1x16xf32>
      tpu.vector_store %arg9[%swap3A_56, %swap3A_57], %swap3A_60 {strides = array<i32>} : memref<128x128xf32, #tpu.memory_space<vmem>>, vector<1x16xf32>,
      %swap3A_61 = arith.index_cast %scan3A_40 : i32 to index
      %swap3A_62 = arith.constant 64 : index
      %swap3A_63 = tpu.vector_load %arg9[%swap3A_61, %swap3A_62] {strides = array<i32>} : memref<128x128xf32, #tpu.memory_space<vmem>>, vector<1x16xf32>,
      %swap3A_64 = vector.shape_cast %swap3A_63 : vector<1x16xf32> to vector<16xf32>
      %swap3A_65 = vector.shape_cast %broadcast_in_dim3A_3 : vector<16xf32> to vector<1x16xf32>
      tpu.vector_store %arg9[%swap3A_61, %swap3A_62], %swap3A_65 {strides = array<i32>} : memref<128x128xf32, #tpu.memory_space<vmem>>, vector<1x16xf32>,
      %swap3A_66 = arith.index_cast %scan3A_40 : i32 to index
      %swap3A_67 = arith.constant 80 : index
      %swap3A_68 = tpu.vector_load %arg9[%swap3A_66, %swap3A_67] {strides = array<i32>} : memref<128x128xf32, #tpu.memory_space<vmem>>, vector<1x16xf32>,
      %swap3A_69 = vector.shape_cast %swap3A_68 : vector<1x16xf32> to vector<16xf32>
      %swap3A_70 = vector.shape_cast %broadcast_in_dim3A_3 : vector<16xf32> to vector<1x16xf32>
      tpu.vector_store %arg9[%swap3A_66, %swap3A_67], %swap3A_70 {strides = array<i32>} : memref<128x128xf32, #tpu.memory_space<vmem>>, vector<1x16xf32>,
      %swap3A_71 = arith.index_cast %scan3A_40 : i32 to index
      %swap3A_72 = arith.constant 96 : index
      %swap3A_73 = tpu.vector_load %arg9[%swap3A_71, %swap3A_72] {strides = array<i32>} : memref<128x128xf32, #tpu.memory_space<vmem>>, vector<1x16xf32>,
      %swap3A_74 = vector.shape_cast %swap3A_73 : vector<1x16xf32> to vector<16xf32>
      %swap3A_75 = vector.shape_cast %broadcast_in_dim3A_3 : vector<16xf32> to vector<1x16xf32>
      tpu.vector_store %arg9[%swap3A_71, %swap3A_72], %swap3A_75 {strides = array<i32>} : memref<128x128xf32, #tpu.memory_space<vmem>>, vector<1x16xf32>,
      %swap3A_76 = arith.index_cast %scan3A_40 : i32 to index
      %swap3A_77 = arith.constant 112 : index
      %swap3A_78 = tpu.vector_load %arg9[%swap3A_76, %swap3A_77] {strides = array<i32>} : memref<128x128xf32, #tpu.memory_space<vmem>>, vector<1x16xf32>,
      %swap3A_79 = vector.shape_cast %swap3A_78 : vector<1x16xf32> to vector<16xf32>
      %swap3A_80 = vector.shape_cast %broadcast_in_dim3A_3 : vector<16xf32> to vector<1x16xf32>
      tpu.vector_store %arg9[%swap3A_76, %swap3A_77], %swap3A_80 {strides = array<i32>} : memref<128x128xf32, #tpu.memory_space<vmem>>, vector<1x16xf32>,
      %scan3A_81 = arith.constant 0 : i32
      scf.yield %scan3A_81 : i32
    }
    %scan3A_9 = arith.constant 128 : i32
    %add3A_10 = arith.constant 0 : i32
    %add3A_11 = arith.addi %mul3A_2, %add3A_10 : i32
    "tpu.region"() ({
      %run_scoped3A = tpu.sem_alloc : memref<!tpu.dma_semaphore, #tpu.memory_space<semaphore_mem>>
      %dma_start3A = arith.constant 0 : i32
      %dma_start3A_40 = tpu.memref_slice %arg10[%add3A_11, %dma_start3A] : memref<10240x128xf32, #tpu.memory_space<vmem_shared>> -> memref<128x128xf32, #tpu.memory_space<vmem_shared>>
      %dma_start3A_41 = arith.constant 0 : i32
      %dma_start3A_42 = tpu.memref_slice %arg10[%add3A_11, %dma_start3A_41] : memref<10240x128xf32, #tpu.memory_space<vmem_shared>> -> memref<128x128xf32, #tpu.memory_space<vmem_shared>>
      tpu.enqueue_dma source(%arg9 : memref<128x128xf32, #tpu.memory_space<vmem>>) target(%dma_start3A_42 : memref<128x128xf32, #tpu.memory_space<vmem_shared>>) target_semaphore(%run_scoped3A : memref<!tpu.dma_semaphore, #tpu.memory_space<semaphore_mem>>)
      %dma_wait3A = arith.constant 0 : i32
      %dma_wait3A_43 = tpu.memref_slice %arg10[%add3A_11, %dma_wait3A] : memref<10240x128xf32, #tpu.memory_space<vmem_shared>> -> memref<128x128xf32, #tpu.memory_space<vmem_shared>>
      %dma_wait3A_44 = arith.constant 0 : i32
      %dma_wait3A_45 = tpu.memref_slice %arg10[%add3A_11, %dma_wait3A_44] : memref<10240x128xf32, #tpu.memory_space<vmem_shared>> -> memref<128x128xf32, #tpu.memory_space<vmem_shared>>
      tpu.wait_dma2 semaphore(%run_scoped3A : memref<!tpu.dma_semaphore, #tpu.memory_space<semaphore_mem>>) src(%arg9 : memref<128x128xf32, #tpu.memory_space<vmem>>) dst(%dma_wait3A_45 : memref<128x128xf32, #tpu.memory_space<vmem_shared>>)
      tpu.yield
    }) : () -> ()
    %add3A_12 = arith.constant 128 : i32
    %add3A_13 = arith.addi %mul3A_2, %add3A_12 : i32
    "tpu.region"() ({
      %run_scoped3A = tpu.sem_alloc : memref<!tpu.dma_semaphore, #tpu.memory_space<semaphore_mem>>
      %dma_start3A = arith.constant 0 : i32
      %dma_start3A_40 = tpu.memref_slice %arg10[%add3A_13, %dma_start3A] : memref<10240x128xf32, #tpu.memory_space<vmem_shared>> -> memref<128x128xf32, #tpu.memory_space<vmem_shared>>
      %dma_start3A_41 = arith.constant 0 : i32
      %dma_start3A_42 = tpu.memref_slice %arg10[%add3A_13, %dma_start3A_41] : memref<10240x128xf32, #tpu.memory_space<vmem_shared>> -> memref<128x128xf32, #tpu.memory_space<vmem_shared>>
      tpu.enqueue_dma source(%arg9 : memref<128x128xf32, #tpu.memory_space<vmem>>) target(%dma_start3A_42 : memref<128x128xf32, #tpu.memory_space<vmem_shared>>) target_semaphore(%run_scoped3A : memref<!tpu.dma_semaphore, #tpu.memory_space<semaphore_mem>>)
      %dma_wait3A = arith.constant 0 : i32
      %dma_wait3A_43 = tpu.memref_slice %arg10[%add3A_13, %dma_wait3A] : memref<10240x128xf32, #tpu.memory_space<vmem_shared>> -> memref<128x128xf32, #tpu.memory_space<vmem_shared>>
      %dma_wait3A_44 = arith.constant 0 : i32
      %dma_wait3A_45 = tpu.memref_slice %arg10[%add3A_13, %dma_wait3A_44] : memref<10240x128xf32, #tpu.memory_space<vmem_shared>> -> memref<128x128xf32, #tpu.memory_space<vmem_shared>>
      tpu.wait_dma2 semaphore(%run_scoped3A : memref<!tpu.dma_semaphore, #tpu.memory_space<semaphore_mem>>) src(%arg9 : memref<128x128xf32, #tpu.memory_space<vmem>>) dst(%dma_wait3A_45 : memref<128x128xf32, #tpu.memory_space<vmem_shared>>)
      tpu.yield
    }) : () -> ()
    %add3A_14 = arith.constant 256 : i32
    %add3A_15 = arith.addi %mul3A_2, %add3A_14 : i32
    "tpu.region"() ({
      %run_scoped3A = tpu.sem_alloc : memref<!tpu.dma_semaphore, #tpu.memory_space<semaphore_mem>>
      %dma_start3A = arith.constant 0 : i32
      %dma_start3A_40 = tpu.memref_slice %arg10[%add3A_15, %dma_start3A] : memref<10240x128xf32, #tpu.memory_space<vmem_shared>> -> memref<128x128xf32, #tpu.memory_space<vmem_shared>>
      %dma_start3A_41 = arith.constant 0 : i32
      %dma_start3A_42 = tpu.memref_slice %arg10[%add3A_15, %dma_start3A_41] : memref<10240x128xf32, #tpu.memory_space<vmem_shared>> -> memref<128x128xf32, #tpu.memory_space<vmem_shared>>
      tpu.enqueue_dma source(%arg9 : memref<128x128xf32, #tpu.memory_space<vmem>>) target(%dma_start3A_42 : memref<128x128xf32, #tpu.memory_space<vmem_shared>>) target_semaphore(%run_scoped3A : memref<!tpu.dma_semaphore, #tpu.memory_space<semaphore_mem>>)
      %dma_wait3A = arith.constant 0 : i32
      %dma_wait3A_43 = tpu.memref_slice %arg10[%add3A_15, %dma_wait3A] : memref<10240x128xf32, #tpu.memory_space<vmem_shared>> -> memref<128x128xf32, #tpu.memory_space<vmem_shared>>
      %dma_wait3A_44 = arith.constant 0 : i32
      %dma_wait3A_45 = tpu.memref_slice %arg10[%add3A_15, %dma_wait3A_44] : memref<10240x128xf32, #tpu.memory_space<vmem_shared>> -> memref<128x128xf32, #tpu.memory_space<vmem_shared>>
      tpu.wait_dma2 semaphore(%run_scoped3A : memref<!tpu.dma_semaphore, #tpu.memory_space<semaphore_mem>>) src(%arg9 : memref<128x128xf32, #tpu.memory_space<vmem>>) dst(%dma_wait3A_45 : memref<128x128xf32, #tpu.memory_space<vmem_shared>>)
      tpu.yield
    }) : () -> ()
    %add3A_16 = arith.constant 384 : i32
    %add3A_17 = arith.addi %mul3A_2, %add3A_16 : i32
    "tpu.region"() ({
      %run_scoped3A = tpu.sem_alloc : memref<!tpu.dma_semaphore, #tpu.memory_space<semaphore_mem>>
      %dma_start3A = arith.constant 0 : i32
      %dma_start3A_40 = tpu.memref_slice %arg10[%add3A_17, %dma_start3A] : memref<10240x128xf32, #tpu.memory_space<vmem_shared>> -> memref<128x128xf32, #tpu.memory_space<vmem_shared>>
      %dma_start3A_41 = arith.constant 0 : i32
      %dma_start3A_42 = tpu.memref_slice %arg10[%add3A_17, %dma_start3A_41] : memref<10240x128xf32, #tpu.memory_space<vmem_shared>> -> memref<128x128xf32, #tpu.memory_space<vmem_shared>>
      tpu.enqueue_dma source(%arg9 : memref<128x128xf32, #tpu.memory_space<vmem>>) target(%dma_start3A_42 : memref<128x128xf32, #tpu.memory_space<vmem_shared>>) target_semaphore(%run_scoped3A : memref<!tpu.dma_semaphore, #tpu.memory_space<semaphore_mem>>)
      %dma_wait3A = arith.constant 0 : i32
      %dma_wait3A_43 = tpu.memref_slice %arg10[%add3A_17, %dma_wait3A] : memref<10240x128xf32, #tpu.memory_space<vmem_shared>> -> memref<128x128xf32, #tpu.memory_space<vmem_shared>>
      %dma_wait3A_44 = arith.constant 0 : i32
      %dma_wait3A_45 = tpu.memref_slice %arg10[%add3A_17, %dma_wait3A_44] : memref<10240x128xf32, #tpu.memory_space<vmem_shared>> -> memref<128x128xf32, #tpu.memory_space<vmem_shared>>
      tpu.wait_dma2 semaphore(%run_scoped3A : memref<!tpu.dma_semaphore, #tpu.memory_space<semaphore_mem>>) src(%arg9 : memref<128x128xf32, #tpu.memory_space<vmem>>) dst(%dma_wait3A_45 : memref<128x128xf32, #tpu.memory_space<vmem_shared>>)
      tpu.yield
    }) : () -> ()
    %add3A_18 = arith.constant 512 : i32
    %add3A_19 = arith.addi %mul3A_2, %add3A_18 : i32
    "tpu.region"() ({
      %run_scoped3A = tpu.sem_alloc : memref<!tpu.dma_semaphore, #tpu.memory_space<semaphore_mem>>
      %dma_start3A = arith.constant 0 : i32
      %dma_start3A_40 = tpu.memref_slice %arg10[%add3A_19, %dma_start3A] : memref<10240x128xf32, #tpu.memory_space<vmem_shared>> -> memref<128x128xf32, #tpu.memory_space<vmem_shared>>
      %dma_start3A_41 = arith.constant 0 : i32
      %dma_start3A_42 = tpu.memref_slice %arg10[%add3A_19, %dma_start3A_41] : memref<10240x128xf32, #tpu.memory_space<vmem_shared>> -> memref<128x128xf32, #tpu.memory_space<vmem_shared>>
      tpu.enqueue_dma source(%arg9 : memref<128x128xf32, #tpu.memory_space<vmem>>) target(%dma_start3A_42 : memref<128x128xf32, #tpu.memory_space<vmem_shared>>) target_semaphore(%run_scoped3A : memref<!tpu.dma_semaphore, #tpu.memory_space<semaphore_mem>>)
      %dma_wait3A = arith.constant 0 : i32
      %dma_wait3A_43 = tpu.memref_slice %arg10[%add3A_19, %dma_wait3A] : memref<10240x128xf32, #tpu.memory_space<vmem_shared>> -> memref<128x128xf32, #tpu.memory_space<vmem_shared>>
      %dma_wait3A_44 = arith.constant 0 : i32
      %dma_wait3A_45 = tpu.memref_slice %arg10[%add3A_19, %dma_wait3A_44] : memref<10240x128xf32, #tpu.memory_space<vmem_shared>> -> memref<128x128xf32, #tpu.memory_space<vmem_shared>>
      tpu.wait_dma2 semaphore(%run_scoped3A : memref<!tpu.dma_semaphore, #tpu.memory_space<semaphore_mem>>) src(%arg9 : memref<128x128xf32, #tpu.memory_space<vmem>>) dst(%dma_wait3A_45 : memref<128x128xf32, #tpu.memory_space<vmem_shared>>)
      tpu.yield
    }) : () -> ()
    %barrier3A = arith.constant 0 : index
    tpu.barrier barrier_id(%barrier3A)
    %mul3A_20 = arith.constant 10000 : i32
    %mul3A_21 = arith.muli %add3A, %mul3A_20 : i32
    "tpu.region"() ({
      %run_scoped3A = tpu.sem_alloc : memref<!tpu.dma_semaphore, #tpu.memory_space<semaphore_mem>>
      %dma_start3A = tpu.memref_slice %arg3[%mul3A_21] : memref<320000xi32, #tpu.memory_space<hbm>> -> memref<10000xi32, #tpu.memory_space<hbm>>
      %dma_start3A_40 = tpu.memref_slice %arg3[%mul3A_21] : memref<320000xi32, #tpu.memory_space<hbm>> -> memref<10000xi32, #tpu.memory_space<hbm>>
      tpu.enqueue_dma source(%dma_start3A_40 : memref<10000xi32, #tpu.memory_space<hbm>>) target(%arg6 : memref<10000xi32, #tpu.memory_space<vmem>>) target_semaphore(%run_scoped3A : memref<!tpu.dma_semaphore, #tpu.memory_space<semaphore_mem>>)
      %dma_wait3A = tpu.memref_slice %arg3[%mul3A_21] : memref<320000xi32, #tpu.memory_space<hbm>> -> memref<10000xi32, #tpu.memory_space<hbm>>
      %dma_wait3A_41 = tpu.memref_slice %arg3[%mul3A_21] : memref<320000xi32, #tpu.memory_space<hbm>> -> memref<10000xi32, #tpu.memory_space<hbm>>
      tpu.wait_dma2 semaphore(%run_scoped3A : memref<!tpu.dma_semaphore, #tpu.memory_space<semaphore_mem>>) src(%dma_wait3A_41 : memref<10000xi32, #tpu.memory_space<hbm>>) dst(%arg6 : memref<10000xi32, #tpu.memory_space<vmem>>)
      tpu.yield
    }) : () -> ()
    %scan3A_22 = arith.constant 0 : i32
    %scan3A_23 = arith.constant 0 : i32
    %scan3A_24 = arith.constant 125 : i32
    %scan3A_25 = arith.addi %scan3A_23, %scan3A_24 : i32
    %scan3A_26 = arith.constant 1 : i32
    %scan3A_27 = scf.for %scan3A_40 = %scan3A_23 to %scan3A_25 step %scan3A_26 iter_args(%scan3A_41 = %scan3A_22) -> (i32)  : i32 {
      %mul3A_42 = arith.constant 80 : i32
      %mul3A_43 = arith.muli %scan3A_40, %mul3A_42 : i32
      %add3A_44 = arith.addi %mul3A_21, %mul3A_43 : i32
      "tpu.region"() ({
        %run_scoped3A = tpu.sem_alloc : memref<!tpu.dma_semaphore, #tpu.memory_space<semaphore_mem>>
        %dma_start3A_54 = tpu.memref_slice %arg4[%add3A_44] : memref<320000xi32, #tpu.memory_space<hbm>> -> memref<80xi32, #tpu.memory_space<hbm>>
        %dma_start3A_55 = tpu.memref_slice %arg4[%add3A_44] : memref<320000xi32, #tpu.memory_space<hbm>> -> memref<80xi32, #tpu.memory_space<hbm>>
        tpu.enqueue_dma source(%dma_start3A_55 : memref<80xi32, #tpu.memory_space<hbm>>) target(%arg7 : memref<80xi32, #tpu.memory_space<vmem>>) target_semaphore(%run_scoped3A : memref<!tpu.dma_semaphore, #tpu.memory_space<semaphore_mem>>)
        %dma_wait3A_56 = tpu.memref_slice %arg4[%add3A_44] : memref<320000xi32, #tpu.memory_space<hbm>> -> memref<80xi32, #tpu.memory_space<hbm>>
        %dma_wait3A_57 = tpu.memref_slice %arg4[%add3A_44] : memref<320000xi32, #tpu.memory_space<hbm>> -> memref<80xi32, #tpu.memory_space<hbm>>
        tpu.wait_dma2 semaphore(%run_scoped3A : memref<!tpu.dma_semaphore, #tpu.memory_space<semaphore_mem>>) src(%dma_wait3A_57 : memref<80xi32, #tpu.memory_space<hbm>>) dst(%arg7 : memref<80xi32, #tpu.memory_space<vmem>>)
        tpu.yield
      }) : () -> ()
      %mul3A_45 = arith.constant 80 : i32
      %mul3A_46 = arith.muli %scan3A_40, %mul3A_45 : i32
      %dma_start3A = tpu.memref_slice %arg6[%mul3A_46] : memref<10000xi32, #tpu.memory_space<vmem>> -> memref<80xi32, #tpu.memory_space<vmem>>
      %dma_start3A_47 = arith.constant 0 : i32
      %dma_start3A_48 = arith.constant 0 : i32
      %dma_start3A_49 = tpu.memref_slice %arg2[%dma_start3A_47, %dma_start3A_48] : memref<10000x128xf32, #tpu.memory_space<hbm>> -> memref<10000x128xf32, #tpu.memory_space<hbm>>
      tpu.enqueue_indirect_dma source(%dma_start3A_49 : memref<10000x128xf32, #tpu.memory_space<hbm>>) target(%arg8 : memref<80x128xf32, #tpu.memory_space<vmem>>) offsets(%dma_start3A : memref<80xi32, #tpu.memory_space<vmem>>) semaphore(%arg11 : memref<!tpu.dma_semaphore, #tpu.memory_space<semaphore_mem>>)
      %dma_wait3A = tpu.memref_slice %arg6[%mul3A_46] : memref<10000xi32, #tpu.memory_space<vmem>> -> memref<80xi32, #tpu.memory_space<vmem>>
      %dma_wait3A_50 = arith.constant 0 : i32
      %dma_wait3A_51 = arith.constant 0 : i32
      %dma_wait3A_52 = tpu.memref_slice %arg2[%dma_wait3A_50, %dma_wait3A_51] : memref<10000x128xf32, #tpu.memory_space<hbm>> -> memref<10000x128xf32, #tpu.memory_space<hbm>>
      tpu.wait_indirect_dma semaphore(%arg11 : memref<!tpu.dma_semaphore, #tpu.memory_space<semaphore_mem>>) src(%dma_wait3A_52 : memref<10000x128xf32, #tpu.memory_space<hbm>>) dst(%arg8 : memref<80x128xf32, #tpu.memory_space<vmem>>)
      "tpu.region"() ({
        %run_scoped3A = tpu.sem_alloc : memref<!tpu.dma_semaphore, #tpu.memory_space<semaphore_mem>>
        %dma_start3A_54 = arith.constant 0 : i32
        %dma_start3A_55 = arith.constant 0 : i32
        %dma_start3A_56 = tpu.memref_slice %arg10[%dma_start3A_54, %dma_start3A_55] : memref<10240x128xf32, #tpu.memory_space<vmem_shared>> -> memref<10240x128xf32, #tpu.memory_space<vmem_shared>>
        tpu.enqueue_indirect_dma source(%arg8 : memref<80x128xf32, #tpu.memory_space<vmem>>) target(%dma_start3A_56 : memref<10240x128xf32, #tpu.memory_space<vmem_shared>>) offsets(%arg7 : memref<80xi32, #tpu.memory_space<vmem>>) semaphore(%run_scoped3A : memref<!tpu.dma_semaphore, #tpu.memory_space<semaphore_mem>>) {add = true}
        %dma_wait3A_57 = arith.constant 0 : i32
        %dma_wait3A_58 = arith.constant 0 : i32
        %dma_wait3A_59 = tpu.memref_slice %arg10[%dma_wait3A_57, %dma_wait3A_58] : memref<10240x128xf32, #tpu.memory_space<vmem_shared>> -> memref<10240x128xf32, #tpu.memory_space<vmem_shared>>
        tpu.wait_indirect_dma semaphore(%run_scoped3A : memref<!tpu.dma_semaphore, #tpu.memory_space<semaphore_mem>>) src(%arg8 : memref<80x128xf32, #tpu.memory_space<vmem>>) dst(%dma_wait3A_59 : memref<10240x128xf32, #tpu.memory_space<vmem_shared>>)
        tpu.yield
      }) : () -> ()
      %scan3A_53 = arith.constant 0 : i32
      scf.yield %scan3A_53 : i32
    }
    %scan3A_28 = arith.constant 125 : i32
    %barrier3A_29 = arith.constant 0 : index
    tpu.barrier barrier_id(%barrier3A_29)
    %add3A_30 = arith.constant 0 : i32
    %add3A_31 = arith.addi %mul3A_2, %add3A_30 : i32
    "tpu.region"() ({
      %run_scoped3A = tpu.sem_alloc : memref<!tpu.dma_semaphore, #tpu.memory_space<semaphore_mem>>
      %dma_start3A = arith.constant 0 : i32
      %dma_start3A_40 = tpu.memref_slice %arg10[%add3A_31, %dma_start3A] : memref<10240x128xf32, #tpu.memory_space<vmem_shared>> -> memref<128x128xf32, #tpu.memory_space<vmem_shared>>
      %dma_start3A_41 = arith.constant 0 : i32
      %dma_start3A_42 = tpu.memref_slice %arg10[%add3A_31, %dma_start3A_41] : memref<10240x128xf32, #tpu.memory_space<vmem_shared>> -> memref<128x128xf32, #tpu.memory_space<vmem_shared>>
      tpu.enqueue_dma source(%dma_start3A_42 : memref<128x128xf32, #tpu.memory_space<vmem_shared>>) target(%arg9 : memref<128x128xf32, #tpu.memory_space<vmem>>) target_semaphore(%run_scoped3A : memref<!tpu.dma_semaphore, #tpu.memory_space<semaphore_mem>>)
      %dma_wait3A = arith.constant 0 : i32
      %dma_wait3A_43 = tpu.memref_slice %arg10[%add3A_31, %dma_wait3A] : memref<10240x128xf32, #tpu.memory_space<vmem_shared>> -> memref<128x128xf32, #tpu.memory_space<vmem_shared>>
      %dma_wait3A_44 = arith.constant 0 : i32
      %dma_wait3A_45 = tpu.memref_slice %arg10[%add3A_31, %dma_wait3A_44] : memref<10240x128xf32, #tpu.memory_space<vmem_shared>> -> memref<128x128xf32, #tpu.memory_space<vmem_shared>>
      tpu.wait_dma2 semaphore(%run_scoped3A : memref<!tpu.dma_semaphore, #tpu.memory_space<semaphore_mem>>) src(%dma_wait3A_45 : memref<128x128xf32, #tpu.memory_space<vmem_shared>>) dst(%arg9 : memref<128x128xf32, #tpu.memory_space<vmem>>)
      tpu.yield
    }) : () -> ()
    "tpu.region"() ({
      %run_scoped3A = tpu.sem_alloc : memref<!tpu.dma_semaphore, #tpu.memory_space<semaphore_mem>>
      %dma_start3A = arith.constant 0 : i32
      %dma_start3A_40 = tpu.memref_slice %arg5[%arg0, %add3A_31, %dma_start3A] : memref<2x10240x128xf32, #tpu.memory_space<hbm>> -> memref<1x128x128xf32, #tpu.memory_space<hbm>>
      %dma_start3A_41 = tpu.memref_squeeze %dma_start3A_40 : memref<1x128x128xf32, #tpu.memory_space<hbm>> -> memref<128x128xf32, #tpu.memory_space<hbm>>
      %dma_start3A_42 = arith.constant 0 : i32
      %dma_start3A_43 = tpu.memref_slice %arg5[%arg0, %add3A_31, %dma_start3A_42] : memref<2x10240x128xf32, #tpu.memory_space<hbm>> -> memref<1x128x128xf32, #tpu.memory_space<hbm>>
      %dma_start3A_44 = tpu.memref_squeeze %dma_start3A_43 : memref<1x128x128xf32, #tpu.memory_space<hbm>> -> memref<128x128xf32, #tpu.memory_space<hbm>>
      tpu.enqueue_dma source(%arg9 : memref<128x128xf32, #tpu.memory_space<vmem>>) target(%dma_start3A_44 : memref<128x128xf32, #tpu.memory_space<hbm>>) target_semaphore(%run_scoped3A : memref<!tpu.dma_semaphore, #tpu.memory_space<semaphore_mem>>)
      %dma_wait3A = arith.constant 0 : i32
      %dma_wait3A_45 = tpu.memref_slice %arg5[%arg0, %add3A_31, %dma_wait3A] : memref<2x10240x128xf32, #tpu.memory_space<hbm>> -> memref<1x128x128xf32, #tpu.memory_space<hbm>>
      %dma_wait3A_46 = tpu.memref_squeeze %dma_wait3A_45 : memref<1x128x128xf32, #tpu.memory_space<hbm>> -> memref<128x128xf32, #tpu.memory_space<hbm>>
      %dma_wait3A_47 = arith.constant 0 : i32
      %dma_wait3A_48 = tpu.memref_slice %arg5[%arg0, %add3A_31, %dma_wait3A_47] : memref<2x10240x128xf32, #tpu.memory_space<hbm>> -> memref<1x128x128xf32, #tpu.memory_space<hbm>>
      %dma_wait3A_49 = tpu.memref_squeeze %dma_wait3A_48 : memref<1x128x128xf32, #tpu.memory_space<hbm>> -> memref<128x128xf32, #tpu.memory_space<hbm>>
      tpu.wait_dma2 semaphore(%run_scoped3A : memref<!tpu.dma_semaphore, #tpu.memory_space<semaphore_mem>>) src(%arg9 : memref<128x128xf32, #tpu.memory_space<vmem>>) dst(%dma_wait3A_49 : memref<128x128xf32, #tpu.memory_space<hbm>>)
      tpu.yield
    }) : () -> ()
    %add3A_32 = arith.constant 128 : i32
    %add3A_33 = arith.addi %mul3A_2, %add3A_32 : i32
    "tpu.region"() ({
      %run_scoped3A = tpu.sem_alloc : memref<!tpu.dma_semaphore, #tpu.memory_space<semaphore_mem>>
      %dma_start3A = arith.constant 0 : i32
      %dma_start3A_40 = tpu.memref_slice %arg10[%add3A_33, %dma_start3A] : memref<10240x128xf32, #tpu.memory_space<vmem_shared>> -> memref<128x128xf32, #tpu.memory_space<vmem_shared>>
      %dma_start3A_41 = arith.constant 0 : i32
      %dma_start3A_42 = tpu.memref_slice %arg10[%add3A_33, %dma_start3A_41] : memref<10240x128xf32, #tpu.memory_space<vmem_shared>> -> memref<128x128xf32, #tpu.memory_space<vmem_shared>>
      tpu.enqueue_dma source(%dma_start3A_42 : memref<128x128xf32, #tpu.memory_space<vmem_shared>>) target(%arg9 : memref<128x128xf32, #tpu.memory_space<vmem>>) target_semaphore(%run_scoped3A : memref<!tpu.dma_semaphore, #tpu.memory_space<semaphore_mem>>)
      %dma_wait3A = arith.constant 0 : i32
      %dma_wait3A_43 = tpu.memref_slice %arg10[%add3A_33, %dma_wait3A] : memref<10240x128xf32, #tpu.memory_space<vmem_shared>> -> memref<128x128xf32, #tpu.memory_space<vmem_shared>>
      %dma_wait3A_44 = arith.constant 0 : i32
      %dma_wait3A_45 = tpu.memref_slice %arg10[%add3A_33, %dma_wait3A_44] : memref<10240x128xf32, #tpu.memory_space<vmem_shared>> -> memref<128x128xf32, #tpu.memory_space<vmem_shared>>
      tpu.wait_dma2 semaphore(%run_scoped3A : memref<!tpu.dma_semaphore, #tpu.memory_space<semaphore_mem>>) src(%dma_wait3A_45 : memref<128x128xf32, #tpu.memory_space<vmem_shared>>) dst(%arg9 : memref<128x128xf32, #tpu.memory_space<vmem>>)
      tpu.yield
    }) : () -> ()
    "tpu.region"() ({
      %run_scoped3A = tpu.sem_alloc : memref<!tpu.dma_semaphore, #tpu.memory_space<semaphore_mem>>
      %dma_start3A = arith.constant 0 : i32
      %dma_start3A_40 = tpu.memref_slice %arg5[%arg0, %add3A_33, %dma_start3A] : memref<2x10240x128xf32, #tpu.memory_space<hbm>> -> memref<1x128x128xf32, #tpu.memory_space<hbm>>
      %dma_start3A_41 = tpu.memref_squeeze %dma_start3A_40 : memref<1x128x128xf32, #tpu.memory_space<hbm>> -> memref<128x128xf32, #tpu.memory_space<hbm>>
      %dma_start3A_42 = arith.constant 0 : i32
      %dma_start3A_43 = tpu.memref_slice %arg5[%arg0, %add3A_33, %dma_start3A_42] : memref<2x10240x128xf32, #tpu.memory_space<hbm>> -> memref<1x128x128xf32, #tpu.memory_space<hbm>>
      %dma_start3A_44 = tpu.memref_squeeze %dma_start3A_43 : memref<1x128x128xf32, #tpu.memory_space<hbm>> -> memref<128x128xf32, #tpu.memory_space<hbm>>
      tpu.enqueue_dma source(%arg9 : memref<128x128xf32, #tpu.memory_space<vmem>>) target(%dma_start3A_44 : memref<128x128xf32, #tpu.memory_space<hbm>>) target_semaphore(%run_scoped3A : memref<!tpu.dma_semaphore, #tpu.memory_space<semaphore_mem>>)
      %dma_wait3A = arith.constant 0 : i32
      %dma_wait3A_45 = tpu.memref_slice %arg5[%arg0, %add3A_33, %dma_wait3A] : memref<2x10240x128xf32, #tpu.memory_space<hbm>> -> memref<1x128x128xf32, #tpu.memory_space<hbm>>
      %dma_wait3A_46 = tpu.memref_squeeze %dma_wait3A_45 : memref<1x128x128xf32, #tpu.memory_space<hbm>> -> memref<128x128xf32, #tpu.memory_space<hbm>>
      %dma_wait3A_47 = arith.constant 0 : i32
      %dma_wait3A_48 = tpu.memref_slice %arg5[%arg0, %add3A_33, %dma_wait3A_47] : memref<2x10240x128xf32, #tpu.memory_space<hbm>> -> memref<1x128x128xf32, #tpu.memory_space<hbm>>
      %dma_wait3A_49 = tpu.memref_squeeze %dma_wait3A_48 : memref<1x128x128xf32, #tpu.memory_space<hbm>> -> memref<128x128xf32, #tpu.memory_space<hbm>>
      tpu.wait_dma2 semaphore(%run_scoped3A : memref<!tpu.dma_semaphore, #tpu.memory_space<semaphore_mem>>) src(%arg9 : memref<128x128xf32, #tpu.memory_space<vmem>>) dst(%dma_wait3A_49 : memref<128x128xf32, #tpu.memory_space<hbm>>)
      tpu.yield
    }) : () -> ()
    %add3A_34 = arith.constant 256 : i32
    %add3A_35 = arith.addi %mul3A_2, %add3A_34 : i32
    "tpu.region"() ({
      %run_scoped3A = tpu.sem_alloc : memref<!tpu.dma_semaphore, #tpu.memory_space<semaphore_mem>>
      %dma_start3A = arith.constant 0 : i32
      %dma_start3A_40 = tpu.memref_slice %arg10[%add3A_35, %dma_start3A] : memref<10240x128xf32, #tpu.memory_space<vmem_shared>> -> memref<128x128xf32, #tpu.memory_space<vmem_shared>>
      %dma_start3A_41 = arith.constant 0 : i32
      %dma_start3A_42 = tpu.memref_slice %arg10[%add3A_35, %dma_start3A_41] : memref<10240x128xf32, #tpu.memory_space<vmem_shared>> -> memref<128x128xf32, #tpu.memory_space<vmem_shared>>
      tpu.enqueue_dma source(%dma_start3A_42 : memref<128x128xf32, #tpu.memory_space<vmem_shared>>) target(%arg9 : memref<128x128xf32, #tpu.memory_space<vmem>>) target_semaphore(%run_scoped3A : memref<!tpu.dma_semaphore, #tpu.memory_space<semaphore_mem>>)
      %dma_wait3A = arith.constant 0 : i32
      %dma_wait3A_43 = tpu.memref_slice %arg10[%add3A_35, %dma_wait3A] : memref<10240x128xf32, #tpu.memory_space<vmem_shared>> -> memref<128x128xf32, #tpu.memory_space<vmem_shared>>
      %dma_wait3A_44 = arith.constant 0 : i32
      %dma_wait3A_45 = tpu.memref_slice %arg10[%add3A_35, %dma_wait3A_44] : memref<10240x128xf32, #tpu.memory_space<vmem_shared>> -> memref<128x128xf32, #tpu.memory_space<vmem_shared>>
      tpu.wait_dma2 semaphore(%run_scoped3A : memref<!tpu.dma_semaphore, #tpu.memory_space<semaphore_mem>>) src(%dma_wait3A_45 : memref<128x128xf32, #tpu.memory_space<vmem_shared>>) dst(%arg9 : memref<128x128xf32, #tpu.memory_space<vmem>>)
      tpu.yield
    }) : () -> ()
    "tpu.region"() ({
      %run_scoped3A = tpu.sem_alloc : memref<!tpu.dma_semaphore, #tpu.memory_space<semaphore_mem>>
      %dma_start3A = arith.constant 0 : i32
      %dma_start3A_40 = tpu.memref_slice %arg5[%arg0, %add3A_35, %dma_start3A] : memref<2x10240x128xf32, #tpu.memory_space<hbm>> -> memref<1x128x128xf32, #tpu.memory_space<hbm>>
      %dma_start3A_41 = tpu.memref_squeeze %dma_start3A_40 : memref<1x128x128xf32, #tpu.memory_space<hbm>> -> memref<128x128xf32, #tpu.memory_space<hbm>>
      %dma_start3A_42 = arith.constant 0 : i32
      %dma_start3A_43 = tpu.memref_slice %arg5[%arg0, %add3A_35, %dma_start3A_42] : memref<2x10240x128xf32, #tpu.memory_space<hbm>> -> memref<1x128x128xf32, #tpu.memory_space<hbm>>
      %dma_start3A_44 = tpu.memref_squeeze %dma_start3A_43 : memref<1x128x128xf32, #tpu.memory_space<hbm>> -> memref<128x128xf32, #tpu.memory_space<hbm>>
      tpu.enqueue_dma source(%arg9 : memref<128x128xf32, #tpu.memory_space<vmem>>) target(%dma_start3A_44 : memref<128x128xf32, #tpu.memory_space<hbm>>) target_semaphore(%run_scoped3A : memref<!tpu.dma_semaphore, #tpu.memory_space<semaphore_mem>>)
      %dma_wait3A = arith.constant 0 : i32
      %dma_wait3A_45 = tpu.memref_slice %arg5[%arg0, %add3A_35, %dma_wait3A] : memref<2x10240x128xf32, #tpu.memory_space<hbm>> -> memref<1x128x128xf32, #tpu.memory_space<hbm>>
      %dma_wait3A_46 = tpu.memref_squeeze %dma_wait3A_45 : memref<1x128x128xf32, #tpu.memory_space<hbm>> -> memref<128x128xf32, #tpu.memory_space<hbm>>
      %dma_wait3A_47 = arith.constant 0 : i32
      %dma_wait3A_48 = tpu.memref_slice %arg5[%arg0, %add3A_35, %dma_wait3A_47] : memref<2x10240x128xf32, #tpu.memory_space<hbm>> -> memref<1x128x128xf32, #tpu.memory_space<hbm>>
      %dma_wait3A_49 = tpu.memref_squeeze %dma_wait3A_48 : memref<1x128x128xf32, #tpu.memory_space<hbm>> -> memref<128x128xf32, #tpu.memory_space<hbm>>
      tpu.wait_dma2 semaphore(%run_scoped3A : memref<!tpu.dma_semaphore, #tpu.memory_space<semaphore_mem>>) src(%arg9 : memref<128x128xf32, #tpu.memory_space<vmem>>) dst(%dma_wait3A_49 : memref<128x128xf32, #tpu.memory_space<hbm>>)
      tpu.yield
    }) : () -> ()
    %add3A_36 = arith.constant 384 : i32
    %add3A_37 = arith.addi %mul3A_2, %add3A_36 : i32
    "tpu.region"() ({
      %run_scoped3A = tpu.sem_alloc : memref<!tpu.dma_semaphore, #tpu.memory_space<semaphore_mem>>
      %dma_start3A = arith.constant 0 : i32
      %dma_start3A_40 = tpu.memref_slice %arg10[%add3A_37, %dma_start3A] : memref<10240x128xf32, #tpu.memory_space<vmem_shared>> -> memref<128x128xf32, #tpu.memory_space<vmem_shared>>
      %dma_start3A_41 = arith.constant 0 : i32
      %dma_start3A_42 = tpu.memref_slice %arg10[%add3A_37, %dma_start3A_41] : memref<10240x128xf32, #tpu.memory_space<vmem_shared>> -> memref<128x128xf32, #tpu.memory_space<vmem_shared>>
      tpu.enqueue_dma source(%dma_start3A_42 : memref<128x128xf32, #tpu.memory_space<vmem_shared>>) target(%arg9 : memref<128x128xf32, #tpu.memory_space<vmem>>) target_semaphore(%run_scoped3A : memref<!tpu.dma_semaphore, #tpu.memory_space<semaphore_mem>>)
      %dma_wait3A = arith.constant 0 : i32
      %dma_wait3A_43 = tpu.memref_slice %arg10[%add3A_37, %dma_wait3A] : memref<10240x128xf32, #tpu.memory_space<vmem_shared>> -> memref<128x128xf32, #tpu.memory_space<vmem_shared>>
      %dma_wait3A_44 = arith.constant 0 : i32
      %dma_wait3A_45 = tpu.memref_slice %arg10[%add3A_37, %dma_wait3A_44] : memref<10240x128xf32, #tpu.memory_space<vmem_shared>> -> memref<128x128xf32, #tpu.memory_space<vmem_shared>>
      tpu.wait_dma2 semaphore(%run_scoped3A : memref<!tpu.dma_semaphore, #tpu.memory_space<semaphore_mem>>) src(%dma_wait3A_45 : memref<128x128xf32, #tpu.memory_space<vmem_shared>>) dst(%arg9 : memref<128x128xf32, #tpu.memory_space<vmem>>)
      tpu.yield
    }) : () -> ()
    "tpu.region"() ({
      %run_scoped3A = tpu.sem_alloc : memref<!tpu.dma_semaphore, #tpu.memory_space<semaphore_mem>>
      %dma_start3A = arith.constant 0 : i32
      %dma_start3A_40 = tpu.memref_slice %arg5[%arg0, %add3A_37, %dma_start3A] : memref<2x10240x128xf32, #tpu.memory_space<hbm>> -> memref<1x128x128xf32, #tpu.memory_space<hbm>>
      %dma_start3A_41 = tpu.memref_squeeze %dma_start3A_40 : memref<1x128x128xf32, #tpu.memory_space<hbm>> -> memref<128x128xf32, #tpu.memory_space<hbm>>
      %dma_start3A_42 = arith.constant 0 : i32
      %dma_start3A_43 = tpu.memref_slice %arg5[%arg0, %add3A_37, %dma_start3A_42] : memref<2x10240x128xf32, #tpu.memory_space<hbm>> -> memref<1x128x128xf32, #tpu.memory_space<hbm>>
      %dma_start3A_44 = tpu.memref_squeeze %dma_start3A_43 : memref<1x128x128xf32, #tpu.memory_space<hbm>> -> memref<128x128xf32, #tpu.memory_space<hbm>>
      tpu.enqueue_dma source(%arg9 : memref<128x128xf32, #tpu.memory_space<vmem>>) target(%dma_start3A_44 : memref<128x128xf32, #tpu.memory_space<hbm>>) target_semaphore(%run_scoped3A : memref<!tpu.dma_semaphore, #tpu.memory_space<semaphore_mem>>)
      %dma_wait3A = arith.constant 0 : i32
      %dma_wait3A_45 = tpu.memref_slice %arg5[%arg0, %add3A_37, %dma_wait3A] : memref<2x10240x128xf32, #tpu.memory_space<hbm>> -> memref<1x128x128xf32, #tpu.memory_space<hbm>>
      %dma_wait3A_46 = tpu.memref_squeeze %dma_wait3A_45 : memref<1x128x128xf32, #tpu.memory_space<hbm>> -> memref<128x128xf32, #tpu.memory_space<hbm>>
      %dma_wait3A_47 = arith.constant 0 : i32
      %dma_wait3A_48 = tpu.memref_slice %arg5[%arg0, %add3A_37, %dma_wait3A_47] : memref<2x10240x128xf32, #tpu.memory_space<hbm>> -> memref<1x128x128xf32, #tpu.memory_space<hbm>>
      %dma_wait3A_49 = tpu.memref_squeeze %dma_wait3A_48 : memref<1x128x128xf32, #tpu.memory_space<hbm>> -> memref<128x128xf32, #tpu.memory_space<hbm>>
      tpu.wait_dma2 semaphore(%run_scoped3A : memref<!tpu.dma_semaphore, #tpu.memory_space<semaphore_mem>>) src(%arg9 : memref<128x128xf32, #tpu.memory_space<vmem>>) dst(%dma_wait3A_49 : memref<128x128xf32, #tpu.memory_space<hbm>>)
      tpu.yield
    }) : () -> ()
    %add3A_38 = arith.constant 512 : i32
    %add3A_39 = arith.addi %mul3A_2, %add3A_38 : i32
    "tpu.region"() ({
      %run_scoped3A = tpu.sem_alloc : memref<!tpu.dma_semaphore, #tpu.memory_space<semaphore_mem>>
      %dma_start3A = arith.constant 0 : i32
      %dma_start3A_40 = tpu.memref_slice %arg10[%add3A_39, %dma_start3A] : memref<10240x128xf32, #tpu.memory_space<vmem_shared>> -> memref<128x128xf32, #tpu.memory_space<vmem_shared>>
      %dma_start3A_41 = arith.constant 0 : i32
      %dma_start3A_42 = tpu.memref_slice %arg10[%add3A_39, %dma_start3A_41] : memref<10240x128xf32, #tpu.memory_space<vmem_shared>> -> memref<128x128xf32, #tpu.memory_space<vmem_shared>>
      tpu.enqueue_dma source(%dma_start3A_42 : memref<128x128xf32, #tpu.memory_space<vmem_shared>>) target(%arg9 : memref<128x128xf32, #tpu.memory_space<vmem>>) target_semaphore(%run_scoped3A : memref<!tpu.dma_semaphore, #tpu.memory_space<semaphore_mem>>)
      %dma_wait3A = arith.constant 0 : i32
      %dma_wait3A_43 = tpu.memref_slice %arg10[%add3A_39, %dma_wait3A] : memref<10240x128xf32, #tpu.memory_space<vmem_shared>> -> memref<128x128xf32, #tpu.memory_space<vmem_shared>>
      %dma_wait3A_44 = arith.constant 0 : i32
      %dma_wait3A_45 = tpu.memref_slice %arg10[%add3A_39, %dma_wait3A_44] : memref<10240x128xf32, #tpu.memory_space<vmem_shared>> -> memref<128x128xf32, #tpu.memory_space<vmem_shared>>
      tpu.wait_dma2 semaphore(%run_scoped3A : memref<!tpu.dma_semaphore, #tpu.memory_space<semaphore_mem>>) src(%dma_wait3A_45 : memref<128x128xf32, #tpu.memory_space<vmem_shared>>) dst(%arg9 : memref<128x128xf32, #tpu.memory_space<vmem>>)
      tpu.yield
    }) : () -> ()
    "tpu.region"() ({
      %run_scoped3A = tpu.sem_alloc : memref<!tpu.dma_semaphore, #tpu.memory_space<semaphore_mem>>
      %dma_start3A = arith.constant 0 : i32
      %dma_start3A_40 = tpu.memref_slice %arg5[%arg0, %add3A_39, %dma_start3A] : memref<2x10240x128xf32, #tpu.memory_space<hbm>> -> memref<1x128x128xf32, #tpu.memory_space<hbm>>
      %dma_start3A_41 = tpu.memref_squeeze %dma_start3A_40 : memref<1x128x128xf32, #tpu.memory_space<hbm>> -> memref<128x128xf32, #tpu.memory_space<hbm>>
      %dma_start3A_42 = arith.constant 0 : i32
      %dma_start3A_43 = tpu.memref_slice %arg5[%arg0, %add3A_39, %dma_start3A_42] : memref<2x10240x128xf32, #tpu.memory_space<hbm>> -> memref<1x128x128xf32, #tpu.memory_space<hbm>>
      %dma_start3A_44 = tpu.memref_squeeze %dma_start3A_43 : memref<1x128x128xf32, #tpu.memory_space<hbm>> -> memref<128x128xf32, #tpu.memory_space<hbm>>
      tpu.enqueue_dma source(%arg9 : memref<128x128xf32, #tpu.memory_space<vmem>>) target(%dma_start3A_44 : memref<128x128xf32, #tpu.memory_space<hbm>>) target_semaphore(%run_scoped3A : memref<!tpu.dma_semaphore, #tpu.memory_space<semaphore_mem>>)
      %dma_wait3A = arith.constant 0 : i32
      %dma_wait3A_45 = tpu.memref_slice %arg5[%arg0, %add3A_39, %dma_wait3A] : memref<2x10240x128xf32, #tpu.memory_space<hbm>> -> memref<1x128x128xf32, #tpu.memory_space<hbm>>
      %dma_wait3A_46 = tpu.memref_squeeze %dma_wait3A_45 : memref<1x128x128xf32, #tpu.memory_space<hbm>> -> memref<128x128xf32, #tpu.memory_space<hbm>>
      %dma_wait3A_47 = arith.constant 0 : i32
      %dma_wait3A_48 = tpu.memref_slice %arg5[%arg0, %add3A_39, %dma_wait3A_47] : memref<2x10240x128xf32, #tpu.memory_space<hbm>> -> memref<1x128x128xf32, #tpu.memory_space<hbm>>
      %dma_wait3A_49 = tpu.memref_squeeze %dma_wait3A_48 : memref<1x128x128xf32, #tpu.memory_space<hbm>> -> memref<128x128xf32, #tpu.memory_space<hbm>>
      tpu.wait_dma2 semaphore(%run_scoped3A : memref<!tpu.dma_semaphore, #tpu.memory_space<semaphore_mem>>) src(%arg9 : memref<128x128xf32, #tpu.memory_space<vmem>>) dst(%dma_wait3A_49 : memref<128x128xf32, #tpu.memory_space<hbm>>)
      tpu.yield
    }) : () -> ()
    return
  }
}

#map = affine_map<(d0, d1) -> (0, 0)>
#map1 = affine_map<(d0, d1) -> (0)>
#map2 = affine_map<(d0, d1) -> (0, 0, 0)>
module attributes {stable_mosaic.version = 14 : i64} {
  func.func @agg_kernel(%arg0: i32, %arg1: i32, %arg2: memref<10000x128xf32, #tpu.memory_space<hbm>>, %arg3: memref<320000xi32, #tpu.memory_space<hbm>>, %arg4: memref<320000xi32, #tpu.memory_space<hbm>>, %arg5: memref<2x10240x128xf32, #tpu.memory_space<hbm>>, %arg6: memref<10000xi32, #tpu.memory_space<vmem>>, %arg7: memref<80xi32, #tpu.memory_space<vmem>>, %arg8: memref<80x128xf32, #tpu.memory_space<vmem>>, %arg9: memref<128x128xf32, #tpu.memory_space<vmem>>, %arg10: memref<10240x128xf32, #tpu.memory_space<vmem_shared>>, %arg11: memref<!tpu.dma_semaphore, #tpu.memory_space<semaphore_mem>>) attributes {dimension_semantics = [#tpu.dimension_semantics<core_parallel>, #tpu.dimension_semantics<subcore_parallel>], iteration_bounds = array<i64: 2, 16>, scalar_prefetch = 0 : i64, scratch_operands = 6 : i64, tpu.core_type = #tpu.core_type<sc_vector_subcore>, window_params = [{transform_indices = #map}, {transform_indices = #map1}, {transform_indices = #map1}, {transform_indices = #map2}]} {
    %mul3A = arith.constant 2 : i32
    %mul3A_0 = arith.muli %arg1, %mul3A : i32
    %add3A = arith.addi %mul3A_0, %arg0 : i32
    %mul3A_1 = arith.constant 640 : i32
    %mul3A_2 = arith.muli %arg1, %mul3A_1 : i32
    %broadcast_in_dim3A = arith.constant 0.000000e+00 : f32
    %broadcast_in_dim3A_3 = vector.broadcast %broadcast_in_dim3A : f32 to vector<16xf32>
    %scan3A = arith.constant 0 : i32
    %scan3A_4 = arith.constant 0 : i32
    %scan3A_5 = arith.constant 128 : i32
    %scan3A_6 = arith.addi %scan3A_4, %scan3A_5 : i32
    %scan3A_7 = arith.constant 1 : i32
    %scan3A_8 = scf.for %scan3A_40 = %scan3A_4 to %scan3A_6 step %scan3A_7 iter_args(%scan3A_41 = %scan3A) -> (i32)  : i32 {
      %swap3A = arith.index_cast %scan3A_40 : i32 to index
      %swap3A_42 = arith.constant 0 : index
      %swap3A_43 = tpu.vector_load %arg9[%swap3A, %swap3A_42] {strides = array<i32>} : memref<128x128xf32, #tpu.memory_space<vmem>>, vector<1x16xf32>,
      %swap3A_44 = vector.shape_cast %swap3A_43 : vector<1x16xf32> to vector<16xf32>
      %swap3A_45 = vector.shape_cast %broadcast_in_dim3A_3 : vector<16xf32> to vector<1x16xf32>
      tpu.vector_store %arg9[%swap3A, %swap3A_42], %swap3A_45 {strides = array<i32>} : memref<128x128xf32, #tpu.memory_space<vmem>>, vector<1x16xf32>,
      %swap3A_46 = arith.index_cast %scan3A_40 : i32 to index
      %swap3A_47 = arith.constant 16 : index
      %swap3A_48 = tpu.vector_load %arg9[%swap3A_46, %swap3A_47] {strides = array<i32>} : memref<128x128xf32, #tpu.memory_space<vmem>>, vector<1x16xf32>,
      %swap3A_49 = vector.shape_cast %swap3A_48 : vector<1x16xf32> to vector<16xf32>
      %swap3A_50 = vector.shape_cast %broadcast_in_dim3A_3 : vector<16xf32> to vector<1x16xf32>
      tpu.vector_store %arg9[%swap3A_46, %swap3A_47], %swap3A_50 {strides = array<i32>} : memref<128x128xf32, #tpu.memory_space<vmem>>, vector<1x16xf32>,
      %swap3A_51 = arith.index_cast %scan3A_40 : i32 to index
      %swap3A_52 = arith.constant 32 : index
      %swap3A_53 = tpu.vector_load %arg9[%swap3A_51, %swap3A_52] {strides = array<i32>} : memref<128x128xf32, #tpu.memory_space<vmem>>, vector<1x16xf32>,
      %swap3A_54 = vector.shape_cast %swap3A_53 : vector<1x16xf32> to vector<16xf32>
      %swap3A_55 = vector.shape_cast %broadcast_in_dim3A_3 : vector<16xf32> to vector<1x16xf32>
      tpu.vector_store %arg9[%swap3A_51, %swap3A_52], %swap3A_55 {strides = array<i32>} : memref<128x128xf32, #tpu.memory_space<vmem>>, vector<1x16xf32>,
      %swap3A_56 = arith.index_cast %scan3A_40 : i32 to index
      %swap3A_57 = arith.constant 48 : index
      %swap3A_58 = tpu.vector_load %arg9[%swap3A_56, %swap3A_57] {strides = array<i32>} : memref<128x128xf32, #tpu.memory_space<vmem>>, vector<1x16xf32>,
      %swap3A_59 = vector.shape_cast %swap3A_58 : vector<1x16xf32> to vector<16xf32>
      %swap3A_60 = vector.shape_cast %broadcast_in_dim3A_3 : vector<16xf32> to vector<1x16xf32>
      tpu.vector_store %arg9[%swap3A_56, %swap3A_57], %swap3A_60 {strides = array<i32>} : memref<128x128xf32, #tpu.memory_space<vmem>>, vector<1x16xf32>,
      %swap3A_61 = arith.index_cast %scan3A_40 : i32 to index
      %swap3A_62 = arith.constant 64 : index
      %swap3A_63 = tpu.vector_load %arg9[%swap3A_61, %swap3A_62] {strides = array<i32>} : memref<128x128xf32, #tpu.memory_space<vmem>>, vector<1x16xf32>,
      %swap3A_64 = vector.shape_cast %swap3A_63 : vector<1x16xf32> to vector<16xf32>
      %swap3A_65 = vector.shape_cast %broadcast_in_dim3A_3 : vector<16xf32> to vector<1x16xf32>
      tpu.vector_store %arg9[%swap3A_61, %swap3A_62], %swap3A_65 {strides = array<i32>} : memref<128x128xf32, #tpu.memory_space<vmem>>, vector<1x16xf32>,
      %swap3A_66 = arith.index_cast %scan3A_40 : i32 to index
      %swap3A_67 = arith.constant 80 : index
      %swap3A_68 = tpu.vector_load %arg9[%swap3A_66, %swap3A_67] {strides = array<i32>} : memref<128x128xf32, #tpu.memory_space<vmem>>, vector<1x16xf32>,
      %swap3A_69 = vector.shape_cast %swap3A_68 : vector<1x16xf32> to vector<16xf32>
      %swap3A_70 = vector.shape_cast %broadcast_in_dim3A_3 : vector<16xf32> to vector<1x16xf32>
      tpu.vector_store %arg9[%swap3A_66, %swap3A_67], %swap3A_70 {strides = array<i32>} : memref<128x128xf32, #tpu.memory_space<vmem>>, vector<1x16xf32>,
      %swap3A_71 = arith.index_cast %scan3A_40 : i32 to index
      %swap3A_72 = arith.constant 96 : index
      %swap3A_73 = tpu.vector_load %arg9[%swap3A_71, %swap3A_72] {strides = array<i32>} : memref<128x128xf32, #tpu.memory_space<vmem>>, vector<1x16xf32>,
      %swap3A_74 = vector.shape_cast %swap3A_73 : vector<1x16xf32> to vector<16xf32>
      %swap3A_75 = vector.shape_cast %broadcast_in_dim3A_3 : vector<16xf32> to vector<1x16xf32>
      tpu.vector_store %arg9[%swap3A_71, %swap3A_72], %swap3A_75 {strides = array<i32>} : memref<128x128xf32, #tpu.memory_space<vmem>>, vector<1x16xf32>,
      %swap3A_76 = arith.index_cast %scan3A_40 : i32 to index
      %swap3A_77 = arith.constant 112 : index
      %swap3A_78 = tpu.vector_load %arg9[%swap3A_76, %swap3A_77] {strides = array<i32>} : memref<128x128xf32, #tpu.memory_space<vmem>>, vector<1x16xf32>,
      %swap3A_79 = vector.shape_cast %swap3A_78 : vector<1x16xf32> to vector<16xf32>
      %swap3A_80 = vector.shape_cast %broadcast_in_dim3A_3 : vector<16xf32> to vector<1x16xf32>
      tpu.vector_store %arg9[%swap3A_76, %swap3A_77], %swap3A_80 {strides = array<i32>} : memref<128x128xf32, #tpu.memory_space<vmem>>, vector<1x16xf32>,
      %scan3A_81 = arith.constant 0 : i32
      scf.yield %scan3A_81 : i32
    }
    %scan3A_9 = arith.constant 128 : i32
    %add3A_10 = arith.constant 0 : i32
    %add3A_11 = arith.addi %mul3A_2, %add3A_10 : i32
    "tpu.region"() ({
      %run_scoped3A = tpu.sem_alloc : memref<!tpu.dma_semaphore, #tpu.memory_space<semaphore_mem>>
      %dma_start3A = arith.constant 0 : i32
      %dma_start3A_40 = tpu.memref_slice %arg10[%add3A_11, %dma_start3A] : memref<10240x128xf32, #tpu.memory_space<vmem_shared>> -> memref<128x128xf32, #tpu.memory_space<vmem_shared>>
      %dma_start3A_41 = arith.constant 0 : i32
      %dma_start3A_42 = tpu.memref_slice %arg10[%add3A_11, %dma_start3A_41] : memref<10240x128xf32, #tpu.memory_space<vmem_shared>> -> memref<128x128xf32, #tpu.memory_space<vmem_shared>>
      tpu.enqueue_dma source(%arg9 : memref<128x128xf32, #tpu.memory_space<vmem>>) target(%dma_start3A_42 : memref<128x128xf32, #tpu.memory_space<vmem_shared>>) target_semaphore(%run_scoped3A : memref<!tpu.dma_semaphore, #tpu.memory_space<semaphore_mem>>)
      %dma_wait3A = arith.constant 0 : i32
      %dma_wait3A_43 = tpu.memref_slice %arg10[%add3A_11, %dma_wait3A] : memref<10240x128xf32, #tpu.memory_space<vmem_shared>> -> memref<128x128xf32, #tpu.memory_space<vmem_shared>>
      %dma_wait3A_44 = arith.constant 0 : i32
      %dma_wait3A_45 = tpu.memref_slice %arg10[%add3A_11, %dma_wait3A_44] : memref<10240x128xf32, #tpu.memory_space<vmem_shared>> -> memref<128x128xf32, #tpu.memory_space<vmem_shared>>
      tpu.wait_dma2 semaphore(%run_scoped3A : memref<!tpu.dma_semaphore, #tpu.memory_space<semaphore_mem>>) src(%arg9 : memref<128x128xf32, #tpu.memory_space<vmem>>) dst(%dma_wait3A_45 : memref<128x128xf32, #tpu.memory_space<vmem_shared>>)
      tpu.yield
    }) : () -> ()
    %add3A_12 = arith.constant 128 : i32
    %add3A_13 = arith.addi %mul3A_2, %add3A_12 : i32
    "tpu.region"() ({
      %run_scoped3A = tpu.sem_alloc : memref<!tpu.dma_semaphore, #tpu.memory_space<semaphore_mem>>
      %dma_start3A = arith.constant 0 : i32
      %dma_start3A_40 = tpu.memref_slice %arg10[%add3A_13, %dma_start3A] : memref<10240x128xf32, #tpu.memory_space<vmem_shared>> -> memref<128x128xf32, #tpu.memory_space<vmem_shared>>
      %dma_start3A_41 = arith.constant 0 : i32
      %dma_start3A_42 = tpu.memref_slice %arg10[%add3A_13, %dma_start3A_41] : memref<10240x128xf32, #tpu.memory_space<vmem_shared>> -> memref<128x128xf32, #tpu.memory_space<vmem_shared>>
      tpu.enqueue_dma source(%arg9 : memref<128x128xf32, #tpu.memory_space<vmem>>) target(%dma_start3A_42 : memref<128x128xf32, #tpu.memory_space<vmem_shared>>) target_semaphore(%run_scoped3A : memref<!tpu.dma_semaphore, #tpu.memory_space<semaphore_mem>>)
      %dma_wait3A = arith.constant 0 : i32
      %dma_wait3A_43 = tpu.memref_slice %arg10[%add3A_13, %dma_wait3A] : memref<10240x128xf32, #tpu.memory_space<vmem_shared>> -> memref<128x128xf32, #tpu.memory_space<vmem_shared>>
      %dma_wait3A_44 = arith.constant 0 : i32
      %dma_wait3A_45 = tpu.memref_slice %arg10[%add3A_13, %dma_wait3A_44] : memref<10240x128xf32, #tpu.memory_space<vmem_shared>> -> memref<128x128xf32, #tpu.memory_space<vmem_shared>>
      tpu.wait_dma2 semaphore(%run_scoped3A : memref<!tpu.dma_semaphore, #tpu.memory_space<semaphore_mem>>) src(%arg9 : memref<128x128xf32, #tpu.memory_space<vmem>>) dst(%dma_wait3A_45 : memref<128x128xf32, #tpu.memory_space<vmem_shared>>)
      tpu.yield
    }) : () -> ()
    %add3A_14 = arith.constant 256 : i32
    %add3A_15 = arith.addi %mul3A_2, %add3A_14 : i32
    "tpu.region"() ({
      %run_scoped3A = tpu.sem_alloc : memref<!tpu.dma_semaphore, #tpu.memory_space<semaphore_mem>>
      %dma_start3A = arith.constant 0 : i32
      %dma_start3A_40 = tpu.memref_slice %arg10[%add3A_15, %dma_start3A] : memref<10240x128xf32, #tpu.memory_space<vmem_shared>> -> memref<128x128xf32, #tpu.memory_space<vmem_shared>>
      %dma_start3A_41 = arith.constant 0 : i32
      %dma_start3A_42 = tpu.memref_slice %arg10[%add3A_15, %dma_start3A_41] : memref<10240x128xf32, #tpu.memory_space<vmem_shared>> -> memref<128x128xf32, #tpu.memory_space<vmem_shared>>
      tpu.enqueue_dma source(%arg9 : memref<128x128xf32, #tpu.memory_space<vmem>>) target(%dma_start3A_42 : memref<128x128xf32, #tpu.memory_space<vmem_shared>>) target_semaphore(%run_scoped3A : memref<!tpu.dma_semaphore, #tpu.memory_space<semaphore_mem>>)
      %dma_wait3A = arith.constant 0 : i32
      %dma_wait3A_43 = tpu.memref_slice %arg10[%add3A_15, %dma_wait3A] : memref<10240x128xf32, #tpu.memory_space<vmem_shared>> -> memref<128x128xf32, #tpu.memory_space<vmem_shared>>
      %dma_wait3A_44 = arith.constant 0 : i32
      %dma_wait3A_45 = tpu.memref_slice %arg10[%add3A_15, %dma_wait3A_44] : memref<10240x128xf32, #tpu.memory_space<vmem_shared>> -> memref<128x128xf32, #tpu.memory_space<vmem_shared>>
      tpu.wait_dma2 semaphore(%run_scoped3A : memref<!tpu.dma_semaphore, #tpu.memory_space<semaphore_mem>>) src(%arg9 : memref<128x128xf32, #tpu.memory_space<vmem>>) dst(%dma_wait3A_45 : memref<128x128xf32, #tpu.memory_space<vmem_shared>>)
      tpu.yield
    }) : () -> ()
    %add3A_16 = arith.constant 384 : i32
    %add3A_17 = arith.addi %mul3A_2, %add3A_16 : i32
    "tpu.region"() ({
      %run_scoped3A = tpu.sem_alloc : memref<!tpu.dma_semaphore, #tpu.memory_space<semaphore_mem>>
      %dma_start3A = arith.constant 0 : i32
      %dma_start3A_40 = tpu.memref_slice %arg10[%add3A_17, %dma_start3A] : memref<10240x128xf32, #tpu.memory_space<vmem_shared>> -> memref<128x128xf32, #tpu.memory_space<vmem_shared>>
      %dma_start3A_41 = arith.constant 0 : i32
      %dma_start3A_42 = tpu.memref_slice %arg10[%add3A_17, %dma_start3A_41] : memref<10240x128xf32, #tpu.memory_space<vmem_shared>> -> memref<128x128xf32, #tpu.memory_space<vmem_shared>>
      tpu.enqueue_dma source(%arg9 : memref<128x128xf32, #tpu.memory_space<vmem>>) target(%dma_start3A_42 : memref<128x128xf32, #tpu.memory_space<vmem_shared>>) target_semaphore(%run_scoped3A : memref<!tpu.dma_semaphore, #tpu.memory_space<semaphore_mem>>)
      %dma_wait3A = arith.constant 0 : i32
      %dma_wait3A_43 = tpu.memref_slice %arg10[%add3A_17, %dma_wait3A] : memref<10240x128xf32, #tpu.memory_space<vmem_shared>> -> memref<128x128xf32, #tpu.memory_space<vmem_shared>>
      %dma_wait3A_44 = arith.constant 0 : i32
      %dma_wait3A_45 = tpu.memref_slice %arg10[%add3A_17, %dma_wait3A_44] : memref<10240x128xf32, #tpu.memory_space<vmem_shared>> -> memref<128x128xf32, #tpu.memory_space<vmem_shared>>
      tpu.wait_dma2 semaphore(%run_scoped3A : memref<!tpu.dma_semaphore, #tpu.memory_space<semaphore_mem>>) src(%arg9 : memref<128x128xf32, #tpu.memory_space<vmem>>) dst(%dma_wait3A_45 : memref<128x128xf32, #tpu.memory_space<vmem_shared>>)
      tpu.yield
    }) : () -> ()
    %add3A_18 = arith.constant 512 : i32
    %add3A_19 = arith.addi %mul3A_2, %add3A_18 : i32
    "tpu.region"() ({
      %run_scoped3A = tpu.sem_alloc : memref<!tpu.dma_semaphore, #tpu.memory_space<semaphore_mem>>
      %dma_start3A = arith.constant 0 : i32
      %dma_start3A_40 = tpu.memref_slice %arg10[%add3A_19, %dma_start3A] : memref<10240x128xf32, #tpu.memory_space<vmem_shared>> -> memref<128x128xf32, #tpu.memory_space<vmem_shared>>
      %dma_start3A_41 = arith.constant 0 : i32
      %dma_start3A_42 = tpu.memref_slice %arg10[%add3A_19, %dma_start3A_41] : memref<10240x128xf32, #tpu.memory_space<vmem_shared>> -> memref<128x128xf32, #tpu.memory_space<vmem_shared>>
      tpu.enqueue_dma source(%arg9 : memref<128x128xf32, #tpu.memory_space<vmem>>) target(%dma_start3A_42 : memref<128x128xf32, #tpu.memory_space<vmem_shared>>) target_semaphore(%run_scoped3A : memref<!tpu.dma_semaphore, #tpu.memory_space<semaphore_mem>>)
      %dma_wait3A = arith.constant 0 : i32
      %dma_wait3A_43 = tpu.memref_slice %arg10[%add3A_19, %dma_wait3A] : memref<10240x128xf32, #tpu.memory_space<vmem_shared>> -> memref<128x128xf32, #tpu.memory_space<vmem_shared>>
      %dma_wait3A_44 = arith.constant 0 : i32
      %dma_wait3A_45 = tpu.memref_slice %arg10[%add3A_19, %dma_wait3A_44] : memref<10240x128xf32, #tpu.memory_space<vmem_shared>> -> memref<128x128xf32, #tpu.memory_space<vmem_shared>>
      tpu.wait_dma2 semaphore(%run_scoped3A : memref<!tpu.dma_semaphore, #tpu.memory_space<semaphore_mem>>) src(%arg9 : memref<128x128xf32, #tpu.memory_space<vmem>>) dst(%dma_wait3A_45 : memref<128x128xf32, #tpu.memory_space<vmem_shared>>)
      tpu.yield
    }) : () -> ()
    %barrier3A = arith.constant 0 : index
    tpu.barrier barrier_id(%barrier3A)
    %mul3A_20 = arith.constant 10000 : i32
    %mul3A_21 = arith.muli %add3A, %mul3A_20 : i32
    "tpu.region"() ({
      %run_scoped3A = tpu.sem_alloc : memref<!tpu.dma_semaphore, #tpu.memory_space<semaphore_mem>>
      %dma_start3A = tpu.memref_slice %arg3[%mul3A_21] : memref<320000xi32, #tpu.memory_space<hbm>> -> memref<10000xi32, #tpu.memory_space<hbm>>
      %dma_start3A_40 = tpu.memref_slice %arg3[%mul3A_21] : memref<320000xi32, #tpu.memory_space<hbm>> -> memref<10000xi32, #tpu.memory_space<hbm>>
      tpu.enqueue_dma source(%dma_start3A_40 : memref<10000xi32, #tpu.memory_space<hbm>>) target(%arg6 : memref<10000xi32, #tpu.memory_space<vmem>>) target_semaphore(%run_scoped3A : memref<!tpu.dma_semaphore, #tpu.memory_space<semaphore_mem>>)
      %dma_wait3A = tpu.memref_slice %arg3[%mul3A_21] : memref<320000xi32, #tpu.memory_space<hbm>> -> memref<10000xi32, #tpu.memory_space<hbm>>
      %dma_wait3A_41 = tpu.memref_slice %arg3[%mul3A_21] : memref<320000xi32, #tpu.memory_space<hbm>> -> memref<10000xi32, #tpu.memory_space<hbm>>
      tpu.wait_dma2 semaphore(%run_scoped3A : memref<!tpu.dma_semaphore, #tpu.memory_space<semaphore_mem>>) src(%dma_wait3A_41 : memref<10000xi32, #tpu.memory_space<hbm>>) dst(%arg6 : memref<10000xi32, #tpu.memory_space<vmem>>)
      tpu.yield
    }) : () -> ()
    %scan3A_22 = arith.constant 0 : i32
    %scan3A_23 = arith.constant 0 : i32
    %scan3A_24 = arith.constant 125 : i32
    %scan3A_25 = arith.addi %scan3A_23, %scan3A_24 : i32
    %scan3A_26 = arith.constant 1 : i32
    %scan3A_27 = scf.for %scan3A_40 = %scan3A_23 to %scan3A_25 step %scan3A_26 iter_args(%scan3A_41 = %scan3A_22) -> (i32)  : i32 {
      %mul3A_42 = arith.constant 80 : i32
      %mul3A_43 = arith.muli %scan3A_40, %mul3A_42 : i32
      %add3A_44 = arith.addi %mul3A_21, %mul3A_43 : i32
      "tpu.region"() ({
        %run_scoped3A = tpu.sem_alloc : memref<!tpu.dma_semaphore, #tpu.memory_space<semaphore_mem>>
        %dma_start3A_54 = tpu.memref_slice %arg4[%add3A_44] : memref<320000xi32, #tpu.memory_space<hbm>> -> memref<80xi32, #tpu.memory_space<hbm>>
        %dma_start3A_55 = tpu.memref_slice %arg4[%add3A_44] : memref<320000xi32, #tpu.memory_space<hbm>> -> memref<80xi32, #tpu.memory_space<hbm>>
        tpu.enqueue_dma source(%dma_start3A_55 : memref<80xi32, #tpu.memory_space<hbm>>) target(%arg7 : memref<80xi32, #tpu.memory_space<vmem>>) target_semaphore(%run_scoped3A : memref<!tpu.dma_semaphore, #tpu.memory_space<semaphore_mem>>)
        %dma_wait3A_56 = tpu.memref_slice %arg4[%add3A_44] : memref<320000xi32, #tpu.memory_space<hbm>> -> memref<80xi32, #tpu.memory_space<hbm>>
        %dma_wait3A_57 = tpu.memref_slice %arg4[%add3A_44] : memref<320000xi32, #tpu.memory_space<hbm>> -> memref<80xi32, #tpu.memory_space<hbm>>
        tpu.wait_dma2 semaphore(%run_scoped3A : memref<!tpu.dma_semaphore, #tpu.memory_space<semaphore_mem>>) src(%dma_wait3A_57 : memref<80xi32, #tpu.memory_space<hbm>>) dst(%arg7 : memref<80xi32, #tpu.memory_space<vmem>>)
        tpu.yield
      }) : () -> ()
      %mul3A_45 = arith.constant 80 : i32
      %mul3A_46 = arith.muli %scan3A_40, %mul3A_45 : i32
      %dma_start3A = tpu.memref_slice %arg6[%mul3A_46] : memref<10000xi32, #tpu.memory_space<vmem>> -> memref<80xi32, #tpu.memory_space<vmem>>
      %dma_start3A_47 = arith.constant 0 : i32
      %dma_start3A_48 = arith.constant 0 : i32
      %dma_start3A_49 = tpu.memref_slice %arg2[%dma_start3A_47, %dma_start3A_48] : memref<10000x128xf32, #tpu.memory_space<hbm>> -> memref<10000x128xf32, #tpu.memory_space<hbm>>
      tpu.enqueue_indirect_dma source(%dma_start3A_49 : memref<10000x128xf32, #tpu.memory_space<hbm>>) target(%arg8 : memref<80x128xf32, #tpu.memory_space<vmem>>) offsets(%dma_start3A : memref<80xi32, #tpu.memory_space<vmem>>) semaphore(%arg11 : memref<!tpu.dma_semaphore, #tpu.memory_space<semaphore_mem>>)
      %dma_wait3A = tpu.memref_slice %arg6[%mul3A_46] : memref<10000xi32, #tpu.memory_space<vmem>> -> memref<80xi32, #tpu.memory_space<vmem>>
      %dma_wait3A_50 = arith.constant 0 : i32
      %dma_wait3A_51 = arith.constant 0 : i32
      %dma_wait3A_52 = tpu.memref_slice %arg2[%dma_wait3A_50, %dma_wait3A_51] : memref<10000x128xf32, #tpu.memory_space<hbm>> -> memref<10000x128xf32, #tpu.memory_space<hbm>>
      tpu.wait_indirect_dma semaphore(%arg11 : memref<!tpu.dma_semaphore, #tpu.memory_space<semaphore_mem>>) src(%dma_wait3A_52 : memref<10000x128xf32, #tpu.memory_space<hbm>>) dst(%arg8 : memref<80x128xf32, #tpu.memory_space<vmem>>)
      "tpu.region"() ({
        %run_scoped3A = tpu.sem_alloc : memref<!tpu.dma_semaphore, #tpu.memory_space<semaphore_mem>>
        %dma_start3A_54 = arith.constant 0 : i32
        %dma_start3A_55 = arith.constant 0 : i32
        %dma_start3A_56 = tpu.memref_slice %arg10[%dma_start3A_54, %dma_start3A_55] : memref<10240x128xf32, #tpu.memory_space<vmem_shared>> -> memref<10240x128xf32, #tpu.memory_space<vmem_shared>>
        tpu.enqueue_indirect_dma source(%arg8 : memref<80x128xf32, #tpu.memory_space<vmem>>) target(%dma_start3A_56 : memref<10240x128xf32, #tpu.memory_space<vmem_shared>>) offsets(%arg7 : memref<80xi32, #tpu.memory_space<vmem>>) semaphore(%run_scoped3A : memref<!tpu.dma_semaphore, #tpu.memory_space<semaphore_mem>>) {add = true}
        %dma_wait3A_57 = arith.constant 0 : i32
        %dma_wait3A_58 = arith.constant 0 : i32
        %dma_wait3A_59 = tpu.memref_slice %arg10[%dma_wait3A_57, %dma_wait3A_58] : memref<10240x128xf32, #tpu.memory_space<vmem_shared>> -> memref<10240x128xf32, #tpu.memory_space<vmem_shared>>
        tpu.wait_indirect_dma semaphore(%run_scoped3A : memref<!tpu.dma_semaphore, #tpu.memory_space<semaphore_mem>>) src(%arg8 : memref<80x128xf32, #tpu.memory_space<vmem>>) dst(%dma_wait3A_59 : memref<10240x128xf32, #tpu.memory_space<vmem_shared>>)
        tpu.yield
      }) : () -> ()
      %scan3A_53 = arith.constant 0 : i32
      scf.yield %scan3A_53 : i32
    }
    %scan3A_28 = arith.constant 125 : i32
    %barrier3A_29 = arith.constant 0 : index
    tpu.barrier barrier_id(%barrier3A_29)
    %add3A_30 = arith.constant 0 : i32
    %add3A_31 = arith.addi %mul3A_2, %add3A_30 : i32
    "tpu.region"() ({
      %run_scoped3A = tpu.sem_alloc : memref<!tpu.dma_semaphore, #tpu.memory_space<semaphore_mem>>
      %dma_start3A = arith.constant 0 : i32
      %dma_start3A_40 = tpu.memref_slice %arg10[%add3A_31, %dma_start3A] : memref<10240x128xf32, #tpu.memory_space<vmem_shared>> -> memref<128x128xf32, #tpu.memory_space<vmem_shared>>
      %dma_start3A_41 = arith.constant 0 : i32
      %dma_start3A_42 = tpu.memref_slice %arg10[%add3A_31, %dma_start3A_41] : memref<10240x128xf32, #tpu.memory_space<vmem_shared>> -> memref<128x128xf32, #tpu.memory_space<vmem_shared>>
      tpu.enqueue_dma source(%dma_start3A_42 : memref<128x128xf32, #tpu.memory_space<vmem_shared>>) target(%arg9 : memref<128x128xf32, #tpu.memory_space<vmem>>) target_semaphore(%run_scoped3A : memref<!tpu.dma_semaphore, #tpu.memory_space<semaphore_mem>>)
      %dma_wait3A = arith.constant 0 : i32
      %dma_wait3A_43 = tpu.memref_slice %arg10[%add3A_31, %dma_wait3A] : memref<10240x128xf32, #tpu.memory_space<vmem_shared>> -> memref<128x128xf32, #tpu.memory_space<vmem_shared>>
      %dma_wait3A_44 = arith.constant 0 : i32
      %dma_wait3A_45 = tpu.memref_slice %arg10[%add3A_31, %dma_wait3A_44] : memref<10240x128xf32, #tpu.memory_space<vmem_shared>> -> memref<128x128xf32, #tpu.memory_space<vmem_shared>>
      tpu.wait_dma2 semaphore(%run_scoped3A : memref<!tpu.dma_semaphore, #tpu.memory_space<semaphore_mem>>) src(%dma_wait3A_45 : memref<128x128xf32, #tpu.memory_space<vmem_shared>>) dst(%arg9 : memref<128x128xf32, #tpu.memory_space<vmem>>)
      tpu.yield
    }) : () -> ()
    "tpu.region"() ({
      %run_scoped3A = tpu.sem_alloc : memref<!tpu.dma_semaphore, #tpu.memory_space<semaphore_mem>>
      %dma_start3A = arith.constant 0 : i32
      %dma_start3A_40 = tpu.memref_slice %arg5[%arg0, %add3A_31, %dma_start3A] : memref<2x10240x128xf32, #tpu.memory_space<hbm>> -> memref<1x128x128xf32, #tpu.memory_space<hbm>>
      %dma_start3A_41 = tpu.memref_squeeze %dma_start3A_40 : memref<1x128x128xf32, #tpu.memory_space<hbm>> -> memref<128x128xf32, #tpu.memory_space<hbm>>
      %dma_start3A_42 = arith.constant 0 : i32
      %dma_start3A_43 = tpu.memref_slice %arg5[%arg0, %add3A_31, %dma_start3A_42] : memref<2x10240x128xf32, #tpu.memory_space<hbm>> -> memref<1x128x128xf32, #tpu.memory_space<hbm>>
      %dma_start3A_44 = tpu.memref_squeeze %dma_start3A_43 : memref<1x128x128xf32, #tpu.memory_space<hbm>> -> memref<128x128xf32, #tpu.memory_space<hbm>>
      tpu.enqueue_dma source(%arg9 : memref<128x128xf32, #tpu.memory_space<vmem>>) target(%dma_start3A_44 : memref<128x128xf32, #tpu.memory_space<hbm>>) target_semaphore(%run_scoped3A : memref<!tpu.dma_semaphore, #tpu.memory_space<semaphore_mem>>)
      %dma_wait3A = arith.constant 0 : i32
      %dma_wait3A_45 = tpu.memref_slice %arg5[%arg0, %add3A_31, %dma_wait3A] : memref<2x10240x128xf32, #tpu.memory_space<hbm>> -> memref<1x128x128xf32, #tpu.memory_space<hbm>>
      %dma_wait3A_46 = tpu.memref_squeeze %dma_wait3A_45 : memref<1x128x128xf32, #tpu.memory_space<hbm>> -> memref<128x128xf32, #tpu.memory_space<hbm>>
      %dma_wait3A_47 = arith.constant 0 : i32
      %dma_wait3A_48 = tpu.memref_slice %arg5[%arg0, %add3A_31, %dma_wait3A_47] : memref<2x10240x128xf32, #tpu.memory_space<hbm>> -> memref<1x128x128xf32, #tpu.memory_space<hbm>>
      %dma_wait3A_49 = tpu.memref_squeeze %dma_wait3A_48 : memref<1x128x128xf32, #tpu.memory_space<hbm>> -> memref<128x128xf32, #tpu.memory_space<hbm>>
      tpu.wait_dma2 semaphore(%run_scoped3A : memref<!tpu.dma_semaphore, #tpu.memory_space<semaphore_mem>>) src(%arg9 : memref<128x128xf32, #tpu.memory_space<vmem>>) dst(%dma_wait3A_49 : memref<128x128xf32, #tpu.memory_space<hbm>>)
      tpu.yield
    }) : () -> ()
    %add3A_32 = arith.constant 128 : i32
    %add3A_33 = arith.addi %mul3A_2, %add3A_32 : i32
    "tpu.region"() ({
      %run_scoped3A = tpu.sem_alloc : memref<!tpu.dma_semaphore, #tpu.memory_space<semaphore_mem>>
      %dma_start3A = arith.constant 0 : i32
      %dma_start3A_40 = tpu.memref_slice %arg10[%add3A_33, %dma_start3A] : memref<10240x128xf32, #tpu.memory_space<vmem_shared>> -> memref<128x128xf32, #tpu.memory_space<vmem_shared>>
      %dma_start3A_41 = arith.constant 0 : i32
      %dma_start3A_42 = tpu.memref_slice %arg10[%add3A_33, %dma_start3A_41] : memref<10240x128xf32, #tpu.memory_space<vmem_shared>> -> memref<128x128xf32, #tpu.memory_space<vmem_shared>>
      tpu.enqueue_dma source(%dma_start3A_42 : memref<128x128xf32, #tpu.memory_space<vmem_shared>>) target(%arg9 : memref<128x128xf32, #tpu.memory_space<vmem>>) target_semaphore(%run_scoped3A : memref<!tpu.dma_semaphore, #tpu.memory_space<semaphore_mem>>)
      %dma_wait3A = arith.constant 0 : i32
      %dma_wait3A_43 = tpu.memref_slice %arg10[%add3A_33, %dma_wait3A] : memref<10240x128xf32, #tpu.memory_space<vmem_shared>> -> memref<128x128xf32, #tpu.memory_space<vmem_shared>>
      %dma_wait3A_44 = arith.constant 0 : i32
      %dma_wait3A_45 = tpu.memref_slice %arg10[%add3A_33, %dma_wait3A_44] : memref<10240x128xf32, #tpu.memory_space<vmem_shared>> -> memref<128x128xf32, #tpu.memory_space<vmem_shared>>
      tpu.wait_dma2 semaphore(%run_scoped3A : memref<!tpu.dma_semaphore, #tpu.memory_space<semaphore_mem>>) src(%dma_wait3A_45 : memref<128x128xf32, #tpu.memory_space<vmem_shared>>) dst(%arg9 : memref<128x128xf32, #tpu.memory_space<vmem>>)
      tpu.yield
    }) : () -> ()
    "tpu.region"() ({
      %run_scoped3A = tpu.sem_alloc : memref<!tpu.dma_semaphore, #tpu.memory_space<semaphore_mem>>
      %dma_start3A = arith.constant 0 : i32
      %dma_start3A_40 = tpu.memref_slice %arg5[%arg0, %add3A_33, %dma_start3A] : memref<2x10240x128xf32, #tpu.memory_space<hbm>> -> memref<1x128x128xf32, #tpu.memory_space<hbm>>
      %dma_start3A_41 = tpu.memref_squeeze %dma_start3A_40 : memref<1x128x128xf32, #tpu.memory_space<hbm>> -> memref<128x128xf32, #tpu.memory_space<hbm>>
      %dma_start3A_42 = arith.constant 0 : i32
      %dma_start3A_43 = tpu.memref_slice %arg5[%arg0, %add3A_33, %dma_start3A_42] : memref<2x10240x128xf32, #tpu.memory_space<hbm>> -> memref<1x128x128xf32, #tpu.memory_space<hbm>>
      %dma_start3A_44 = tpu.memref_squeeze %dma_start3A_43 : memref<1x128x128xf32, #tpu.memory_space<hbm>> -> memref<128x128xf32, #tpu.memory_space<hbm>>
      tpu.enqueue_dma source(%arg9 : memref<128x128xf32, #tpu.memory_space<vmem>>) target(%dma_start3A_44 : memref<128x128xf32, #tpu.memory_space<hbm>>) target_semaphore(%run_scoped3A : memref<!tpu.dma_semaphore, #tpu.memory_space<semaphore_mem>>)
      %dma_wait3A = arith.constant 0 : i32
      %dma_wait3A_45 = tpu.memref_slice %arg5[%arg0, %add3A_33, %dma_wait3A] : memref<2x10240x128xf32, #tpu.memory_space<hbm>> -> memref<1x128x128xf32, #tpu.memory_space<hbm>>
      %dma_wait3A_46 = tpu.memref_squeeze %dma_wait3A_45 : memref<1x128x128xf32, #tpu.memory_space<hbm>> -> memref<128x128xf32, #tpu.memory_space<hbm>>
      %dma_wait3A_47 = arith.constant 0 : i32
      %dma_wait3A_48 = tpu.memref_slice %arg5[%arg0, %add3A_33, %dma_wait3A_47] : memref<2x10240x128xf32, #tpu.memory_space<hbm>> -> memref<1x128x128xf32, #tpu.memory_space<hbm>>
      %dma_wait3A_49 = tpu.memref_squeeze %dma_wait3A_48 : memref<1x128x128xf32, #tpu.memory_space<hbm>> -> memref<128x128xf32, #tpu.memory_space<hbm>>
      tpu.wait_dma2 semaphore(%run_scoped3A : memref<!tpu.dma_semaphore, #tpu.memory_space<semaphore_mem>>) src(%arg9 : memref<128x128xf32, #tpu.memory_space<vmem>>) dst(%dma_wait3A_49 : memref<128x128xf32, #tpu.memory_space<hbm>>)
      tpu.yield
    }) : () -> ()
    %add3A_34 = arith.constant 256 : i32
    %add3A_35 = arith.addi %mul3A_2, %add3A_34 : i32
    "tpu.region"() ({
      %run_scoped3A = tpu.sem_alloc : memref<!tpu.dma_semaphore, #tpu.memory_space<semaphore_mem>>
      %dma_start3A = arith.constant 0 : i32
      %dma_start3A_40 = tpu.memref_slice %arg10[%add3A_35, %dma_start3A] : memref<10240x128xf32, #tpu.memory_space<vmem_shared>> -> memref<128x128xf32, #tpu.memory_space<vmem_shared>>
      %dma_start3A_41 = arith.constant 0 : i32
      %dma_start3A_42 = tpu.memref_slice %arg10[%add3A_35, %dma_start3A_41] : memref<10240x128xf32, #tpu.memory_space<vmem_shared>> -> memref<128x128xf32, #tpu.memory_space<vmem_shared>>
      tpu.enqueue_dma source(%dma_start3A_42 : memref<128x128xf32, #tpu.memory_space<vmem_shared>>) target(%arg9 : memref<128x128xf32, #tpu.memory_space<vmem>>) target_semaphore(%run_scoped3A : memref<!tpu.dma_semaphore, #tpu.memory_space<semaphore_mem>>)
      %dma_wait3A = arith.constant 0 : i32
      %dma_wait3A_43 = tpu.memref_slice %arg10[%add3A_35, %dma_wait3A] : memref<10240x128xf32, #tpu.memory_space<vmem_shared>> -> memref<128x128xf32, #tpu.memory_space<vmem_shared>>
      %dma_wait3A_44 = arith.constant 0 : i32
      %dma_wait3A_45 = tpu.memref_slice %arg10[%add3A_35, %dma_wait3A_44] : memref<10240x128xf32, #tpu.memory_space<vmem_shared>> -> memref<128x128xf32, #tpu.memory_space<vmem_shared>>
      tpu.wait_dma2 semaphore(%run_scoped3A : memref<!tpu.dma_semaphore, #tpu.memory_space<semaphore_mem>>) src(%dma_wait3A_45 : memref<128x128xf32, #tpu.memory_space<vmem_shared>>) dst(%arg9 : memref<128x128xf32, #tpu.memory_space<vmem>>)
      tpu.yield
    }) : () -> ()
    "tpu.region"() ({
      %run_scoped3A = tpu.sem_alloc : memref<!tpu.dma_semaphore, #tpu.memory_space<semaphore_mem>>
      %dma_start3A = arith.constant 0 : i32
      %dma_start3A_40 = tpu.memref_slice %arg5[%arg0, %add3A_35, %dma_start3A] : memref<2x10240x128xf32, #tpu.memory_space<hbm>> -> memref<1x128x128xf32, #tpu.memory_space<hbm>>
      %dma_start3A_41 = tpu.memref_squeeze %dma_start3A_40 : memref<1x128x128xf32, #tpu.memory_space<hbm>> -> memref<128x128xf32, #tpu.memory_space<hbm>>
      %dma_start3A_42 = arith.constant 0 : i32
      %dma_start3A_43 = tpu.memref_slice %arg5[%arg0, %add3A_35, %dma_start3A_42] : memref<2x10240x128xf32, #tpu.memory_space<hbm>> -> memref<1x128x128xf32, #tpu.memory_space<hbm>>
      %dma_start3A_44 = tpu.memref_squeeze %dma_start3A_43 : memref<1x128x128xf32, #tpu.memory_space<hbm>> -> memref<128x128xf32, #tpu.memory_space<hbm>>
      tpu.enqueue_dma source(%arg9 : memref<128x128xf32, #tpu.memory_space<vmem>>) target(%dma_start3A_44 : memref<128x128xf32, #tpu.memory_space<hbm>>) target_semaphore(%run_scoped3A : memref<!tpu.dma_semaphore, #tpu.memory_space<semaphore_mem>>)
      %dma_wait3A = arith.constant 0 : i32
      %dma_wait3A_45 = tpu.memref_slice %arg5[%arg0, %add3A_35, %dma_wait3A] : memref<2x10240x128xf32, #tpu.memory_space<hbm>> -> memref<1x128x128xf32, #tpu.memory_space<hbm>>
      %dma_wait3A_46 = tpu.memref_squeeze %dma_wait3A_45 : memref<1x128x128xf32, #tpu.memory_space<hbm>> -> memref<128x128xf32, #tpu.memory_space<hbm>>
      %dma_wait3A_47 = arith.constant 0 : i32
      %dma_wait3A_48 = tpu.memref_slice %arg5[%arg0, %add3A_35, %dma_wait3A_47] : memref<2x10240x128xf32, #tpu.memory_space<hbm>> -> memref<1x128x128xf32, #tpu.memory_space<hbm>>
      %dma_wait3A_49 = tpu.memref_squeeze %dma_wait3A_48 : memref<1x128x128xf32, #tpu.memory_space<hbm>> -> memref<128x128xf32, #tpu.memory_space<hbm>>
      tpu.wait_dma2 semaphore(%run_scoped3A : memref<!tpu.dma_semaphore, #tpu.memory_space<semaphore_mem>>) src(%arg9 : memref<128x128xf32, #tpu.memory_space<vmem>>) dst(%dma_wait3A_49 : memref<128x128xf32, #tpu.memory_space<hbm>>)
      tpu.yield
    }) : () -> ()
    %add3A_36 = arith.constant 384 : i32
    %add3A_37 = arith.addi %mul3A_2, %add3A_36 : i32
    "tpu.region"() ({
      %run_scoped3A = tpu.sem_alloc : memref<!tpu.dma_semaphore, #tpu.memory_space<semaphore_mem>>
      %dma_start3A = arith.constant 0 : i32
      %dma_start3A_40 = tpu.memref_slice %arg10[%add3A_37, %dma_start3A] : memref<10240x128xf32, #tpu.memory_space<vmem_shared>> -> memref<128x128xf32, #tpu.memory_space<vmem_shared>>
      %dma_start3A_41 = arith.constant 0 : i32
      %dma_start3A_42 = tpu.memref_slice %arg10[%add3A_37, %dma_start3A_41] : memref<10240x128xf32, #tpu.memory_space<vmem_shared>> -> memref<128x128xf32, #tpu.memory_space<vmem_shared>>
      tpu.enqueue_dma source(%dma_start3A_42 : memref<128x128xf32, #tpu.memory_space<vmem_shared>>) target(%arg9 : memref<128x128xf32, #tpu.memory_space<vmem>>) target_semaphore(%run_scoped3A : memref<!tpu.dma_semaphore, #tpu.memory_space<semaphore_mem>>)
      %dma_wait3A = arith.constant 0 : i32
      %dma_wait3A_43 = tpu.memref_slice %arg10[%add3A_37, %dma_wait3A] : memref<10240x128xf32, #tpu.memory_space<vmem_shared>> -> memref<128x128xf32, #tpu.memory_space<vmem_shared>>
      %dma_wait3A_44 = arith.constant 0 : i32
      %dma_wait3A_45 = tpu.memref_slice %arg10[%add3A_37, %dma_wait3A_44] : memref<10240x128xf32, #tpu.memory_space<vmem_shared>> -> memref<128x128xf32, #tpu.memory_space<vmem_shared>>
      tpu.wait_dma2 semaphore(%run_scoped3A : memref<!tpu.dma_semaphore, #tpu.memory_space<semaphore_mem>>) src(%dma_wait3A_45 : memref<128x128xf32, #tpu.memory_space<vmem_shared>>) dst(%arg9 : memref<128x128xf32, #tpu.memory_space<vmem>>)
      tpu.yield
    }) : () -> ()
    "tpu.region"() ({
      %run_scoped3A = tpu.sem_alloc : memref<!tpu.dma_semaphore, #tpu.memory_space<semaphore_mem>>
      %dma_start3A = arith.constant 0 : i32
      %dma_start3A_40 = tpu.memref_slice %arg5[%arg0, %add3A_37, %dma_start3A] : memref<2x10240x128xf32, #tpu.memory_space<hbm>> -> memref<1x128x128xf32, #tpu.memory_space<hbm>>
      %dma_start3A_41 = tpu.memref_squeeze %dma_start3A_40 : memref<1x128x128xf32, #tpu.memory_space<hbm>> -> memref<128x128xf32, #tpu.memory_space<hbm>>
      %dma_start3A_42 = arith.constant 0 : i32
      %dma_start3A_43 = tpu.memref_slice %arg5[%arg0, %add3A_37, %dma_start3A_42] : memref<2x10240x128xf32, #tpu.memory_space<hbm>> -> memref<1x128x128xf32, #tpu.memory_space<hbm>>
      %dma_start3A_44 = tpu.memref_squeeze %dma_start3A_43 : memref<1x128x128xf32, #tpu.memory_space<hbm>> -> memref<128x128xf32, #tpu.memory_space<hbm>>
      tpu.enqueue_dma source(%arg9 : memref<128x128xf32, #tpu.memory_space<vmem>>) target(%dma_start3A_44 : memref<128x128xf32, #tpu.memory_space<hbm>>) target_semaphore(%run_scoped3A : memref<!tpu.dma_semaphore, #tpu.memory_space<semaphore_mem>>)
      %dma_wait3A = arith.constant 0 : i32
      %dma_wait3A_45 = tpu.memref_slice %arg5[%arg0, %add3A_37, %dma_wait3A] : memref<2x10240x128xf32, #tpu.memory_space<hbm>> -> memref<1x128x128xf32, #tpu.memory_space<hbm>>
      %dma_wait3A_46 = tpu.memref_squeeze %dma_wait3A_45 : memref<1x128x128xf32, #tpu.memory_space<hbm>> -> memref<128x128xf32, #tpu.memory_space<hbm>>
      %dma_wait3A_47 = arith.constant 0 : i32
      %dma_wait3A_48 = tpu.memref_slice %arg5[%arg0, %add3A_37, %dma_wait3A_47] : memref<2x10240x128xf32, #tpu.memory_space<hbm>> -> memref<1x128x128xf32, #tpu.memory_space<hbm>>
      %dma_wait3A_49 = tpu.memref_squeeze %dma_wait3A_48 : memref<1x128x128xf32, #tpu.memory_space<hbm>> -> memref<128x128xf32, #tpu.memory_space<hbm>>
      tpu.wait_dma2 semaphore(%run_scoped3A : memref<!tpu.dma_semaphore, #tpu.memory_space<semaphore_mem>>) src(%arg9 : memref<128x128xf32, #tpu.memory_space<vmem>>) dst(%dma_wait3A_49 : memref<128x128xf32, #tpu.memory_space<hbm>>)
      tpu.yield
    }) : () -> ()
    %add3A_38 = arith.constant 512 : i32
    %add3A_39 = arith.addi %mul3A_2, %add3A_38 : i32
    "tpu.region"() ({
      %run_scoped3A = tpu.sem_alloc : memref<!tpu.dma_semaphore, #tpu.memory_space<semaphore_mem>>
      %dma_start3A = arith.constant 0 : i32
      %dma_start3A_40 = tpu.memref_slice %arg10[%add3A_39, %dma_start3A] : memref<10240x128xf32, #tpu.memory_space<vmem_shared>> -> memref<128x128xf32, #tpu.memory_space<vmem_shared>>
      %dma_start3A_41 = arith.constant 0 : i32
      %dma_start3A_42 = tpu.memref_slice %arg10[%add3A_39, %dma_start3A_41] : memref<10240x128xf32, #tpu.memory_space<vmem_shared>> -> memref<128x128xf32, #tpu.memory_space<vmem_shared>>
      tpu.enqueue_dma source(%dma_start3A_42 : memref<128x128xf32, #tpu.memory_space<vmem_shared>>) target(%arg9 : memref<128x128xf32, #tpu.memory_space<vmem>>) target_semaphore(%run_scoped3A : memref<!tpu.dma_semaphore, #tpu.memory_space<semaphore_mem>>)
      %dma_wait3A = arith.constant 0 : i32
      %dma_wait3A_43 = tpu.memref_slice %arg10[%add3A_39, %dma_wait3A] : memref<10240x128xf32, #tpu.memory_space<vmem_shared>> -> memref<128x128xf32, #tpu.memory_space<vmem_shared>>
      %dma_wait3A_44 = arith.constant 0 : i32
      %dma_wait3A_45 = tpu.memref_slice %arg10[%add3A_39, %dma_wait3A_44] : memref<10240x128xf32, #tpu.memory_space<vmem_shared>> -> memref<128x128xf32, #tpu.memory_space<vmem_shared>>
      tpu.wait_dma2 semaphore(%run_scoped3A : memref<!tpu.dma_semaphore, #tpu.memory_space<semaphore_mem>>) src(%dma_wait3A_45 : memref<128x128xf32, #tpu.memory_space<vmem_shared>>) dst(%arg9 : memref<128x128xf32, #tpu.memory_space<vmem>>)
      tpu.yield
    }) : () -> ()
    "tpu.region"() ({
      %run_scoped3A = tpu.sem_alloc : memref<!tpu.dma_semaphore, #tpu.memory_space<semaphore_mem>>
      %dma_start3A = arith.constant 0 : i32
      %dma_start3A_40 = tpu.memref_slice %arg5[%arg0, %add3A_39, %dma_start3A] : memref<2x10240x128xf32, #tpu.memory_space<hbm>> -> memref<1x128x128xf32, #tpu.memory_space<hbm>>
      %dma_start3A_41 = tpu.memref_squeeze %dma_start3A_40 : memref<1x128x128xf32, #tpu.memory_space<hbm>> -> memref<128x128xf32, #tpu.memory_space<hbm>>
      %dma_start3A_42 = arith.constant 0 : i32
      %dma_start3A_43 = tpu.memref_slice %arg5[%arg0, %add3A_39, %dma_start3A_42] : memref<2x10240x128xf32, #tpu.memory_space<hbm>> -> memref<1x128x128xf32, #tpu.memory_space<hbm>>
      %dma_start3A_44 = tpu.memref_squeeze %dma_start3A_43 : memref<1x128x128xf32, #tpu.memory_space<hbm>> -> memref<128x128xf32, #tpu.memory_space<hbm>>
      tpu.enqueue_dma source(%arg9 : memref<128x128xf32, #tpu.memory_space<vmem>>) target(%dma_start3A_44 : memref<128x128xf32, #tpu.memory_space<hbm>>) target_semaphore(%run_scoped3A : memref<!tpu.dma_semaphore, #tpu.memory_space<semaphore_mem>>)
      %dma_wait3A = arith.constant 0 : i32
      %dma_wait3A_45 = tpu.memref_slice %arg5[%arg0, %add3A_39, %dma_wait3A] : memref<2x10240x128xf32, #tpu.memory_space<hbm>> -> memref<1x128x128xf32, #tpu.memory_space<hbm>>
      %dma_wait3A_46 = tpu.memref_squeeze %dma_wait3A_45 : memref<1x128x128xf32, #tpu.memory_space<hbm>> -> memref<128x128xf32, #tpu.memory_space<hbm>>
      %dma_wait3A_47 = arith.constant 0 : i32
      %dma_wait3A_48 = tpu.memref_slice %arg5[%arg0, %add3A_39, %dma_wait3A_47] : memref<2x10240x128xf32, #tpu.memory_space<hbm>> -> memref<1x128x128xf32, #tpu.memory_space<hbm>>
      %dma_wait3A_49 = tpu.memref_squeeze %dma_wait3A_48 : memref<1x128x128xf32, #tpu.memory_space<hbm>> -> memref<128x128xf32, #tpu.memory_space<hbm>>
      tpu.wait_dma2 semaphore(%run_scoped3A : memref<!tpu.dma_semaphore, #tpu.memory_space<semaphore_mem>>) src(%arg9 : memref<128x128xf32, #tpu.memory_space<vmem>>) dst(%dma_wait3A_49 : memref<128x128xf32, #tpu.memory_space<hbm>>)
      tpu.yield
    }) : () -> ()
    return
  }
}

module attributes {stable_mosaic.version = 14 : i64} {
  func.func @_tc3_body(%arg0: i32, %arg1: memref<2x400x128xf32, #tpu.memory_space<vmem>>, %arg2: memref<400x128xf32, #tpu.memory_space<vmem>>, %arg3: memref<400x16xf32, #tpu.memory_space<vmem>>, %arg4: memref<1x128xf32, #tpu.memory_space<vmem>>, %arg5: memref<400x128xf32, #tpu.memory_space<vmem>>) attributes {dimension_semantics = [#tpu.dimension_semantics<arbitrary>], iteration_bounds = array<i64: 25>, scalar_prefetch = 0 : i64, scratch_operands = 0 : i64, tpu.core_type = #tpu.core_type<tc>, window_params = [{transform_indices = @transform_0, window_bounds = array<i64: 2, 400, 128>}, {transform_indices = @transform_1, window_bounds = array<i64: 400, 128>}, {transform_indices = @transform_2, window_bounds = array<i64: 400, 16>}, {pipeline_mode = #tpu.pipeline_mode<synchronous>, transform_indices = @transform_3, window_bounds = array<i64: 1, 128>}, {transform_indices = @transform_4, window_bounds = array<i64: 400, 128>}]} {
    %get3A = arith.constant 0 : index
    %get3A_0 = arith.constant 0 : index
    %get3A_1 = vector.load %arg3[%get3A, %get3A_0] : memref<400x16xf32, #tpu.memory_space<vmem>>, vector<400x16xf32>
    %slice3A = vector.extract_strided_slice %get3A_1 {offsets = [0, 0], sizes = [400, 1], strides = [1, 1]} : vector<400x16xf32> to vector<400x1xf32>
    %get3A_2 = arith.constant 0 : index
    %get3A_3 = arith.constant 0 : index
    %get3A_4 = arith.constant 0 : index
    %get3A_5 = vector.load %arg1[%get3A_2, %get3A_3, %get3A_4] : memref<2x400x128xf32, #tpu.memory_space<vmem>>, vector<1x400x128xf32>
    %get3A_6 = vector.shape_cast %get3A_5 : vector<1x400x128xf32> to vector<400x128xf32>
    %get3A_7 = arith.constant 1 : index
    %get3A_8 = arith.constant 0 : index
    %get3A_9 = arith.constant 0 : index
    %get3A_10 = vector.load %arg1[%get3A_7, %get3A_8, %get3A_9] : memref<2x400x128xf32, #tpu.memory_space<vmem>>, vector<1x400x128xf32>
    %get3A_11 = vector.shape_cast %get3A_10 : vector<1x400x128xf32> to vector<400x128xf32>
    %add3A = arith.addf %get3A_6, %get3A_11 : vector<400x128xf32>
    %get3A_12 = arith.constant 0 : index
    %get3A_13 = arith.constant 0 : index
    %get3A_14 = vector.load %arg2[%get3A_12, %get3A_13] : memref<400x128xf32, #tpu.memory_space<vmem>>, vector<400x128xf32>
    %add3A_15 = arith.addf %add3A, %get3A_14 : vector<400x128xf32>
    %mul3A = vector.broadcast %slice3A : vector<400x1xf32> to vector<400x128xf32>
    %mul3A_16 = arith.mulf %add3A_15, %mul3A : vector<400x128xf32>
    %get3A_17 = arith.constant 0 : index
    %get3A_18 = arith.constant 0 : index
    %get3A_19 = vector.load %arg4[%get3A_17, %get3A_18] : memref<1x128xf32, #tpu.memory_space<vmem>>, vector<1x128xf32>
    %add3A_20 = vector.broadcast %get3A_19 : vector<1x128xf32> to vector<400x128xf32>
    %add3A_21 = arith.addf %mul3A_16, %add3A_20 : vector<400x128xf32>
    %max3A = arith.constant 0.000000e+00 : f32
    %max3A_22 = vector.broadcast %max3A : f32 to vector<400x128xf32>
    %max3A_23 = arith.maximumf %add3A_21, %max3A_22 : vector<400x128xf32>
    %swap3A = arith.constant 0 : index
    %swap3A_24 = arith.constant 0 : index
    %swap3A_25 = vector.load %arg5[%swap3A, %swap3A_24] : memref<400x128xf32, #tpu.memory_space<vmem>>, vector<400x128xf32>
    tpu.vector_store %arg5[%swap3A, %swap3A_24], %max3A_23 {strides = array<i32>} : memref<400x128xf32, #tpu.memory_space<vmem>>, vector<400x128xf32>,
    return
  }
  func.func @transform_0(%arg0: i32) -> (i32, i32, i32) {
    %c0_i32 = arith.constant 0 : i32
    %c0_i32_0 = arith.constant 0 : i32
    %c0_i32_1 = arith.constant 0 : i32
    return %c0_i32, %arg0, %c0_i32_0 : i32, i32, i32
  }
  func.func @transform_1(%arg0: i32) -> (i32, i32) {
    %c0_i32 = arith.constant 0 : i32
    %c0_i32_0 = arith.constant 0 : i32
    return %arg0, %c0_i32 : i32, i32
  }
  func.func @transform_2(%arg0: i32) -> (i32, i32) {
    %c0_i32 = arith.constant 0 : i32
    %c0_i32_0 = arith.constant 0 : i32
    return %arg0, %c0_i32 : i32, i32
  }
  func.func @transform_3(%arg0: i32) -> (i32, i32) {
    %c0_i32 = arith.constant 0 : i32
    %c0_i32_0 = arith.constant 0 : i32
    %c0_i32_1 = arith.constant 0 : i32
    return %c0_i32, %c0_i32_0 : i32, i32
  }
  func.func @transform_4(%arg0: i32) -> (i32, i32) {
    %c0_i32 = arith.constant 0 : i32
    %c0_i32_0 = arith.constant 0 : i32
    return %arg0, %c0_i32 : i32, i32
  }
}

module attributes {stable_mosaic.version = 14 : i64} {
  func.func @_tc2_body(%arg0: i32, %arg1: memref<2x400x128xf32, #tpu.memory_space<vmem>>, %arg2: memref<400x128xf32, #tpu.memory_space<vmem>>, %arg3: memref<400x16xf32, #tpu.memory_space<vmem>>, %arg4: memref<1x128xf32, #tpu.memory_space<vmem>>, %arg5: memref<128x128xf32, #tpu.memory_space<vmem>>, %arg6: memref<400x128xf32, #tpu.memory_space<vmem>>) attributes {dimension_semantics = [#tpu.dimension_semantics<arbitrary>], iteration_bounds = array<i64: 25>, scalar_prefetch = 0 : i64, scratch_operands = 0 : i64, tpu.core_type = #tpu.core_type<tc>, window_params = [{transform_indices = @transform_0, window_bounds = array<i64: 2, 400, 128>}, {transform_indices = @transform_1, window_bounds = array<i64: 400, 128>}, {transform_indices = @transform_2, window_bounds = array<i64: 400, 16>}, {pipeline_mode = #tpu.pipeline_mode<synchronous>, transform_indices = @transform_3, window_bounds = array<i64: 1, 128>}, {pipeline_mode = #tpu.pipeline_mode<synchronous>, transform_indices = @transform_4, window_bounds = array<i64: 128, 128>}, {transform_indices = @transform_5, window_bounds = array<i64: 400, 128>}]} {
    %get3A = arith.constant 0 : index
    %get3A_0 = arith.constant 0 : index
    %get3A_1 = vector.load %arg3[%get3A, %get3A_0] : memref<400x16xf32, #tpu.memory_space<vmem>>, vector<400x16xf32>
    %slice3A = vector.extract_strided_slice %get3A_1 {offsets = [0, 0], sizes = [400, 1], strides = [1, 1]} : vector<400x16xf32> to vector<400x1xf32>
    %get3A_2 = arith.constant 0 : index
    %get3A_3 = arith.constant 0 : index
    %get3A_4 = arith.constant 0 : index
    %get3A_5 = vector.load %arg1[%get3A_2, %get3A_3, %get3A_4] : memref<2x400x128xf32, #tpu.memory_space<vmem>>, vector<1x400x128xf32>
    %get3A_6 = vector.shape_cast %get3A_5 : vector<1x400x128xf32> to vector<400x128xf32>
    %get3A_7 = arith.constant 1 : index
    %get3A_8 = arith.constant 0 : index
    %get3A_9 = arith.constant 0 : index
    %get3A_10 = vector.load %arg1[%get3A_7, %get3A_8, %get3A_9] : memref<2x400x128xf32, #tpu.memory_space<vmem>>, vector<1x400x128xf32>
    %get3A_11 = vector.shape_cast %get3A_10 : vector<1x400x128xf32> to vector<400x128xf32>
    %add3A = arith.addf %get3A_6, %get3A_11 : vector<400x128xf32>
    %get3A_12 = arith.constant 0 : index
    %get3A_13 = arith.constant 0 : index
    %get3A_14 = vector.load %arg2[%get3A_12, %get3A_13] : memref<400x128xf32, #tpu.memory_space<vmem>>, vector<400x128xf32>
    %add3A_15 = arith.addf %add3A, %get3A_14 : vector<400x128xf32>
    %mul3A = vector.broadcast %slice3A : vector<400x1xf32> to vector<400x128xf32>
    %mul3A_16 = arith.mulf %add3A_15, %mul3A : vector<400x128xf32>
    %get3A_17 = arith.constant 0 : index
    %get3A_18 = arith.constant 0 : index
    %get3A_19 = vector.load %arg4[%get3A_17, %get3A_18] : memref<1x128xf32, #tpu.memory_space<vmem>>, vector<1x128xf32>
    %add3A_20 = vector.broadcast %get3A_19 : vector<1x128xf32> to vector<400x128xf32>
    %add3A_21 = arith.addf %mul3A_16, %add3A_20 : vector<400x128xf32>
    %max3A = arith.constant 0.000000e+00 : f32
    %max3A_22 = vector.broadcast %max3A : f32 to vector<400x128xf32>
    %max3A_23 = arith.maximumf %add3A_21, %max3A_22 : vector<400x128xf32>
    %get3A_24 = arith.constant 0 : index
    %get3A_25 = arith.constant 0 : index
    %get3A_26 = vector.load %arg5[%get3A_24, %get3A_25] : memref<128x128xf32, #tpu.memory_space<vmem>>, vector<128x128xf32>
    %dot_general3A = arith.constant dense<0.000000e+00> : vector<400x128xf32>
    %dot_general3A_27 = tpu.matmul %max3A_23, %get3A_26, %dot_general3A {dimension_numbers = #tpu.dot_dimension_numbers<[1], [0], [0], [1], [0, 0, 1, 1], [], []>, transpose_lhs_hint = false} : vector<400x128xf32>, vector<128x128xf32>, vector<400x128xf32> -> vector<400x128xf32>
    %mul3A_28 = vector.broadcast %slice3A : vector<400x1xf32> to vector<400x128xf32>
    %mul3A_29 = arith.mulf %dot_general3A_27, %mul3A_28 : vector<400x128xf32>
    %swap3A = arith.constant 0 : index
    %swap3A_30 = arith.constant 0 : index
    %swap3A_31 = vector.load %arg6[%swap3A, %swap3A_30] : memref<400x128xf32, #tpu.memory_space<vmem>>, vector<400x128xf32>
    tpu.vector_store %arg6[%swap3A, %swap3A_30], %mul3A_29 {strides = array<i32>} : memref<400x128xf32, #tpu.memory_space<vmem>>, vector<400x128xf32>,
    return
  }
  func.func @transform_0(%arg0: i32) -> (i32, i32, i32) {
    %c0_i32 = arith.constant 0 : i32
    %c0_i32_0 = arith.constant 0 : i32
    %c0_i32_1 = arith.constant 0 : i32
    return %c0_i32, %arg0, %c0_i32_0 : i32, i32, i32
  }
  func.func @transform_1(%arg0: i32) -> (i32, i32) {
    %c0_i32 = arith.constant 0 : i32
    %c0_i32_0 = arith.constant 0 : i32
    return %arg0, %c0_i32 : i32, i32
  }
  func.func @transform_2(%arg0: i32) -> (i32, i32) {
    %c0_i32 = arith.constant 0 : i32
    %c0_i32_0 = arith.constant 0 : i32
    return %arg0, %c0_i32 : i32, i32
  }
  func.func @transform_3(%arg0: i32) -> (i32, i32) {
    %c0_i32 = arith.constant 0 : i32
    %c0_i32_0 = arith.constant 0 : i32
    %c0_i32_1 = arith.constant 0 : i32
    return %c0_i32, %c0_i32_0 : i32, i32
  }
  func.func @transform_4(%arg0: i32) -> (i32, i32) {
    %c0_i32 = arith.constant 0 : i32
    %c0_i32_0 = arith.constant 0 : i32
    %c0_i32_1 = arith.constant 0 : i32
    return %c0_i32, %c0_i32_0 : i32, i32
  }
  func.func @transform_5(%arg0: i32) -> (i32, i32) {
    %c0_i32 = arith.constant 0 : i32
    %c0_i32_0 = arith.constant 0 : i32
    return %arg0, %c0_i32 : i32, i32
  }
}

module attributes {stable_mosaic.version = 14 : i64} {
  func.func @_tc1_body(%arg0: i32, %arg1: memref<400x128xf32, #tpu.memory_space<vmem>>, %arg2: memref<128x128xf32, #tpu.memory_space<vmem>>, %arg3: memref<2x400x128xf32, #tpu.memory_space<vmem>>, %arg4: memref<400x128xf32, #tpu.memory_space<vmem>>, %arg5: memref<400x16xf32, #tpu.memory_space<vmem>>) attributes {dimension_semantics = [#tpu.dimension_semantics<arbitrary>], iteration_bounds = array<i64: 25>, scalar_prefetch = 0 : i64, scratch_operands = 0 : i64, tpu.core_type = #tpu.core_type<tc>, window_params = [{transform_indices = @transform_0, window_bounds = array<i64: 400, 128>}, {pipeline_mode = #tpu.pipeline_mode<synchronous>, transform_indices = @transform_1, window_bounds = array<i64: 128, 128>}, {transform_indices = @transform_2, window_bounds = array<i64: 2, 400, 128>}, {transform_indices = @transform_3, window_bounds = array<i64: 400, 128>}, {transform_indices = @transform_4, window_bounds = array<i64: 400, 16>}]} {
    %get3A = arith.constant 0 : index
    %get3A_0 = arith.constant 0 : index
    %get3A_1 = arith.constant 0 : index
    %get3A_2 = vector.load %arg3[%get3A, %get3A_0, %get3A_1] : memref<2x400x128xf32, #tpu.memory_space<vmem>>, vector<1x400x128xf32>
    %get3A_3 = vector.shape_cast %get3A_2 : vector<1x400x128xf32> to vector<400x128xf32>
    %slice3A = vector.extract_strided_slice %get3A_3 {offsets = [0, 0], sizes = [400, 1], strides = [1, 1]} : vector<400x128xf32> to vector<400x1xf32>
    %get3A_4 = arith.constant 1 : index
    %get3A_5 = arith.constant 0 : index
    %get3A_6 = arith.constant 0 : index
    %get3A_7 = vector.load %arg3[%get3A_4, %get3A_5, %get3A_6] : memref<2x400x128xf32, #tpu.memory_space<vmem>>, vector<1x400x128xf32>
    %get3A_8 = vector.shape_cast %get3A_7 : vector<1x400x128xf32> to vector<400x128xf32>
    %slice3A_9 = vector.extract_strided_slice %get3A_8 {offsets = [0, 0], sizes = [400, 1], strides = [1, 1]} : vector<400x128xf32> to vector<400x1xf32>
    %add3A = arith.addf %slice3A, %slice3A_9 : vector<400x1xf32>
    %add3A_10 = arith.constant 1.000000e+00 : f32
    %add3A_11 = vector.broadcast %add3A_10 : f32 to vector<400x1xf32>
    %add3A_12 = arith.addf %add3A, %add3A_11 : vector<400x1xf32>
    %rsqrt3A = math.rsqrt %add3A_12 : vector<400x1xf32>
    %broadcast_in_dim3A = arith.constant 0.000000e+00 : f32
    %broadcast_in_dim3A_13 = vector.broadcast %broadcast_in_dim3A : f32 to vector<400x16xf32>
    %add3A_14 = vector.broadcast %rsqrt3A : vector<400x1xf32> to vector<400x16xf32>
    %add3A_15 = arith.addf %add3A_14, %broadcast_in_dim3A_13 : vector<400x16xf32>
    %swap3A = arith.constant 0 : index
    %swap3A_16 = arith.constant 0 : index
    %swap3A_17 = vector.load %arg5[%swap3A, %swap3A_16] : memref<400x16xf32, #tpu.memory_space<vmem>>, vector<400x16xf32>
    tpu.vector_store %arg5[%swap3A, %swap3A_16], %add3A_15 {strides = array<i32>} : memref<400x16xf32, #tpu.memory_space<vmem>>, vector<400x16xf32>,
    %get3A_18 = arith.constant 0 : index
    %get3A_19 = arith.constant 0 : index
    %get3A_20 = vector.load %arg1[%get3A_18, %get3A_19] : memref<400x128xf32, #tpu.memory_space<vmem>>, vector<400x128xf32>
    %get3A_21 = arith.constant 0 : index
    %get3A_22 = arith.constant 0 : index
    %get3A_23 = vector.load %arg2[%get3A_21, %get3A_22] : memref<128x128xf32, #tpu.memory_space<vmem>>, vector<128x128xf32>
    %dot_general3A = arith.constant dense<0.000000e+00> : vector<400x128xf32>
    %dot_general3A_24 = tpu.matmul %get3A_20, %get3A_23, %dot_general3A {dimension_numbers = #tpu.dot_dimension_numbers<[1], [0], [0], [1], [0, 0, 1, 1], [], []>, transpose_lhs_hint = false} : vector<400x128xf32>, vector<128x128xf32>, vector<400x128xf32> -> vector<400x128xf32>
    %mul3A = vector.broadcast %rsqrt3A : vector<400x1xf32> to vector<400x128xf32>
    %mul3A_25 = arith.mulf %dot_general3A_24, %mul3A : vector<400x128xf32>
    %swap3A_26 = arith.constant 0 : index
    %swap3A_27 = arith.constant 0 : index
    %swap3A_28 = vector.load %arg4[%swap3A_26, %swap3A_27] : memref<400x128xf32, #tpu.memory_space<vmem>>, vector<400x128xf32>
    tpu.vector_store %arg4[%swap3A_26, %swap3A_27], %mul3A_25 {strides = array<i32>} : memref<400x128xf32, #tpu.memory_space<vmem>>, vector<400x128xf32>,
    return
  }
  func.func @transform_0(%arg0: i32) -> (i32, i32) {
    %c0_i32 = arith.constant 0 : i32
    %c0_i32_0 = arith.constant 0 : i32
    return %arg0, %c0_i32 : i32, i32
  }
  func.func @transform_1(%arg0: i32) -> (i32, i32) {
    %c0_i32 = arith.constant 0 : i32
    %c0_i32_0 = arith.constant 0 : i32
    %c0_i32_1 = arith.constant 0 : i32
    return %c0_i32, %c0_i32_0 : i32, i32
  }
  func.func @transform_2(%arg0: i32) -> (i32, i32, i32) {
    %c0_i32 = arith.constant 0 : i32
    %c0_i32_0 = arith.constant 0 : i32
    %c0_i32_1 = arith.constant 0 : i32
    return %c0_i32, %arg0, %c0_i32_0 : i32, i32, i32
  }
  func.func @transform_3(%arg0: i32) -> (i32, i32) {
    %c0_i32 = arith.constant 0 : i32
    %c0_i32_0 = arith.constant 0 : i32
    return %arg0, %c0_i32 : i32, i32
  }
  func.func @transform_4(%arg0: i32) -> (i32, i32) {
    %c0_i32 = arith.constant 0 : i32
    %c0_i32_0 = arith.constant 0 : i32
    return %arg0, %c0_i32 : i32, i32
  }
}

</mosaic_0001>

<sc_bundles>
// kernel: kernel.11.cloned.1.call-start
scs
__scs_entry_jumppad:
0x0: {  	(pc) =	sbr.rel $0x88, $3  }
0x1: {  	(tag) =	ssettag $0x0;
	lr =	simm.s32 $0x1  }
0x2: {  	[smem:$0x3F9B] =	sst lr;
	_ =	strace $0xD0000000  }
0x3: {  	_ = 	snop  }
0x4: {  	_ = 	snop  }
0x5: {  	_ = 	snop  }
0x6: {  	_ = 	snop  }
0x7: {  	_ = 	snop  }
__scs_overlays_trampoline_lowered:
0x8: {  	[smem:$0x3FAA] =	sst s0  }
0x9: {  	[smem:$0x3FAB] =	sst s1  }
0xa: {  	[smem:$0x3FAC] =	sst s2  }
0xb: {  	[smem:$0x3FAD] =	sst s3  }
0xc: {  	[smem:$0x3FAE] =	sst s4  }
0xd: {  	[smem:$0x3FAF] =	sst s5  }
0xe: {  	[smem:$0x3FB0] =	sst s6  }
0xf: {  	[smem:$0x3FB1] =	sst s7  }
0x10: {  	[smem:$0x3FB2] =	sst s8  }
0x11: {  	[smem:$0x3FB3] =	sst s9;
	s0 =	simm.s32 @!p0 $0x0  }
0x12: {  	s1 =	sld [smem:$0x3F99];
	s0 =	simm.s32 @p0 $0x1  }
0x13: {  	[smem:$0x3FB4] =	sst s0;
	s0 =	simm.s32 @!p1 $0x0  }
0x14: {  	s2 =	sld [smem:$0x3F98];
	s0 =	simm.s32 @p1 $0x1  }
0x15: {  	[smem:$0x3FB5] =	sst s0;
	s0 =	simm.s32 @!p2 $0x0  }
0x16: {  	s3 =	sld [smem:$0x3FDB];
	s0 =	simm.s32 @p2 $0x1  }
0x17: {  	s4 =	simm.s32 $0x1BF5;
	[smem:$0x3FB7] =	sst s0  }
0x18: {  	s0 =	sld [smem:$0x3F9A];
	_ =	swait.ge [sflag:s4], $0x0  }
0x19: {  	s7 =	sld [smem:$0x3F9B]  }
0x1a: {  	s8 =	sadd.s32 $0xFFFFE003, lr  }
0x1b: {  	s9 =	sadd.s32 $0xFFFFFEF7, lr;
	s5 =	simm.s32 $0xFFFFFFFF;
	p2 =	slt.u32 s8, $0xFFFFF086  }
0x1c: {  	p1 =	slt.u32 s9, $0xF7A;
	s5 =	simm.s32 @!p2 $0x0  }
0x1d: {  	s5 =	simm.s32 @p1 $0x1;
	p0 =	seq.s32 s7, s2  }
0x1e: {  	s7 =	smul.u32 @!p0 $0xF7A, s2;
	p2 =	seq.s32 @!p0 s5, $0x0  }
0x1f: {  	s9 =	smul.u32 $0xF7A, s1;
	s8 =	simm.s32 @!p0 $0x1BF5;
	p2 =	por !p2, p0  }
0x20: {  	[sflag:s8] =	ssyncset.s32 @!p0 $0xFFFFF086;
	s6 =	sadd.s32 @!p0 s3, s7;
	s7 =	simm.s32 @!p0 $0x108  }
0x21: {  	s3 =	sadd.s32 s3, s9;
	s6 =	sadd.s32 @!p0 $0x88, s6;
	s7 =	simm.s32 @p2 $0x1082  }
0x22: {  	[simem:s7], [sflag:s8] =	dma.local @!p0 [hbm:s6], $0xF7A  }
0x23: {  	s9 =	sor.u32 $0xD0000000, s2;
	s6 =	simm.s32 $0x108;
	_ =	swait.ge @!p0 [sflag:s8], $0x0  }
0x24: {  	s3 =	sadd.s32 $0x88, s3;
	s6 =	simm.s32 @!p1 $0x1082;
	[sflag:s4] =	ssyncset.s32 $0xFFFFF086  }
0x25: {  	[simem:s6], [sflag:s4] =	dma.local [hbm:s3], $0xF7A  }
0x26: {  	[smem:$0x3F9B] =	sst s1;
	(tag) =	ssettag s2;
	_ =	strace s9  }
0x27: {  	s1 =	sld [smem:$0x3FAB]  }
0x28: {  	s2 =	sld [smem:$0x3FAC]  }
0x29: {  	s4 =	sld [smem:$0x3FAE]  }
0x2a: {  	p0 =	seq.s32 s5, $0x0;
	s5 =	sld [smem:$0x3FAF]  }
0x2b: {  	s6 =	sld [smem:$0x3FB0]  }
0x2c: {  	s7 =	sld [smem:$0x3FB1]  }
0x2d: {  	s3 =	simm.s32 $0x108;
	s8 =	sld [smem:$0x3FB2]  }
0x2e: {  	s3 =	simm.s32 @!p0 $0x1082;
	s9 =	sld [smem:$0x3FB3]  }
0x2f: {  	lr =	sadd.s32 s0, s3;
	s0 =	sld [smem:$0x3FAA]  }
0x30: {  	s3 =	sld [smem:$0x3FAD]  }
0x31: {  	[smem:$0x3FB6] =	sst s10  }
0x32: {  	s10 =	sld [smem:$0x3FB4];
	_ =	sdelay $0x3  }
0x33: {  	p0 =	seq.s32 s10, $0x1;
	s10 =	sld [smem:$0x3FB6];
	_ =	sdelay $0x3  }
0x34: {  	[smem:$0x3FB6] =	sst s10  }
0x35: {  	s10 =	sld [smem:$0x3FB5];
	_ =	sdelay $0x3  }
0x36: {  	p1 =	seq.s32 s10, $0x1;
	s10 =	sld [smem:$0x3FB6];
	_ =	sdelay $0x3  }
0x37: {  	[smem:$0x3FB6] =	sst s10  }
0x38: {  	s10 =	sld [smem:$0x3FB7]  }
0x39: {  	_ = 	snop;
	(pc) =	sbr.ind lr, $3  }
0x3a: {  	_ = 	snop  }
0x3b: {  	_ = 	snop  }
0x3c: {  	p2 =	seq.s32 s10, $0x1;
	s10 =	sld [smem:$0x3FB6]  }
0x3d: {  	_ =	shalt  }
0x3e: {  	_ =	shalt  }
0x3f: {  	_ =	shalt  }
0x40: {  	_ =	shalt  }
0x41: {  	_ =	shalt  }
0x42: {  	_ =	shalt  }
0x43: {  	_ =	shalt  }
0x44: {  	_ =	shalt  }
0x45: {  	_ =	shalt  }
0x46: {  	_ =	shalt  }
0x47: {  	_ =	shalt  }
0x48: {  	_ =	shalt  }
0x49: {  	_ =	shalt  }
0x4a: {  	_ =	shalt  }
0x4b: {  	_ =	shalt  }
0x4c: {  	_ =	shalt  }
0x4d: {  	_ =	shalt  }
0x4e: {  	_ =	shalt  }
0x4f: {  	_ =	shalt  }
0x50: {  	_ =	shalt  }
0x51: {  	_ =	shalt  }
0x52: {  	_ =	shalt  }
0x53: {  	_ =	shalt  }
0x54: {  	_ =	shalt  }
0x55: {  	_ =	shalt  }
0x56: {  	_ =	shalt  }
0x57: {  	_ =	shalt  }
0x58: {  	_ =	shalt  }
0x59: {  	_ =	shalt  }
0x5a: {  	_ =	shalt  }
0x5b: {  	_ =	shalt  }
0x5c: {  	_ =	shalt  }
0x5d: {  	_ =	shalt  }
0x5e: {  	_ =	shalt  }
0x5f: {  	_ =	shalt  }
0x60: {  	_ =	shalt  }
0x61: {  	_ =	shalt  }
0x62: {  	_ =	shalt  }
0x63: {  	_ =	shalt  }
0x64: {  	_ =	shalt  }
0x65: {  	_ =	shalt  }
0x66: {  	_ =	shalt  }
0x67: {  	_ =	shalt  }
0x68: {  	_ =	shalt  }
0x69: {  	_ =	shalt  }
0x6a: {  	_ =	shalt  }
0x6b: {  	_ =	shalt  }
0x6c: {  	_ =	shalt  }
0x6d: {  	_ =	shalt  }
0x6e: {  	_ =	shalt  }
0x6f: {  	_ =	shalt  }
0x70: {  	_ =	shalt  }
0x71: {  	_ =	shalt  }
0x72: {  	_ =	shalt  }
0x73: {  	_ =	shalt  }
0x74: {  	_ =	shalt  }
0x75: {  	_ =	shalt  }
0x76: {  	_ =	shalt  }
0x77: {  	_ =	shalt  }
0x78: {  	_ =	shalt  }
0x79: {  	_ =	shalt  }
0x7a: {  	_ =	shalt  }
0x7b: {  	_ =	shalt  }
0x7c: {  	_ =	shalt  }
0x7d: {  	_ =	shalt  }
0x7e: {  	_ =	shalt  }
0x7f: {  	_ =	shalt  }
0x80: {  	_ =	shalt  }
0x81: {  	_ =	shalt  }
0x82: {  	_ =	shalt  }
0x83: {  	_ =	shalt  }
0x84: {  	_ =	shalt  }
0x85: {  	_ =	shalt  }
0x86: {  	_ =	shalt  }
0x87: {  	_ =	shalt  }
.Lfunc_end0:
.L_simem_size_0:
called_computation.1_lowered:
.L_overlay_start_0:
0x88: {  	s2 =	sld [smem:$0x3FD9]  }
0x89: {  	s3 =	sld [smem:$0x3FFE];
	_ =	sdelay $0x1  }
0x8a: {  	s1 =	srdreg.scid  }
0x8b: {  	s0 =	sand.u32 $0x1, s1  }
0x8c: {  	s17 =	sshll.u32 s0, $0xA;
	s2 =	sadd.s32 s3, s2  }
0x8d: {  	s2 =	sadd.s32 s2, s17  }
0x8e: {  	[smem:$0x3FC2] =	sst s2  }
0x8f: {  	_ = 	snop  }
0x90: {  	s2 =	sld [smem:$0x3FD0];
	(tm) =	ssettm $0x1  }
0x91: {  	s18 =	sld [smem:$0x3FFB];
	_ =	sdelay $0x3  }
0x92: {  	_ =	strace s18  }
0x93: {  	s3 =	sld [smem:$0x3FFC];
	_ =	sdelay $0x3  }
0x94: {  	_ =	strace s3  }
0x95: {  	s3 =	sld [smem:$0x3FFD];
	_ =	sdelay $0x3  }
0x96: {  	_ =	strace s3  }
0x97: {  	_ =	strace $0x8FFFFFFF  }
0x98: {  	s19 =	sld [smem:$0x3FDB];
	_ =	sdelay $0x1  }
0x99: {  	s4 =	simm.s32 $_scs_section_size  }
0x9a: {  	s5 =	simm.s32 $_size__tile_overlayer_lowered;
	s6 =	simm.s32 $_tile_overlayer_lowered  }
0x9b: {  	s22 =	simm.s32 $0x1BFF;
	s21 =	sshll.u32 s6, $0x1;
	s3 =	sadd.s32 s4, s19  }
0x9c: {  	s7 =	simm.s32 $0x0;
	s20 =	sshll.u32 s5, $0x1;
	s5 =	sadd.s32 s21, s3  }
0x9d: {  	[timem:s7], [sflag:s22] =	dma.local [hbm:s5], s20  }
0x9e: {  	_ =	swait.ge [sflag:s22], s20  }
0x9f: {  	s4 =	ssub.s32 $0x0, s20;
	[sflag:s22] =	ssyncset.done $0x0  }
0xa0: {  	[sflag:s22] =	ssyncadd.s32 s4;
	_ =	sdelay $0x1  }
0xa1: {  	s23 =	simm.s32 $0x1B8B  }
0xa2: {  	_ =	swait.ge [sflag:s23], $0x1  }
0xa3: {  	[sflag:s23] =	ssyncset.done $0x0  }
0xa4: {  	s25 =	simm.s32 $0x1B8E;
	s24 =	sld [smem:$0x3FFE];
	[sflag:s23] =	ssyncadd.s32 $0xFFFFFFFF  }
0xa5: {  	s26 =	simm.s32 $execute0_lowered;
	[smem:$0x3FD2] =	sst s25  }
0xa6: {  	s5 =	sshll.u32 s26, $0x1;
	_ =	strace $0x80000049;
	[dreg:$0x1] =	wrdreg $0xFFFFFFFF  }
0xa7: {  	s28 =	simm.s32 $_size_execute0_lowered;
	s3 =	sadd.s32 s3, s5;
	[dreg:$0x0] =	wrdreg $0x0  }
0xa8: {  	s5 =	sshll.u32 s28, $0x1;
	[dreg:$0x2] =	wrdreg s3  }
0xa9: {  	[dreg:$0x3] =	wrdreg s5  }
0xaa: {  	[dreg:$0x4] =	wrdreg $0xC0  }
0xab: {  	_ =	task [dreg:s7], $0x5FFFF  }
0xac: {  	[dreg:$0x1] =	wrdreg $0xFFFFFFFF  }
0xad: {  	[dreg:$0x0] =	wrdreg $0x60  }
0xae: {  	[dreg:$0x2] =	wrdreg s2  }
0xaf: {  	[dreg:$0x3] =	wrdreg s24  }
0xb0: {  	[dreg:$0x4] =	wrdreg $0x90000  }
0xb1: {  	[dreg:$0x5] =	wrdreg $0x9  }
0xb2: {  	_ =	task.clear_ibuf [dreg:s7], $0x6FFFF;
	_ =	strace $0x90000049  }
0xb3: {  	s29 =	simm.s32 $0x9;
	_ =	strace $0x8000004B  }
0xb4: {  	_ =	swait.ge [sflag:s29], $0x1  }
0xb5: {  	[sflag:s29] =	ssyncadd.s32 $0xFFFFFFFF  }
0xb6: {  	_ =	strace $0x9000004B  }
0xb7: {  	_ =	sfence  }
0xb8: {  	s30 =	sld [smem:$0x0];
	_ =	sdelay $0x2  }
0xb9: {  	s31 =	sshll.u32 s1, $0xD;
	s1 =	sshrl.u32 s1, $0x2  }
0xba: {  	s3 =	sand.u32 $0x4000, s31;
	s1 =	sadd.s32 s1, s30  }
0xbb: {  	s0 =	sor.u32 s3, s0;
	s1 =	sshll.u32 s1, $0x11  }
0xbc: {  	s0 =	sor.u32 s1, s0  }
0xbd: {  	s0 =	sadd.s32 $0x8F2B, s0  }
0xbe: {  	[sflag:s0] =	ssyncadd.remote.s32 $0x1  }
0xbf: {  	_ =	sfence.sel $0xFFFF  }
0xc0: {  	[dreg:$0x0] =	wrdreg $0xFFFFFFFF;
	(pc) =	sbr.abs _section_cstart, $3  }
0xc1: {  	[dreg:$0x1] =	wrdreg $0xFFFFFFFF  }
0xc2: {  	_ =	task.clear_ibuf [dreg:s7], $0x2FFFF;
	_ =	strace $0x9FFFFFFF  }
0xc3: {  	(tm) =	ssettm $0x7FFFFFFF  }
tec
execute0_lowered:
.L_overlay_start_1:
0x0: {  	(tag) =	ssettag $0x1  }
0x1: {  	s2 =	rddreg [dreg:$0x0]  }
0x2: {  	s1 =	srdreg.scid;
	s5 =	rddreg [dreg:$0x1]  }
0x3: {  	s0 =	stileid.u32;
	s3 =	rddreg [dreg:$0x2]  }
0x4: {  	s4 =	simm.s32 $0x0;
	s21 =	simm.s32 $0x50;
	s8 =	smul.u32 $0x4E20, s0  }
0x5: {  	s22 =	simm.s32 $0x2800;
	s23 =	simm.s32 $0x1;
	s28 =	smul.u32 $0x50000, s0  }
0x6: {  	s24 =	simm.s32 $0x0;
	s6 =	sand.u32 $0x1, s1;
	s30 =	smul.u32 $0x14000, s0  }
0x7: {  	s25 =	sshll.u32 s0, $0x1;
	[smem:$0x7FF] =	sst s4;
	s9 =	smul.u32 $0x2710, s6  }
0x8: {  	s15 =	sadd.s32 $0x15C00, s5;
	s1 =	sor.u32 s6, s25;
	s18 =	smul.u32 $0x140000, s6  }
0x9: {  	s29 =	ssub.s32 $0x2, s6;
	s7 =	smul.u32 $0x2710, s1;
	s1 =	rddreg [dreg:$0x3]  }
0xa: {  	_ =	strace $0x8000004A;
	s31 =	sshrl.u32 s29, $0x1;
	s11 =	sadd.s32 $0x4000, s30  }
0xb: {  	s13 =	sadd.s32 $0x8000, s30;
	s14 =	sadd.s32 $0xC000, s30;
	s19 =	sadd.s32 $0x10000, s30  }
0xc: {  	s8 =	sadd.s32 s9, s8;
	s16 =	ssub.s32 s29, s31;
	s6 =	sadd.s32 s11, s3  }
0xd: {  	s12 =	sadd.s32 s30, s18;
	s11 =	sadd.s32 s18, s11;
	s9 =	sadd.s32 s19, s3  }
0xe: {  	s7 =	sshrl.u32 s7, $0x3;
	s26 =	sshrl.u32 s8, $0x3;
	s8 =	sshrl.u32 s28, $0x2  }
0xf: {  	s12 =	sshrl.u32 s12, $0x3;
	s20 =	sshrl.u32 s11, $0x3;
	s16 =	smax.u32 s16, $0x1  }
0x10: {  	s10 =	sadd.s32 s7, s5;
	s17 =	sadd.s32 s26, s5;
	s5 =	sadd.s32 s8, s3  }
0x11: {  	s7 =	sadd.s32 s13, s3;
	s8 =	sadd.s32 s14, s3;
	s11 =	sadd.s32 s15, s12  }
0x12: {  	s12 =	sadd.s32 s15, s20;
	s13 =	sadd.s32 s18, s13;
	s14 =	sadd.s32 s18, s14  }
0x13: {  	s18 =	sadd.s32 s18, s19;
	s19 =	simm.s32 $0x2;
	s20 =	simm.s32 $0x2780  }
0x14: {  	s10 =	sadd.s32 $0x2000, s10;
	s13 =	sshrl.u32 s13, $0x3;
	s14 =	sshrl.u32 s14, $0x3  }
0x15: {  	s18 =	sshrl.u32 s18, $0x3;
	s17 =	sadd.s32 $0xBE00, s17;
	s13 =	sadd.s32 s15, s13  }
0x16: {  	v0 =	vimm.f32 $0.0e+00;
	s14 =	sadd.s32 s15, s14;
	s15 =	sadd.s32 s15, s18;
	s18 =	simm.s32 $0x5000  }
.LBB2_1:
0x17: {  	s25 =	simm.s32 $0x0;
	s26 =	simm.s32 $0x200  }
.LBB2_2:
0x18: {  	p0 =	sne.s32 s26, $0xFE00;
	[tilespmem:s25+$0x5070] =	vst v0  }
0x19: {  	[tilespmem:s25+$0x5000] =	vst v0  }
0x1a: {  	[tilespmem:s25+$0x5010] =	vst v0  }
.Ltmp0:
0x1b: {  	[tilespmem:s25+$0x5020] =	vst v0;
	(pc) =	sbr.rel @p0 .LBB2_2-.Ltmp0, $4  }
0x1c: {  	[tilespmem:s25+$0x5030] =	vst v0  }
0x1d: {  	[tilespmem:s25+$0x5040] =	vst v0  }
0x1e: {  	[tilespmem:s25+$0x5050] =	vst v0  }
0x1f: {  	[tilespmem:s25+$0x5060] =	vst v0;
	s25 =	sshra.s32 s26, $0x2;
	s26 =	sadd.s32 $0x200, s26  }
0x20: {  	[tilespmem:s25+$0x5070] =	vst v0  }
0x21: {  	[tilespmem:s25+$0x5000] =	vst v0  }
0x22: {  	[tilespmem:s25+$0x5010] =	vst v0  }
0x23: {  	[tilespmem:s25+$0x5020] =	vst v0  }
0x24: {  	[tilespmem:s25+$0x5030] =	vst v0  }
0x25: {  	[tilespmem:s25+$0x5040] =	vst v0  }
0x26: {  	[tilespmem:s25+$0x5050] =	vst v0  }
0x27: {  	[tilespmem:s25+$0x5060] =	vst v0  }
0x28: {  	[spmem:s5] =	stream.linear.scatter [tilespmem:s18], [sflag:$0x2], $0x4000, $0x38;
	[tilespmem:$0x1D000] =	vst v63  }
0x29: {  	_ =	swait.ge [sflag:s19], $0x4000  }
0x2a: {  	[sflag:s19] =	ssyncset.done $0x0  }
0x2b: {  	[sflag:s19] =	ssyncadd.s32 $0xFFFFC000  }
0x2c: {  	[spmem:s6] =	stream.linear.scatter [tilespmem:s18], [sflag:$0x2], $0x4000, $0x38;
	[tilespmem:$0x1D000] =	vst v63  }
0x2d: {  	_ =	swait.ge [sflag:s19], $0x4000  }
0x2e: {  	[sflag:s19] =	ssyncset.done $0x0  }
0x2f: {  	[sflag:s19] =	ssyncadd.s32 $0xFFFFC000  }
0x30: {  	[spmem:s7] =	stream.linear.scatter [tilespmem:s18], [sflag:$0x2], $0x4000, $0x38;
	[tilespmem:$0x1D000] =	vst v63  }
0x31: {  	_ =	swait.ge [sflag:s19], $0x4000  }
0x32: {  	[sflag:s19] =	ssyncset.done $0x0  }
0x33: {  	[sflag:s19] =	ssyncadd.s32 $0xFFFFC000  }
0x34: {  	[spmem:s8] =	stream.linear.scatter [tilespmem:s18], [sflag:$0x2], $0x4000, $0x38;
	[tilespmem:$0x1D000] =	vst v63  }
0x35: {  	_ =	swait.ge [sflag:s19], $0x4000  }
0x36: {  	[sflag:s19] =	ssyncset.done $0x0  }
0x37: {  	[sflag:s19] =	ssyncadd.s32 $0xFFFFC000  }
0x38: {  	[spmem:s9] =	stream.linear.scatter [tilespmem:s18], [sflag:$0x2], $0x4000, $0x38;
	[tilespmem:$0x1D000] =	vst v63  }
0x39: {  	_ =	swait.ge [sflag:s19], $0x4000  }
0x3a: {  	[sflag:s19] =	ssyncset.done $0x0  }
0x3b: {  	[sflag:s19] =	ssyncadd.s32 $0xFFFFC000  }
0x3c: {  	s31 =	simm.s32 $0x0;
	[bflag:$0x0] =	sbarrier.arrive $0xFFFF  }
0x3d: {  	[tilespmem:s31], [sflag:$0x2] =	stream.linear.gather [hbm4b:s10+s31], $0x2710, $0x38;
	[tilespmem:$0x1D000] =	vst v63  }
0x3e: {  	_ =	swait.ge [sflag:s19], $0x2710  }
0x3f: {  	[sflag:s19] =	ssyncset.done $0x0  }
0x40: {  	s26 =	sadd.s32 $0x0, s17;
	[sflag:s19] =	ssyncadd.s32 $0xFFFFD8F0  }
0x41: {  	[tilespmem:s20], [sflag:$0x2] =	stream.linear.gather [hbm4b:s26+s4], $0x50, $0x38;
	[tilespmem:$0x1D000] =	vst v63  }
0x42: {  	_ =	swait.ge [sflag:s19], $0x50  }
0x43: {  	[sflag:s19] =	ssyncset.done $0x0  }
0x44: {  	[sflag:s19] =	ssyncadd.s32 $0xFFFFFFB0  }
0x45: {  	[tilespmem:s22], [sflag:$0x1] =	stream.indirect.gather [hbm4b:s2+s21], $0x80, s31, s21, $0xb8;
	[tilespmem:$0x1D000] =	vst v63  }
0x46: {  	_ =	swait.ge [sflag:s23], $0x2800  }
0x47: {  	[sflag:s23] =	ssyncset.done $0x0  }
0x48: {  	[sflag:s23] =	ssyncadd.s32 $0xFFFFD800  }
0x49: {  	[spmem:s3] =	stream.indirect.scatter.add.f32 [tilespmem:s22], [sflag:$0x2], $0x80, s20, s21, $0xb8;
	[tilespmem:$0x1D000] =	vst v63  }
0x4a: {  	s28 =	simm.s32 $0x14;
	_ =	swait.ge [sflag:s19], $0x2800  }
0x4b: {  	s25 =	simm.s32 $0x50;
	s26 =	simm.s32 $0xA;
	[sflag:s19] =	ssyncset.done $0x0  }
.LBB2_4:
0x4c: {  	s29 =	sadd.s32 s26, s17  }
0x4d: {  	[sflag:s19] =	ssyncadd.s32 $0xFFFFD800;
	s26 =	smov.u32 s28;
	s30 =	sadd.s32 $0xA, s28  }
0x4e: {  	[tilespmem:s20], [sflag:$0x2] =	stream.linear.gather [hbm4b:s29+s4], $0x50, $0x38;
	[tilespmem:$0x1D000] =	vst v63  }
0x4f: {  	p0 =	sne.s32 s28, $0x4D8;
	_ =	swait.ge [sflag:s19], $0x50  }
0x50: {  	[sflag:s19] =	ssyncset.done $0x0  }
0x51: {  	[sflag:s19] =	ssyncadd.s32 $0xFFFFFFB0  }
0x52: {  	[tilespmem:s22], [sflag:$0x1] =	stream.indirect.gather [hbm4b:s2+s21], $0x80, s25, s21, $0xb8;
	[tilespmem:$0x1D000] =	vst v63  }
0x53: {  	_ =	swait.ge [sflag:s23], $0x2800  }
.Ltmp1:
0x54: {  	[sflag:s23] =	ssyncset.done $0x0;
	(pc) =	sbr.rel @p0 .LBB2_4-.Ltmp1, $4  }
0x55: {  	[sflag:s23] =	ssyncadd.s32 $0xFFFFD800  }
0x56: {  	[spmem:s3] =	stream.indirect.scatter.add.f32 [tilespmem:s22], [sflag:$0x2], $0x80, s20, s21, $0xb8;
	[tilespmem:$0x1D000] =	vst v63  }
0x57: {  	_ =	swait.ge [sflag:s19], $0x2800  }
0x58: {  	s28 =	smov.u32 s30;
	s25 =	sadd.s32 $0x50, s25;
	[sflag:s19] =	ssyncset.done $0x0  }
0x59: {  	s26 =	sadd.s32 s26, s17;
	[sflag:s19] =	ssyncadd.s32 $0xFFFFD800  }
0x5a: {  	[tilespmem:s20], [sflag:$0x2] =	stream.linear.gather [hbm4b:s26+s4], $0x50, $0x38;
	[tilespmem:$0x1D000] =	vst v63  }
0x5b: {  	_ =	swait.ge [sflag:s19], $0x50  }
0x5c: {  	[sflag:s19] =	ssyncset.done $0x0  }
0x5d: {  	[sflag:s19] =	ssyncadd.s32 $0xFFFFFFB0  }
0x5e: {  	[tilespmem:s22], [sflag:$0x1] =	stream.indirect.gather [hbm4b:s2+s21], $0x80, s25, s21, $0xb8;
	[tilespmem:$0x1D000] =	vst v63  }
0x5f: {  	_ =	swait.ge [sflag:s23], $0x2800  }
0x60: {  	[sflag:s23] =	ssyncset.done $0x0  }
0x61: {  	[sflag:s23] =	ssyncadd.s32 $0xFFFFD800  }
0x62: {  	[spmem:s3] =	stream.indirect.scatter.add.f32 [tilespmem:s22], [sflag:$0x2], $0x80, s20, s21, $0xb8;
	[tilespmem:$0x1D000] =	vst v63  }
0x63: {  	_ =	swait.ge [sflag:s19], $0x2800  }
0x64: {  	[sflag:s19] =	ssyncset.done $0x0  }
0x65: {  	[sflag:s19] =	ssyncadd.s32 $0xFFFFD800  }
0x66: {  	[bflag:$0x0] =	sbarrier.arrive $0xFFFF  }
0x67: {  	[tilespmem:s18], [sflag:$0x2] =	stream.linear.gather [spmem:s5], $0x4000, $0x38;
	[tilespmem:$0x1D000] =	vst v63  }
0x68: {  	_ =	swait.ge [sflag:s19], $0x4000  }
0x69: {  	[sflag:s19] =	ssyncset.done $0x0  }
0x6a: {  	[sflag:s19] =	ssyncadd.s32 $0xFFFFC000  }
0x6b: {  	[hbm4b:s11+s4] =	stream.linear.scatter [tilespmem:s18], [sflag:$0x2], $0x4000, $0x38;
	[tilespmem:$0x1D000] =	vst v63  }
0x6c: {  	_ =	swait.ge [sflag:s19], $0x4000  }
0x6d: {  	[sflag:s19] =	ssyncset.done $0x0  }
0x6e: {  	[sflag:s19] =	ssyncadd.s32 $0xFFFFC000  }
0x6f: {  	[tilespmem:s18], [sflag:$0x2] =	stream.linear.gather [spmem:s6], $0x4000, $0x38;
	[tilespmem:$0x1D000] =	vst v63  }
0x70: {  	_ =	swait.ge [sflag:s19], $0x4000  }
0x71: {  	[sflag:s19] =	ssyncset.done $0x0  }
0x72: {  	[sflag:s19] =	ssyncadd.s32 $0xFFFFC000  }
0x73: {  	[hbm4b:s12+s4] =	stream.linear.scatter [tilespmem:s18], [sflag:$0x2], $0x4000, $0x38;
	[tilespmem:$0x1D000] =	vst v63  }
0x74: {  	_ =	swait.ge [sflag:s19], $0x4000  }
0x75: {  	[sflag:s19] =	ssyncset.done $0x0  }
0x76: {  	[sflag:s19] =	ssyncadd.s32 $0xFFFFC000  }
0x77: {  	[tilespmem:s18], [sflag:$0x2] =	stream.linear.gather [spmem:s7], $0x4000, $0x38;
	[tilespmem:$0x1D000] =	vst v63  }
0x78: {  	_ =	swait.ge [sflag:s19], $0x4000  }
0x79: {  	[sflag:s19] =	ssyncset.done $0x0  }
0x7a: {  	[sflag:s19] =	ssyncadd.s32 $0xFFFFC000  }
0x7b: {  	[hbm4b:s13+s4] =	stream.linear.scatter [tilespmem:s18], [sflag:$0x2], $0x4000, $0x38;
	[tilespmem:$0x1D000] =	vst v63  }
0x7c: {  	_ =	swait.ge [sflag:s19], $0x4000  }
0x7d: {  	[sflag:s19] =	ssyncset.done $0x0  }
0x7e: {  	[sflag:s19] =	ssyncadd.s32 $0xFFFFC000  }
0x7f: {  	[tilespmem:s18], [sflag:$0x2] =	stream.linear.gather [spmem:s8], $0x4000, $0x38;
	[tilespmem:$0x1D000] =	vst v63  }
0x80: {  	_ =	swait.ge [sflag:s19], $0x4000  }
0x81: {  	[sflag:s19] =	ssyncset.done $0x0  }
0x82: {  	[sflag:s19] =	ssyncadd.s32 $0xFFFFC000  }
0x83: {  	[hbm4b:s14+s4] =	stream.linear.scatter [tilespmem:s18], [sflag:$0x2], $0x4000, $0x38;
	[tilespmem:$0x1D000] =	vst v63  }
0x84: {  	_ =	swait.ge [sflag:s19], $0x4000  }
0x85: {  	[sflag:s19] =	ssyncset.done $0x0  }
0x86: {  	[sflag:s19] =	ssyncadd.s32 $0xFFFFC000  }
0x87: {  	[tilespmem:s18], [sflag:$0x2] =	stream.linear.gather [spmem:s9], $0x4000, $0x38;
	[tilespmem:$0x1D000] =	vst v63  }
0x88: {  	s24 =	sadd.s32 $0x1, s24;
	_ =	swait.ge [sflag:s19], $0x4000  }
0x89: {  	p0 =	sne.s32 s24, s16;
	[sflag:s19] =	ssyncset.done $0x0  }
.Ltmp2:
0x8a: {  	[sflag:s19] =	ssyncadd.s32 $0xFFFFC000;
	(pc) =	sbr.rel @p0 .LBB2_1-.Ltmp2, $4  }
0x8b: {  	[hbm4b:s15+s4] =	stream.linear.scatter [tilespmem:s18], [sflag:$0x2], $0x4000, $0x38;
	[tilespmem:$0x1D000] =	vst v63  }
0x8c: {  	_ =	swait.ge [sflag:s19], $0x4000  }
0x8d: {  	[sflag:s19] =	ssyncset.done $0x0  }
0x8e: {  	[sflag:s19] =	ssyncadd.s32 $0xFFFFC000  }
0x8f: {  	_ =	sfence.sel $0x180000  }
0x90: {  	[bflag:$0x0] =	sbarrier.arrive $0xFFFF  }
0x91: {  	p0 =	sne.s32 s0, $0x0;
	_ =	strace $0x9000004A  }
0x92: {  	s0 =	sadd.s32 @!p0 $0x100000, s1;
	[bflag:$0x2] =	sbarrier.arrive $0xFFFF  }
0x93: {  	[sflag:s0] =	ssyncadd.tile.s32 @!p0 $0x1;
	_ =	shalt  }
.Lfunc_end2:
_tile_overlayer_lowered:
.L_overlay_start_2:
0x94: {  	(tag) =	ssettag $0x2  }
0x95: {  	s0 =	rddreg [dreg:$0x0];
	s2 =	stileid.u32  }
0x96: {  	s1 =	rddreg [dreg:$0x1];
	p0 =	sne.s32 s2, $0x0  }
0x97: {  	s3 =	rddreg [dreg:$0x2];
	[bflag:$0x3] =	sbarrier.arrive $0xFFFF;
	s2 =	simm.s32 @!p0 $0x1C02  }
0x98: {  	[timem:s3], [sflag:s2] =	dma.local @!p0 [hbm:s0], s1  }
0x99: {  	s0 =	simm.s32 @!p0 $0x2  }
0x9a: {  	_ =	swait.ge @!p0 [sflag:s0], s1  }
0x9b: {  	s1 =	ssub.s32 @!p0 $0x0, s1;
	[sflag:s0] =	ssyncset.done @!p0 $0x0  }
0x9c: {  	[sflag:s0] =	ssyncadd.s32 @!p0 s1  }
0x9d: {  	[bflag:$0x3] =	sbarrier.arrive $0xFFFF  }
0x9e: {  	_ =	shalt  }

// kernel: kernel.14.cloned.1.call-start
scs
__scs_entry_jumppad:
0x0: {  	(pc) =	sbr.rel $0x88, $3  }
0x1: {  	(tag) =	ssettag $0x0;
	lr =	simm.s32 $0x1  }
0x2: {  	[smem:$0x3F9B] =	sst lr;
	_ =	strace $0xD0000000  }
0x3: {  	_ = 	snop  }
0x4: {  	_ = 	snop  }
0x5: {  	_ = 	snop  }
0x6: {  	_ = 	snop  }
0x7: {  	_ = 	snop  }
__scs_overlays_trampoline_lowered:
0x8: {  	[smem:$0x3FAA] =	sst s0  }
0x9: {  	[smem:$0x3FAB] =	sst s1  }
0xa: {  	[smem:$0x3FAC] =	sst s2  }
0xb: {  	[smem:$0x3FAD] =	sst s3  }
0xc: {  	[smem:$0x3FAE] =	sst s4  }
0xd: {  	[smem:$0x3FAF] =	sst s5  }
0xe: {  	[smem:$0x3FB0] =	sst s6  }
0xf: {  	[smem:$0x3FB1] =	sst s7  }
0x10: {  	[smem:$0x3FB2] =	sst s8  }
0x11: {  	[smem:$0x3FB3] =	sst s9;
	s0 =	simm.s32 @!p0 $0x0  }
0x12: {  	s1 =	sld [smem:$0x3F99];
	s0 =	simm.s32 @p0 $0x1  }
0x13: {  	[smem:$0x3FB4] =	sst s0;
	s0 =	simm.s32 @!p1 $0x0  }
0x14: {  	s2 =	sld [smem:$0x3F98];
	s0 =	simm.s32 @p1 $0x1  }
0x15: {  	[smem:$0x3FB5] =	sst s0;
	s0 =	simm.s32 @!p2 $0x0  }
0x16: {  	s3 =	sld [smem:$0x3FDB];
	s0 =	simm.s32 @p2 $0x1  }
0x17: {  	s4 =	simm.s32 $0x1BF5;
	[smem:$0x3FB7] =	sst s0  }
0x18: {  	s0 =	sld [smem:$0x3F9A];
	_ =	swait.ge [sflag:s4], $0x0  }
0x19: {  	s7 =	sld [smem:$0x3F9B]  }
0x1a: {  	s8 =	sadd.s32 $0xFFFFE003, lr  }
0x1b: {  	s9 =	sadd.s32 $0xFFFFFEF7, lr;
	s5 =	simm.s32 $0xFFFFFFFF;
	p2 =	slt.u32 s8, $0xFFFFF086  }
0x1c: {  	p1 =	slt.u32 s9, $0xF7A;
	s5 =	simm.s32 @!p2 $0x0  }
0x1d: {  	s5 =	simm.s32 @p1 $0x1;
	p0 =	seq.s32 s7, s2  }
0x1e: {  	s7 =	smul.u32 @!p0 $0xF7A, s2;
	p2 =	seq.s32 @!p0 s5, $0x0  }
0x1f: {  	s9 =	smul.u32 $0xF7A, s1;
	s8 =	simm.s32 @!p0 $0x1BF5;
	p2 =	por !p2, p0  }
0x20: {  	[sflag:s8] =	ssyncset.s32 @!p0 $0xFFFFF086;
	s6 =	sadd.s32 @!p0 s3, s7;
	s7 =	simm.s32 @!p0 $0x108  }
0x21: {  	s3 =	sadd.s32 s3, s9;
	s6 =	sadd.s32 @!p0 $0x88, s6;
	s7 =	simm.s32 @p2 $0x1082  }
0x22: {  	[simem:s7], [sflag:s8] =	dma.local @!p0 [hbm:s6], $0xF7A  }
0x23: {  	s9 =	sor.u32 $0xD0000000, s2;
	s6 =	simm.s32 $0x108;
	_ =	swait.ge @!p0 [sflag:s8], $0x0  }
0x24: {  	s3 =	sadd.s32 $0x88, s3;
	s6 =	simm.s32 @!p1 $0x1082;
	[sflag:s4] =	ssyncset.s32 $0xFFFFF086  }
0x25: {  	[simem:s6], [sflag:s4] =	dma.local [hbm:s3], $0xF7A  }
0x26: {  	[smem:$0x3F9B] =	sst s1;
	(tag) =	ssettag s2;
	_ =	strace s9  }
0x27: {  	s1 =	sld [smem:$0x3FAB]  }
0x28: {  	s2 =	sld [smem:$0x3FAC]  }
0x29: {  	s4 =	sld [smem:$0x3FAE]  }
0x2a: {  	p0 =	seq.s32 s5, $0x0;
	s5 =	sld [smem:$0x3FAF]  }
0x2b: {  	s6 =	sld [smem:$0x3FB0]  }
0x2c: {  	s7 =	sld [smem:$0x3FB1]  }
0x2d: {  	s3 =	simm.s32 $0x108;
	s8 =	sld [smem:$0x3FB2]  }
0x2e: {  	s3 =	simm.s32 @!p0 $0x1082;
	s9 =	sld [smem:$0x3FB3]  }
0x2f: {  	lr =	sadd.s32 s0, s3;
	s0 =	sld [smem:$0x3FAA]  }
0x30: {  	s3 =	sld [smem:$0x3FAD]  }
0x31: {  	[smem:$0x3FB6] =	sst s10  }
0x32: {  	s10 =	sld [smem:$0x3FB4];
	_ =	sdelay $0x3  }
0x33: {  	p0 =	seq.s32 s10, $0x1;
	s10 =	sld [smem:$0x3FB6];
	_ =	sdelay $0x3  }
0x34: {  	[smem:$0x3FB6] =	sst s10  }
0x35: {  	s10 =	sld [smem:$0x3FB5];
	_ =	sdelay $0x3  }
0x36: {  	p1 =	seq.s32 s10, $0x1;
	s10 =	sld [smem:$0x3FB6];
	_ =	sdelay $0x3  }
0x37: {  	[smem:$0x3FB6] =	sst s10  }
0x38: {  	s10 =	sld [smem:$0x3FB7]  }
0x39: {  	_ = 	snop;
	(pc) =	sbr.ind lr, $3  }
0x3a: {  	_ = 	snop  }
0x3b: {  	_ = 	snop  }
0x3c: {  	p2 =	seq.s32 s10, $0x1;
	s10 =	sld [smem:$0x3FB6]  }
0x3d: {  	_ =	shalt  }
0x3e: {  	_ =	shalt  }
0x3f: {  	_ =	shalt  }
0x40: {  	_ =	shalt  }
0x41: {  	_ =	shalt  }
0x42: {  	_ =	shalt  }
0x43: {  	_ =	shalt  }
0x44: {  	_ =	shalt  }
0x45: {  	_ =	shalt  }
0x46: {  	_ =	shalt  }
0x47: {  	_ =	shalt  }
0x48: {  	_ =	shalt  }
0x49: {  	_ =	shalt  }
0x4a: {  	_ =	shalt  }
0x4b: {  	_ =	shalt  }
0x4c: {  	_ =	shalt  }
0x4d: {  	_ =	shalt  }
0x4e: {  	_ =	shalt  }
0x4f: {  	_ =	shalt  }
0x50: {  	_ =	shalt  }
0x51: {  	_ =	shalt  }
0x52: {  	_ =	shalt  }
0x53: {  	_ =	shalt  }
0x54: {  	_ =	shalt  }
0x55: {  	_ =	shalt  }
0x56: {  	_ =	shalt  }
0x57: {  	_ =	shalt  }
0x58: {  	_ =	shalt  }
0x59: {  	_ =	shalt  }
0x5a: {  	_ =	shalt  }
0x5b: {  	_ =	shalt  }
0x5c: {  	_ =	shalt  }
0x5d: {  	_ =	shalt  }
0x5e: {  	_ =	shalt  }
0x5f: {  	_ =	shalt  }
0x60: {  	_ =	shalt  }
0x61: {  	_ =	shalt  }
0x62: {  	_ =	shalt  }
0x63: {  	_ =	shalt  }
0x64: {  	_ =	shalt  }
0x65: {  	_ =	shalt  }
0x66: {  	_ =	shalt  }
0x67: {  	_ =	shalt  }
0x68: {  	_ =	shalt  }
0x69: {  	_ =	shalt  }
0x6a: {  	_ =	shalt  }
0x6b: {  	_ =	shalt  }
0x6c: {  	_ =	shalt  }
0x6d: {  	_ =	shalt  }
0x6e: {  	_ =	shalt  }
0x6f: {  	_ =	shalt  }
0x70: {  	_ =	shalt  }
0x71: {  	_ =	shalt  }
0x72: {  	_ =	shalt  }
0x73: {  	_ =	shalt  }
0x74: {  	_ =	shalt  }
0x75: {  	_ =	shalt  }
0x76: {  	_ =	shalt  }
0x77: {  	_ =	shalt  }
0x78: {  	_ =	shalt  }
0x79: {  	_ =	shalt  }
0x7a: {  	_ =	shalt  }
0x7b: {  	_ =	shalt  }
0x7c: {  	_ =	shalt  }
0x7d: {  	_ =	shalt  }
0x7e: {  	_ =	shalt  }
0x7f: {  	_ =	shalt  }
0x80: {  	_ =	shalt  }
0x81: {  	_ =	shalt  }
0x82: {  	_ =	shalt  }
0x83: {  	_ =	shalt  }
0x84: {  	_ =	shalt  }
0x85: {  	_ =	shalt  }
0x86: {  	_ =	shalt  }
0x87: {  	_ =	shalt  }
.Lfunc_end0:
.L_simem_size_0:
called_computation.2_lowered:
.L_overlay_start_0:
0x88: {  	s2 =	sld [smem:$0x3FD9]  }
0x89: {  	s3 =	sld [smem:$0x3FFE];
	_ =	sdelay $0x1  }
0x8a: {  	s1 =	srdreg.scid  }
0x8b: {  	s0 =	sand.u32 $0x1, s1  }
0x8c: {  	s17 =	sshll.u32 s0, $0xA;
	s2 =	sadd.s32 s3, s2  }
0x8d: {  	s2 =	sadd.s32 s2, s17  }
0x8e: {  	[smem:$0x3FC2] =	sst s2  }
0x8f: {  	_ = 	snop  }
0x90: {  	s2 =	sld [smem:$0x3FD0];
	(tm) =	ssettm $0x1  }
0x91: {  	s18 =	sld [smem:$0x3FFB];
	_ =	sdelay $0x3  }
0x92: {  	_ =	strace s18  }
0x93: {  	s3 =	sld [smem:$0x3FFC];
	_ =	sdelay $0x3  }
0x94: {  	_ =	strace s3  }
0x95: {  	s3 =	sld [smem:$0x3FFD];
	_ =	sdelay $0x3  }
0x96: {  	_ =	strace s3  }
0x97: {  	_ =	strace $0x8FFFFFFF  }
0x98: {  	s19 =	sld [smem:$0x3FDB];
	_ =	sdelay $0x1  }
0x99: {  	s4 =	simm.s32 $_scs_section_size  }
0x9a: {  	s5 =	simm.s32 $_size__tile_overlayer_lowered;
	s6 =	simm.s32 $_tile_overlayer_lowered  }
0x9b: {  	s22 =	simm.s32 $0x1BFF;
	s21 =	sshll.u32 s6, $0x1;
	s3 =	sadd.s32 s4, s19  }
0x9c: {  	s7 =	simm.s32 $0x0;
	s20 =	sshll.u32 s5, $0x1;
	s5 =	sadd.s32 s21, s3  }
0x9d: {  	[timem:s7], [sflag:s22] =	dma.local [hbm:s5], s20  }
0x9e: {  	_ =	swait.ge [sflag:s22], s20  }
0x9f: {  	s4 =	ssub.s32 $0x0, s20;
	[sflag:s22] =	ssyncset.done $0x0  }
0xa0: {  	[sflag:s22] =	ssyncadd.s32 s4;
	_ =	sdelay $0x1  }
0xa1: {  	s23 =	simm.s32 $0x1B8B  }
0xa2: {  	_ =	swait.ge [sflag:s23], $0x1  }
0xa3: {  	[sflag:s23] =	ssyncset.done $0x0  }
0xa4: {  	s25 =	simm.s32 $0x1B8E;
	s24 =	sld [smem:$0x3FFE];
	[sflag:s23] =	ssyncadd.s32 $0xFFFFFFFF  }
0xa5: {  	s26 =	simm.s32 $execute0_lowered;
	[smem:$0x3FD2] =	sst s25  }
0xa6: {  	s5 =	sshll.u32 s26, $0x1;
	_ =	strace $0x8000004C;
	[dreg:$0x1] =	wrdreg $0xFFFFFFFF  }
0xa7: {  	s28 =	simm.s32 $_size_execute0_lowered;
	s3 =	sadd.s32 s3, s5;
	[dreg:$0x0] =	wrdreg $0x0  }
0xa8: {  	s5 =	sshll.u32 s28, $0x1;
	[dreg:$0x2] =	wrdreg s3  }
0xa9: {  	[dreg:$0x3] =	wrdreg s5  }
0xaa: {  	[dreg:$0x4] =	wrdreg $0xC0  }
0xab: {  	_ =	task [dreg:s7], $0x5FFFF  }
0xac: {  	[dreg:$0x1] =	wrdreg $0xFFFFFFFF  }
0xad: {  	[dreg:$0x0] =	wrdreg $0x60  }
0xae: {  	[dreg:$0x2] =	wrdreg s2  }
0xaf: {  	[dreg:$0x3] =	wrdreg s24  }
0xb0: {  	[dreg:$0x4] =	wrdreg $0x90000  }
0xb1: {  	[dreg:$0x5] =	wrdreg $0x9  }
0xb2: {  	_ =	task.clear_ibuf [dreg:s7], $0x6FFFF;
	_ =	strace $0x9000004C  }
0xb3: {  	s29 =	simm.s32 $0x9;
	_ =	strace $0x8000004E  }
0xb4: {  	_ =	swait.ge [sflag:s29], $0x1  }
0xb5: {  	[sflag:s29] =	ssyncadd.s32 $0xFFFFFFFF  }
0xb6: {  	_ =	strace $0x9000004E  }
0xb7: {  	_ =	sfence  }
0xb8: {  	s30 =	sld [smem:$0x0];
	_ =	sdelay $0x2  }
0xb9: {  	s31 =	sshll.u32 s1, $0xD;
	s1 =	sshrl.u32 s1, $0x2  }
0xba: {  	s3 =	sand.u32 $0x4000, s31;
	s1 =	sadd.s32 s1, s30  }
0xbb: {  	s0 =	sor.u32 s3, s0;
	s1 =	sshll.u32 s1, $0x11  }
0xbc: {  	s0 =	sor.u32 s1, s0  }
0xbd: {  	s0 =	sadd.s32 $0x8F2B, s0  }
0xbe: {  	[sflag:s0] =	ssyncadd.remote.s32 $0x1  }
0xbf: {  	_ =	sfence.sel $0xFFFF  }
0xc0: {  	[dreg:$0x0] =	wrdreg $0xFFFFFFFF;
	(pc) =	sbr.abs _section_cstart, $3  }
0xc1: {  	[dreg:$0x1] =	wrdreg $0xFFFFFFFF  }
0xc2: {  	_ =	task.clear_ibuf [dreg:s7], $0x2FFFF;
	_ =	strace $0x9FFFFFFF  }
0xc3: {  	(tm) =	ssettm $0x7FFFFFFF  }
tec
execute0_lowered:
.L_overlay_start_1:
0x0: {  	(tag) =	ssettag $0x1  }
0x1: {  	s2 =	rddreg [dreg:$0x0]  }
0x2: {  	s1 =	srdreg.scid;
	s5 =	rddreg [dreg:$0x1]  }
0x3: {  	s0 =	stileid.u32;
	s3 =	rddreg [dreg:$0x2]  }
0x4: {  	s4 =	simm.s32 $0x0;
	s21 =	simm.s32 $0x50;
	s8 =	smul.u32 $0x4E20, s0  }
0x5: {  	s22 =	simm.s32 $0x2800;
	s23 =	simm.s32 $0x1;
	s28 =	smul.u32 $0x50000, s0  }
0x6: {  	s24 =	simm.s32 $0x0;
	s6 =	sand.u32 $0x1, s1;
	s30 =	smul.u32 $0x14000, s0  }
0x7: {  	s25 =	sshll.u32 s0, $0x1;
	[smem:$0x7FF] =	sst s4;
	s9 =	smul.u32 $0x2710, s6  }
0x8: {  	s15 =	sadd.s32 $0x15C00, s5;
	s1 =	sor.u32 s6, s25;
	s18 =	smul.u32 $0x140000, s6  }
0x9: {  	s29 =	ssub.s32 $0x2, s6;
	s7 =	smul.u32 $0x2710, s1;
	s1 =	rddreg [dreg:$0x3]  }
0xa: {  	_ =	strace $0x8000004D;
	s31 =	sshrl.u32 s29, $0x1;
	s11 =	sadd.s32 $0x4000, s30  }
0xb: {  	s13 =	sadd.s32 $0x8000, s30;
	s14 =	sadd.s32 $0xC000, s30;
	s19 =	sadd.s32 $0x10000, s30  }
0xc: {  	s8 =	sadd.s32 s9, s8;
	s16 =	ssub.s32 s29, s31;
	s6 =	sadd.s32 s11, s3  }
0xd: {  	s12 =	sadd.s32 s30, s18;
	s11 =	sadd.s32 s18, s11;
	s9 =	sadd.s32 s19, s3  }
0xe: {  	s7 =	sshrl.u32 s7, $0x3;
	s26 =	sshrl.u32 s8, $0x3;
	s8 =	sshrl.u32 s28, $0x2  }
0xf: {  	s12 =	sshrl.u32 s12, $0x3;
	s20 =	sshrl.u32 s11, $0x3;
	s16 =	smax.u32 s16, $0x1  }
0x10: {  	s10 =	sadd.s32 s7, s5;
	s17 =	sadd.s32 s26, s5;
	s5 =	sadd.s32 s8, s3  }
0x11: {  	s7 =	sadd.s32 s13, s3;
	s8 =	sadd.s32 s14, s3;
	s11 =	sadd.s32 s15, s12  }
0x12: {  	s12 =	sadd.s32 s15, s20;
	s13 =	sadd.s32 s18, s13;
	s14 =	sadd.s32 s18, s14  }
0x13: {  	s18 =	sadd.s32 s18, s19;
	s19 =	simm.s32 $0x2;
	s20 =	simm.s32 $0x2780  }
0x14: {  	s10 =	sadd.s32 $0x2000, s10;
	s13 =	sshrl.u32 s13, $0x3;
	s14 =	sshrl.u32 s14, $0x3  }
0x15: {  	s18 =	sshrl.u32 s18, $0x3;
	s17 =	sadd.s32 $0xBE00, s17;
	s13 =	sadd.s32 s15, s13  }
0x16: {  	v0 =	vimm.f32 $0.0e+00;
	s14 =	sadd.s32 s15, s14;
	s15 =	sadd.s32 s15, s18;
	s18 =	simm.s32 $0x5000  }
.LBB2_1:
0x17: {  	s25 =	simm.s32 $0x0;
	s26 =	simm.s32 $0x200  }
.LBB2_2:
0x18: {  	p0 =	sne.s32 s26, $0xFE00;
	[tilespmem:s25+$0x5070] =	vst v0  }
0x19: {  	[tilespmem:s25+$0x5000] =	vst v0  }
0x1a: {  	[tilespmem:s25+$0x5010] =	vst v0  }
.Ltmp0:
0x1b: {  	[tilespmem:s25+$0x5020] =	vst v0;
	(pc) =	sbr.rel @p0 .LBB2_2-.Ltmp0, $4  }
0x1c: {  	[tilespmem:s25+$0x5030] =	vst v0  }
0x1d: {  	[tilespmem:s25+$0x5040] =	vst v0  }
0x1e: {  	[tilespmem:s25+$0x5050] =	vst v0  }
0x1f: {  	[tilespmem:s25+$0x5060] =	vst v0;
	s25 =	sshra.s32 s26, $0x2;
	s26 =	sadd.s32 $0x200, s26  }
0x20: {  	[tilespmem:s25+$0x5070] =	vst v0  }
0x21: {  	[tilespmem:s25+$0x5000] =	vst v0  }
0x22: {  	[tilespmem:s25+$0x5010] =	vst v0  }
0x23: {  	[tilespmem:s25+$0x5020] =	vst v0  }
0x24: {  	[tilespmem:s25+$0x5030] =	vst v0  }
0x25: {  	[tilespmem:s25+$0x5040] =	vst v0  }
0x26: {  	[tilespmem:s25+$0x5050] =	vst v0  }
0x27: {  	[tilespmem:s25+$0x5060] =	vst v0  }
0x28: {  	[spmem:s5] =	stream.linear.scatter [tilespmem:s18], [sflag:$0x2], $0x4000, $0x38;
	[tilespmem:$0x1D000] =	vst v63  }
0x29: {  	_ =	swait.ge [sflag:s19], $0x4000  }
0x2a: {  	[sflag:s19] =	ssyncset.done $0x0  }
0x2b: {  	[sflag:s19] =	ssyncadd.s32 $0xFFFFC000  }
0x2c: {  	[spmem:s6] =	stream.linear.scatter [tilespmem:s18], [sflag:$0x2], $0x4000, $0x38;
	[tilespmem:$0x1D000] =	vst v63  }
0x2d: {  	_ =	swait.ge [sflag:s19], $0x4000  }
0x2e: {  	[sflag:s19] =	ssyncset.done $0x0  }
0x2f: {  	[sflag:s19] =	ssyncadd.s32 $0xFFFFC000  }
0x30: {  	[spmem:s7] =	stream.linear.scatter [tilespmem:s18], [sflag:$0x2], $0x4000, $0x38;
	[tilespmem:$0x1D000] =	vst v63  }
0x31: {  	_ =	swait.ge [sflag:s19], $0x4000  }
0x32: {  	[sflag:s19] =	ssyncset.done $0x0  }
0x33: {  	[sflag:s19] =	ssyncadd.s32 $0xFFFFC000  }
0x34: {  	[spmem:s8] =	stream.linear.scatter [tilespmem:s18], [sflag:$0x2], $0x4000, $0x38;
	[tilespmem:$0x1D000] =	vst v63  }
0x35: {  	_ =	swait.ge [sflag:s19], $0x4000  }
0x36: {  	[sflag:s19] =	ssyncset.done $0x0  }
0x37: {  	[sflag:s19] =	ssyncadd.s32 $0xFFFFC000  }
0x38: {  	[spmem:s9] =	stream.linear.scatter [tilespmem:s18], [sflag:$0x2], $0x4000, $0x38;
	[tilespmem:$0x1D000] =	vst v63  }
0x39: {  	_ =	swait.ge [sflag:s19], $0x4000  }
0x3a: {  	[sflag:s19] =	ssyncset.done $0x0  }
0x3b: {  	[sflag:s19] =	ssyncadd.s32 $0xFFFFC000  }
0x3c: {  	s31 =	simm.s32 $0x0;
	[bflag:$0x0] =	sbarrier.arrive $0xFFFF  }
0x3d: {  	[tilespmem:s31], [sflag:$0x2] =	stream.linear.gather [hbm4b:s10+s31], $0x2710, $0x38;
	[tilespmem:$0x1D000] =	vst v63  }
0x3e: {  	_ =	swait.ge [sflag:s19], $0x2710  }
0x3f: {  	[sflag:s19] =	ssyncset.done $0x0  }
0x40: {  	s26 =	sadd.s32 $0x0, s17;
	[sflag:s19] =	ssyncadd.s32 $0xFFFFD8F0  }
0x41: {  	[tilespmem:s20], [sflag:$0x2] =	stream.linear.gather [hbm4b:s26+s4], $0x50, $0x38;
	[tilespmem:$0x1D000] =	vst v63  }
0x42: {  	_ =	swait.ge [sflag:s19], $0x50  }
0x43: {  	[sflag:s19] =	ssyncset.done $0x0  }
0x44: {  	[sflag:s19] =	ssyncadd.s32 $0xFFFFFFB0  }
0x45: {  	[tilespmem:s22], [sflag:$0x1] =	stream.indirect.gather [hbm4b:s2+s21], $0x80, s31, s21, $0xb8;
	[tilespmem:$0x1D000] =	vst v63  }
0x46: {  	_ =	swait.ge [sflag:s23], $0x2800  }
0x47: {  	[sflag:s23] =	ssyncset.done $0x0  }
0x48: {  	[sflag:s23] =	ssyncadd.s32 $0xFFFFD800  }
0x49: {  	[spmem:s3] =	stream.indirect.scatter.add.f32 [tilespmem:s22], [sflag:$0x2], $0x80, s20, s21, $0xb8;
	[tilespmem:$0x1D000] =	vst v63  }
0x4a: {  	s28 =	simm.s32 $0x14;
	_ =	swait.ge [sflag:s19], $0x2800  }
0x4b: {  	s25 =	simm.s32 $0x50;
	s26 =	simm.s32 $0xA;
	[sflag:s19] =	ssyncset.done $0x0  }
.LBB2_4:
0x4c: {  	s29 =	sadd.s32 s26, s17  }
0x4d: {  	[sflag:s19] =	ssyncadd.s32 $0xFFFFD800;
	s26 =	smov.u32 s28;
	s30 =	sadd.s32 $0xA, s28  }
0x4e: {  	[tilespmem:s20], [sflag:$0x2] =	stream.linear.gather [hbm4b:s29+s4], $0x50, $0x38;
	[tilespmem:$0x1D000] =	vst v63  }
0x4f: {  	p0 =	sne.s32 s28, $0x4D8;
	_ =	swait.ge [sflag:s19], $0x50  }
0x50: {  	[sflag:s19] =	ssyncset.done $0x0  }
0x51: {  	[sflag:s19] =	ssyncadd.s32 $0xFFFFFFB0  }
0x52: {  	[tilespmem:s22], [sflag:$0x1] =	stream.indirect.gather [hbm4b:s2+s21], $0x80, s25, s21, $0xb8;
	[tilespmem:$0x1D000] =	vst v63  }
0x53: {  	_ =	swait.ge [sflag:s23], $0x2800  }
.Ltmp1:
0x54: {  	[sflag:s23] =	ssyncset.done $0x0;
	(pc) =	sbr.rel @p0 .LBB2_4-.Ltmp1, $4  }
0x55: {  	[sflag:s23] =	ssyncadd.s32 $0xFFFFD800  }
0x56: {  	[spmem:s3] =	stream.indirect.scatter.add.f32 [tilespmem:s22], [sflag:$0x2], $0x80, s20, s21, $0xb8;
	[tilespmem:$0x1D000] =	vst v63  }
0x57: {  	_ =	swait.ge [sflag:s19], $0x2800  }
0x58: {  	s28 =	smov.u32 s30;
	s25 =	sadd.s32 $0x50, s25;
	[sflag:s19] =	ssyncset.done $0x0  }
0x59: {  	s26 =	sadd.s32 s26, s17;
	[sflag:s19] =	ssyncadd.s32 $0xFFFFD800  }
0x5a: {  	[tilespmem:s20], [sflag:$0x2] =	stream.linear.gather [hbm4b:s26+s4], $0x50, $0x38;
	[tilespmem:$0x1D000] =	vst v63  }
0x5b: {  	_ =	swait.ge [sflag:s19], $0x50  }
0x5c: {  	[sflag:s19] =	ssyncset.done $0x0  }
0x5d: {  	[sflag:s19] =	ssyncadd.s32 $0xFFFFFFB0  }
0x5e: {  	[tilespmem:s22], [sflag:$0x1] =	stream.indirect.gather [hbm4b:s2+s21], $0x80, s25, s21, $0xb8;
	[tilespmem:$0x1D000] =	vst v63  }
0x5f: {  	_ =	swait.ge [sflag:s23], $0x2800  }
0x60: {  	[sflag:s23] =	ssyncset.done $0x0  }
0x61: {  	[sflag:s23] =	ssyncadd.s32 $0xFFFFD800  }
0x62: {  	[spmem:s3] =	stream.indirect.scatter.add.f32 [tilespmem:s22], [sflag:$0x2], $0x80, s20, s21, $0xb8;
	[tilespmem:$0x1D000] =	vst v63  }
0x63: {  	_ =	swait.ge [sflag:s19], $0x2800  }
0x64: {  	[sflag:s19] =	ssyncset.done $0x0  }
0x65: {  	[sflag:s19] =	ssyncadd.s32 $0xFFFFD800  }
0x66: {  	[bflag:$0x0] =	sbarrier.arrive $0xFFFF  }
0x67: {  	[tilespmem:s18], [sflag:$0x2] =	stream.linear.gather [spmem:s5], $0x4000, $0x38;
	[tilespmem:$0x1D000] =	vst v63  }
0x68: {  	_ =	swait.ge [sflag:s19], $0x4000  }
0x69: {  	[sflag:s19] =	ssyncset.done $0x0  }
0x6a: {  	[sflag:s19] =	ssyncadd.s32 $0xFFFFC000  }
0x6b: {  	[hbm4b:s11+s4] =	stream.linear.scatter [tilespmem:s18], [sflag:$0x2], $0x4000, $0x38;
	[tilespmem:$0x1D000] =	vst v63  }
0x6c: {  	_ =	swait.ge [sflag:s19], $0x4000  }
0x6d: {  	[sflag:s19] =	ssyncset.done $0x0  }
0x6e: {  	[sflag:s19] =	ssyncadd.s32 $0xFFFFC000  }
0x6f: {  	[tilespmem:s18], [sflag:$0x2] =	stream.linear.gather [spmem:s6], $0x4000, $0x38;
	[tilespmem:$0x1D000] =	vst v63  }
0x70: {  	_ =	swait.ge [sflag:s19], $0x4000  }
0x71: {  	[sflag:s19] =	ssyncset.done $0x0  }
0x72: {  	[sflag:s19] =	ssyncadd.s32 $0xFFFFC000  }
0x73: {  	[hbm4b:s12+s4] =	stream.linear.scatter [tilespmem:s18], [sflag:$0x2], $0x4000, $0x38;
	[tilespmem:$0x1D000] =	vst v63  }
0x74: {  	_ =	swait.ge [sflag:s19], $0x4000  }
0x75: {  	[sflag:s19] =	ssyncset.done $0x0  }
0x76: {  	[sflag:s19] =	ssyncadd.s32 $0xFFFFC000  }
0x77: {  	[tilespmem:s18], [sflag:$0x2] =	stream.linear.gather [spmem:s7], $0x4000, $0x38;
	[tilespmem:$0x1D000] =	vst v63  }
0x78: {  	_ =	swait.ge [sflag:s19], $0x4000  }
0x79: {  	[sflag:s19] =	ssyncset.done $0x0  }
0x7a: {  	[sflag:s19] =	ssyncadd.s32 $0xFFFFC000  }
0x7b: {  	[hbm4b:s13+s4] =	stream.linear.scatter [tilespmem:s18], [sflag:$0x2], $0x4000, $0x38;
	[tilespmem:$0x1D000] =	vst v63  }
0x7c: {  	_ =	swait.ge [sflag:s19], $0x4000  }
0x7d: {  	[sflag:s19] =	ssyncset.done $0x0  }
0x7e: {  	[sflag:s19] =	ssyncadd.s32 $0xFFFFC000  }
0x7f: {  	[tilespmem:s18], [sflag:$0x2] =	stream.linear.gather [spmem:s8], $0x4000, $0x38;
	[tilespmem:$0x1D000] =	vst v63  }
0x80: {  	_ =	swait.ge [sflag:s19], $0x4000  }
0x81: {  	[sflag:s19] =	ssyncset.done $0x0  }
0x82: {  	[sflag:s19] =	ssyncadd.s32 $0xFFFFC000  }
0x83: {  	[hbm4b:s14+s4] =	stream.linear.scatter [tilespmem:s18], [sflag:$0x2], $0x4000, $0x38;
	[tilespmem:$0x1D000] =	vst v63  }
0x84: {  	_ =	swait.ge [sflag:s19], $0x4000  }
0x85: {  	[sflag:s19] =	ssyncset.done $0x0  }
0x86: {  	[sflag:s19] =	ssyncadd.s32 $0xFFFFC000  }
0x87: {  	[tilespmem:s18], [sflag:$0x2] =	stream.linear.gather [spmem:s9], $0x4000, $0x38;
	[tilespmem:$0x1D000] =	vst v63  }
0x88: {  	s24 =	sadd.s32 $0x1, s24;
	_ =	swait.ge [sflag:s19], $0x4000  }
0x89: {  	p0 =	sne.s32 s24, s16;
	[sflag:s19] =	ssyncset.done $0x0  }
.Ltmp2:
0x8a: {  	[sflag:s19] =	ssyncadd.s32 $0xFFFFC000;
	(pc) =	sbr.rel @p0 .LBB2_1-.Ltmp2, $4  }
0x8b: {  	[hbm4b:s15+s4] =	stream.linear.scatter [tilespmem:s18], [sflag:$0x2], $0x4000, $0x38;
	[tilespmem:$0x1D000] =	vst v63  }
0x8c: {  	_ =	swait.ge [sflag:s19], $0x4000  }
0x8d: {  	[sflag:s19] =	ssyncset.done $0x0  }
0x8e: {  	[sflag:s19] =	ssyncadd.s32 $0xFFFFC000  }
0x8f: {  	_ =	sfence.sel $0x180000  }
0x90: {  	[bflag:$0x0] =	sbarrier.arrive $0xFFFF  }
0x91: {  	p0 =	sne.s32 s0, $0x0;
	_ =	strace $0x9000004D  }
0x92: {  	s0 =	sadd.s32 @!p0 $0x100000, s1;
	[bflag:$0x2] =	sbarrier.arrive $0xFFFF  }
0x93: {  	[sflag:s0] =	ssyncadd.tile.s32 @!p0 $0x1;
	_ =	shalt  }
.Lfunc_end2:
_tile_overlayer_lowered:
.L_overlay_start_2:
0x94: {  	(tag) =	ssettag $0x2  }
0x95: {  	s0 =	rddreg [dreg:$0x0];
	s2 =	stileid.u32  }
0x96: {  	s1 =	rddreg [dreg:$0x1];
	p0 =	sne.s32 s2, $0x0  }
0x97: {  	s3 =	rddreg [dreg:$0x2];
	[bflag:$0x3] =	sbarrier.arrive $0xFFFF;
	s2 =	simm.s32 @!p0 $0x1C02  }
0x98: {  	[timem:s3], [sflag:s2] =	dma.local @!p0 [hbm:s0], s1  }
0x99: {  	s0 =	simm.s32 @!p0 $0x2  }
0x9a: {  	_ =	swait.ge @!p0 [sflag:s0], s1  }
0x9b: {  	s1 =	ssub.s32 @!p0 $0x0, s1;
	[sflag:s0] =	ssyncset.done @!p0 $0x0  }
0x9c: {  	[sflag:s0] =	ssyncadd.s32 @!p0 s1  }
0x9d: {  	[bflag:$0x3] =	sbarrier.arrive $0xFFFF  }
0x9e: {  	_ =	shalt  }

// kernel: kernel.8.cloned.1.call-start
scs
__scs_entry_jumppad:
0x0: {  	(pc) =	sbr.rel $0x88, $3  }
0x1: {  	(tag) =	ssettag $0x0;
	lr =	simm.s32 $0x1  }
0x2: {  	[smem:$0x3F9B] =	sst lr;
	_ =	strace $0xD0000000  }
0x3: {  	_ = 	snop  }
0x4: {  	_ = 	snop  }
0x5: {  	_ = 	snop  }
0x6: {  	_ = 	snop  }
0x7: {  	_ = 	snop  }
__scs_overlays_trampoline_lowered:
0x8: {  	[smem:$0x3FAA] =	sst s0  }
0x9: {  	[smem:$0x3FAB] =	sst s1  }
0xa: {  	[smem:$0x3FAC] =	sst s2  }
0xb: {  	[smem:$0x3FAD] =	sst s3  }
0xc: {  	[smem:$0x3FAE] =	sst s4  }
0xd: {  	[smem:$0x3FAF] =	sst s5  }
0xe: {  	[smem:$0x3FB0] =	sst s6  }
0xf: {  	[smem:$0x3FB1] =	sst s7  }
0x10: {  	[smem:$0x3FB2] =	sst s8  }
0x11: {  	[smem:$0x3FB3] =	sst s9;
	s0 =	simm.s32 @!p0 $0x0  }
0x12: {  	s1 =	sld [smem:$0x3F99];
	s0 =	simm.s32 @p0 $0x1  }
0x13: {  	[smem:$0x3FB4] =	sst s0;
	s0 =	simm.s32 @!p1 $0x0  }
0x14: {  	s2 =	sld [smem:$0x3F98];
	s0 =	simm.s32 @p1 $0x1  }
0x15: {  	[smem:$0x3FB5] =	sst s0;
	s0 =	simm.s32 @!p2 $0x0  }
0x16: {  	s3 =	sld [smem:$0x3FDB];
	s0 =	simm.s32 @p2 $0x1  }
0x17: {  	s4 =	simm.s32 $0x1BF5;
	[smem:$0x3FB7] =	sst s0  }
0x18: {  	s0 =	sld [smem:$0x3F9A];
	_ =	swait.ge [sflag:s4], $0x0  }
0x19: {  	s7 =	sld [smem:$0x3F9B]  }
0x1a: {  	s8 =	sadd.s32 $0xFFFFE003, lr  }
0x1b: {  	s9 =	sadd.s32 $0xFFFFFEF7, lr;
	s5 =	simm.s32 $0xFFFFFFFF;
	p2 =	slt.u32 s8, $0xFFFFF086  }
0x1c: {  	p1 =	slt.u32 s9, $0xF7A;
	s5 =	simm.s32 @!p2 $0x0  }
0x1d: {  	s5 =	simm.s32 @p1 $0x1;
	p0 =	seq.s32 s7, s2  }
0x1e: {  	s7 =	smul.u32 @!p0 $0xF7A, s2;
	p2 =	seq.s32 @!p0 s5, $0x0  }
0x1f: {  	s9 =	smul.u32 $0xF7A, s1;
	s8 =	simm.s32 @!p0 $0x1BF5;
	p2 =	por !p2, p0  }
0x20: {  	[sflag:s8] =	ssyncset.s32 @!p0 $0xFFFFF086;
	s6 =	sadd.s32 @!p0 s3, s7;
	s7 =	simm.s32 @!p0 $0x108  }
0x21: {  	s3 =	sadd.s32 s3, s9;
	s6 =	sadd.s32 @!p0 $0x88, s6;
	s7 =	simm.s32 @p2 $0x1082  }
0x22: {  	[simem:s7], [sflag:s8] =	dma.local @!p0 [hbm:s6], $0xF7A  }
0x23: {  	s9 =	sor.u32 $0xD0000000, s2;
	s6 =	simm.s32 $0x108;
	_ =	swait.ge @!p0 [sflag:s8], $0x0  }
0x24: {  	s3 =	sadd.s32 $0x88, s3;
	s6 =	simm.s32 @!p1 $0x1082;
	[sflag:s4] =	ssyncset.s32 $0xFFFFF086  }
0x25: {  	[simem:s6], [sflag:s4] =	dma.local [hbm:s3], $0xF7A  }
0x26: {  	[smem:$0x3F9B] =	sst s1;
	(tag) =	ssettag s2;
	_ =	strace s9  }
0x27: {  	s1 =	sld [smem:$0x3FAB]  }
0x28: {  	s2 =	sld [smem:$0x3FAC]  }
0x29: {  	s4 =	sld [smem:$0x3FAE]  }
0x2a: {  	p0 =	seq.s32 s5, $0x0;
	s5 =	sld [smem:$0x3FAF]  }
0x2b: {  	s6 =	sld [smem:$0x3FB0]  }
0x2c: {  	s7 =	sld [smem:$0x3FB1]  }
0x2d: {  	s3 =	simm.s32 $0x108;
	s8 =	sld [smem:$0x3FB2]  }
0x2e: {  	s3 =	simm.s32 @!p0 $0x1082;
	s9 =	sld [smem:$0x3FB3]  }
0x2f: {  	lr =	sadd.s32 s0, s3;
	s0 =	sld [smem:$0x3FAA]  }
0x30: {  	s3 =	sld [smem:$0x3FAD]  }
0x31: {  	[smem:$0x3FB6] =	sst s10  }
0x32: {  	s10 =	sld [smem:$0x3FB4];
	_ =	sdelay $0x3  }
0x33: {  	p0 =	seq.s32 s10, $0x1;
	s10 =	sld [smem:$0x3FB6];
	_ =	sdelay $0x3  }
0x34: {  	[smem:$0x3FB6] =	sst s10  }
0x35: {  	s10 =	sld [smem:$0x3FB5];
	_ =	sdelay $0x3  }
0x36: {  	p1 =	seq.s32 s10, $0x1;
	s10 =	sld [smem:$0x3FB6];
	_ =	sdelay $0x3  }
0x37: {  	[smem:$0x3FB6] =	sst s10  }
0x38: {  	s10 =	sld [smem:$0x3FB7]  }
0x39: {  	_ = 	snop;
	(pc) =	sbr.ind lr, $3  }
0x3a: {  	_ = 	snop  }
0x3b: {  	_ = 	snop  }
0x3c: {  	p2 =	seq.s32 s10, $0x1;
	s10 =	sld [smem:$0x3FB6]  }
0x3d: {  	_ =	shalt  }
0x3e: {  	_ =	shalt  }
0x3f: {  	_ =	shalt  }
0x40: {  	_ =	shalt  }
0x41: {  	_ =	shalt  }
0x42: {  	_ =	shalt  }
0x43: {  	_ =	shalt  }
0x44: {  	_ =	shalt  }
0x45: {  	_ =	shalt  }
0x46: {  	_ =	shalt  }
0x47: {  	_ =	shalt  }
0x48: {  	_ =	shalt  }
0x49: {  	_ =	shalt  }
0x4a: {  	_ =	shalt  }
0x4b: {  	_ =	shalt  }
0x4c: {  	_ =	shalt  }
0x4d: {  	_ =	shalt  }
0x4e: {  	_ =	shalt  }
0x4f: {  	_ =	shalt  }
0x50: {  	_ =	shalt  }
0x51: {  	_ =	shalt  }
0x52: {  	_ =	shalt  }
0x53: {  	_ =	shalt  }
0x54: {  	_ =	shalt  }
0x55: {  	_ =	shalt  }
0x56: {  	_ =	shalt  }
0x57: {  	_ =	shalt  }
0x58: {  	_ =	shalt  }
0x59: {  	_ =	shalt  }
0x5a: {  	_ =	shalt  }
0x5b: {  	_ =	shalt  }
0x5c: {  	_ =	shalt  }
0x5d: {  	_ =	shalt  }
0x5e: {  	_ =	shalt  }
0x5f: {  	_ =	shalt  }
0x60: {  	_ =	shalt  }
0x61: {  	_ =	shalt  }
0x62: {  	_ =	shalt  }
0x63: {  	_ =	shalt  }
0x64: {  	_ =	shalt  }
0x65: {  	_ =	shalt  }
0x66: {  	_ =	shalt  }
0x67: {  	_ =	shalt  }
0x68: {  	_ =	shalt  }
0x69: {  	_ =	shalt  }
0x6a: {  	_ =	shalt  }
0x6b: {  	_ =	shalt  }
0x6c: {  	_ =	shalt  }
0x6d: {  	_ =	shalt  }
0x6e: {  	_ =	shalt  }
0x6f: {  	_ =	shalt  }
0x70: {  	_ =	shalt  }
0x71: {  	_ =	shalt  }
0x72: {  	_ =	shalt  }
0x73: {  	_ =	shalt  }
0x74: {  	_ =	shalt  }
0x75: {  	_ =	shalt  }
0x76: {  	_ =	shalt  }
0x77: {  	_ =	shalt  }
0x78: {  	_ =	shalt  }
0x79: {  	_ =	shalt  }
0x7a: {  	_ =	shalt  }
0x7b: {  	_ =	shalt  }
0x7c: {  	_ =	shalt  }
0x7d: {  	_ =	shalt  }
0x7e: {  	_ =	shalt  }
0x7f: {  	_ =	shalt  }
0x80: {  	_ =	shalt  }
0x81: {  	_ =	shalt  }
0x82: {  	_ =	shalt  }
0x83: {  	_ =	shalt  }
0x84: {  	_ =	shalt  }
0x85: {  	_ =	shalt  }
0x86: {  	_ =	shalt  }
0x87: {  	_ =	shalt  }
.Lfunc_end0:
.L_simem_size_0:
called_computation_lowered:
.L_overlay_start_0:
0x88: {  	s2 =	sld [smem:$0x3FD9]  }
0x89: {  	s3 =	sld [smem:$0x3FFE];
	_ =	sdelay $0x1  }
0x8a: {  	s1 =	srdreg.scid  }
0x8b: {  	s0 =	sand.u32 $0x1, s1  }
0x8c: {  	s16 =	sshll.u32 s0, $0xA;
	s2 =	sadd.s32 s3, s2  }
0x8d: {  	s2 =	sadd.s32 s2, s16  }
0x8e: {  	[smem:$0x3FC2] =	sst s2  }
0x8f: {  	_ = 	snop  }
0x90: {  	(tm) =	ssettm $0x1  }
0x91: {  	s17 =	sld [smem:$0x3FFB];
	_ =	sdelay $0x3  }
0x92: {  	_ =	strace s17  }
0x93: {  	s2 =	sld [smem:$0x3FFC];
	_ =	sdelay $0x3  }
0x94: {  	_ =	strace s2  }
0x95: {  	s2 =	sld [smem:$0x3FFD];
	_ =	sdelay $0x3  }
0x96: {  	_ =	strace s2  }
0x97: {  	_ =	strace $0x8FFFFFFF  }
0x98: {  	s18 =	sld [smem:$0x3FDB];
	_ =	sdelay $0x1  }
0x99: {  	s19 =	simm.s32 $_scs_section_size  }
0x9a: {  	s4 =	simm.s32 $_size__tile_overlayer_lowered;
	s5 =	simm.s32 $_tile_overlayer_lowered  }
0x9b: {  	s22 =	simm.s32 $0x1BFF;
	s21 =	sshll.u32 s5, $0x1;
	s2 =	sadd.s32 s19, s18  }
0x9c: {  	s6 =	simm.s32 $0x0;
	s20 =	sshll.u32 s4, $0x1;
	s4 =	sadd.s32 s21, s2  }
0x9d: {  	[timem:s6], [sflag:s22] =	dma.local [hbm:s4], s20  }
0x9e: {  	_ =	swait.ge [sflag:s22], s20  }
0x9f: {  	s3 =	ssub.s32 $0x0, s20;
	[sflag:s22] =	ssyncset.done $0x0  }
0xa0: {  	[sflag:s22] =	ssyncadd.s32 s3;
	_ =	sdelay $0x1  }
0xa1: {  	s23 =	simm.s32 $0x1B8B  }
0xa2: {  	_ =	swait.ge [sflag:s23], $0x1  }
0xa3: {  	[sflag:s23] =	ssyncset.done $0x0  }
0xa4: {  	s25 =	simm.s32 $0x1B8E;
	s24 =	sld [smem:$0x3FFE];
	[sflag:s23] =	ssyncadd.s32 $0xFFFFFFFF  }
0xa5: {  	s26 =	simm.s32 $execute0_lowered;
	[smem:$0x3FD2] =	sst s25  }
0xa6: {  	s4 =	sshll.u32 s26, $0x1;
	_ =	strace $0x80000046;
	[dreg:$0x1] =	wrdreg $0xFFFFFFFF  }
0xa7: {  	s28 =	simm.s32 $_size_execute0_lowered;
	s2 =	sadd.s32 s2, s4;
	[dreg:$0x0] =	wrdreg $0x0  }
0xa8: {  	s4 =	sshll.u32 s28, $0x1;
	[dreg:$0x2] =	wrdreg s2  }
0xa9: {  	[dreg:$0x3] =	wrdreg s4  }
0xaa: {  	[dreg:$0x4] =	wrdreg $0xC0  }
0xab: {  	_ =	task [dreg:s6], $0x5FFFF  }
0xac: {  	[dreg:$0x1] =	wrdreg $0xFFFFFFFF  }
0xad: {  	[dreg:$0x0] =	wrdreg $0x60  }
0xae: {  	[dreg:$0x2] =	wrdreg s24  }
0xaf: {  	[dreg:$0x3] =	wrdreg $0x68800  }
0xb0: {  	[dreg:$0x4] =	wrdreg $0x9  }
0xb1: {  	_ =	task.clear_ibuf [dreg:s6], $0x5FFFF;
	_ =	strace $0x90000046  }
0xb2: {  	s29 =	simm.s32 $0x9;
	_ =	strace $0x80000048  }
0xb3: {  	_ =	swait.ge [sflag:s29], $0x1  }
0xb4: {  	[sflag:s29] =	ssyncadd.s32 $0xFFFFFFFF  }
0xb5: {  	_ =	strace $0x90000048  }
0xb6: {  	_ =	sfence  }
0xb7: {  	s30 =	sld [smem:$0x0];
	_ =	sdelay $0x2  }
0xb8: {  	s31 =	sshll.u32 s1, $0xD;
	s1 =	sshrl.u32 s1, $0x2  }
0xb9: {  	s3 =	sand.u32 $0x4000, s31;
	s1 =	sadd.s32 s1, s30  }
0xba: {  	s0 =	sor.u32 s3, s0;
	s1 =	sshll.u32 s1, $0x11  }
0xbb: {  	s0 =	sor.u32 s1, s0  }
0xbc: {  	s0 =	sadd.s32 $0x8F2B, s0  }
0xbd: {  	[sflag:s0] =	ssyncadd.remote.s32 $0x1  }
0xbe: {  	_ =	sfence.sel $0xFFFF  }
0xbf: {  	[dreg:$0x0] =	wrdreg $0xFFFFFFFF;
	(pc) =	sbr.abs _section_cstart, $3  }
0xc0: {  	[dreg:$0x1] =	wrdreg $0xFFFFFFFF  }
0xc1: {  	_ =	task.clear_ibuf [dreg:s6], $0x2FFFF;
	_ =	strace $0x9FFFFFFF  }
0xc2: {  	(tm) =	ssettm $0x7FFFFFFF  }
0xc3: {  	_ =	shalt  }
tec
execute0_lowered:
.L_overlay_start_1:
0x0: {  	(tag) =	ssettag $0x1  }
0x1: {  	s1 =	srdreg.scid;
	s4 =	rddreg [dreg:$0x0]  }
0x2: {  	s0 =	stileid.u32;
	s2 =	rddreg [dreg:$0x1];
	s3 =	simm.s32 $0x0  }
0x3: {  	s19 =	simm.s32 $0x80;
	s20 =	simm.s32 $0x0;
	s6 =	smul.u32 $0x4E20, s0  }
0x4: {  	s5 =	sand.u32 $0x1, s1;
	s1 =	rddreg [dreg:$0x2];
	s29 =	smul.u32 $0x50000, s0  }
0x5: {  	[smem:$0x7FF] =	sst s3;
	s8 =	smul.u32 $0x14000, s0;
	s13 =	sadd.s32 $0x15C00, s4  }
0x6: {  	s7 =	smul.u32 $0x2710, s5;
	_ =	strace $0x80000047;
	s30 =	ssub.s32 $0x2, s5  }
0x7: {  	s16 =	smul.u32 $0x140000, s5;
	s31 =	sshrl.u32 s30, $0x1;
	s9 =	sadd.s32 $0x4000, s8  }
0x8: {  	s11 =	sadd.s32 $0x8000, s8;
	s12 =	sadd.s32 $0xC000, s8;
	s17 =	sadd.s32 $0x10000, s8  }
0x9: {  	s6 =	sadd.s32 s7, s6;
	s7 =	sshrl.u32 s29, $0x2;
	s14 =	ssub.s32 s30, s31  }
0xa: {  	s5 =	sadd.s32 s9, s2;
	s10 =	sadd.s32 s8, s16;
	s9 =	sadd.s32 s16, s9  }
0xb: {  	s8 =	sadd.s32 s17, s2;
	s6 =	sshrl.u32 s6, $0x3;
	s10 =	sshrl.u32 s10, $0x3  }
0xc: {  	s18 =	sshrl.u32 s9, $0x3;
	s14 =	smax.u32 s14, $0x1;
	s15 =	sadd.s32 s6, s4  }
0xd: {  	s4 =	sadd.s32 s7, s2;
	s6 =	sadd.s32 s11, s2;
	s7 =	sadd.s32 s12, s2  }
0xe: {  	s9 =	sadd.s32 s13, s10;
	s10 =	sadd.s32 s13, s18;
	s11 =	sadd.s32 s16, s11  }
0xf: {  	s12 =	sadd.s32 s16, s12;
	s16 =	sadd.s32 s16, s17;
	s17 =	simm.s32 $0x1  }
0x10: {  	s18 =	simm.s32 $0x50;
	s11 =	sshrl.u32 s11, $0x3;
	s12 =	sshrl.u32 s12, $0x3  }
0x11: {  	s16 =	sshrl.u32 s16, $0x3;
	s15 =	sadd.s32 $0xBE00, s15;
	s11 =	sadd.s32 s13, s11  }
0x12: {  	v0 =	vimm.f32 $0.0e+00;
	v1 =	vimm.f32 $1.000000000e+00;
	s12 =	sadd.s32 s13, s12;
	s13 =	sadd.s32 s13, s16;
	s16 =	simm.s32 $0x2880  }
.LBB2_1:
0x13: {  	s21 =	simm.s32 $0x0;
	s22 =	simm.s32 $0x200  }
.LBB2_2:
0x14: {  	p0 =	sne.s32 s22, $0xFE00;
	[tilespmem:s21+$0x28F0] =	vst v0  }
0x15: {  	[tilespmem:s21+$0x2880] =	vst v0  }
0x16: {  	[tilespmem:s21+$0x2890] =	vst v0  }
.Ltmp0:
0x17: {  	[tilespmem:s21+$0x28A0] =	vst v0;
	(pc) =	sbr.rel @p0 .LBB2_2-.Ltmp0, $4  }
0x18: {  	[tilespmem:s21+$0x28B0] =	vst v0  }
0x19: {  	[tilespmem:s21+$0x28C0] =	vst v0  }
0x1a: {  	[tilespmem:s21+$0x28D0] =	vst v0  }
0x1b: {  	[tilespmem:s21+$0x28E0] =	vst v0;
	s21 =	sshra.s32 s22, $0x2;
	s22 =	sadd.s32 $0x200, s22  }
0x1c: {  	[tilespmem:s21+$0x28F0] =	vst v0  }
0x1d: {  	[tilespmem:s21+$0x2880] =	vst v0  }
0x1e: {  	[tilespmem:s21+$0x2890] =	vst v0  }
0x1f: {  	[tilespmem:s21+$0x28A0] =	vst v0  }
0x20: {  	[tilespmem:s21+$0x28B0] =	vst v0  }
0x21: {  	[tilespmem:s21+$0x28C0] =	vst v0  }
0x22: {  	[tilespmem:s21+$0x28D0] =	vst v0  }
0x23: {  	[tilespmem:s21+$0x28E0] =	vst v0;
	s21 =	simm.s32 $0x0;
	s22 =	simm.s32 $0x200  }
.LBB2_4:
0x24: {  	p0 =	sne.s32 s22, $0x9E00;
	[tilespmem:s21+$0xF0] =	vst v1  }
0x25: {  	[tilespmem:s21+$0x80] =	vst v1  }
0x26: {  	[tilespmem:s21+$0x90] =	vst v1  }
.Ltmp1:
0x27: {  	[tilespmem:s21+$0xA0] =	vst v1;
	(pc) =	sbr.rel @p0 .LBB2_4-.Ltmp1, $4  }
0x28: {  	[tilespmem:s21+$0xB0] =	vst v1  }
0x29: {  	[tilespmem:s21+$0xC0] =	vst v1  }
0x2a: {  	[tilespmem:s21+$0xD0] =	vst v1  }
0x2b: {  	[tilespmem:s21+$0xE0] =	vst v1;
	s21 =	sshra.s32 s22, $0x2;
	s22 =	sadd.s32 $0x200, s22  }
0x2c: {  	[tilespmem:s21+$0xF0] =	vst v1  }
0x2d: {  	[tilespmem:s21+$0x80] =	vst v1  }
0x2e: {  	[tilespmem:s21+$0x90] =	vst v1  }
0x2f: {  	[tilespmem:s21+$0xA0] =	vst v1  }
0x30: {  	[tilespmem:s21+$0xB0] =	vst v1  }
0x31: {  	[tilespmem:s21+$0xC0] =	vst v1  }
0x32: {  	[tilespmem:s21+$0xD0] =	vst v1  }
0x33: {  	[tilespmem:s21+$0xE0] =	vst v1  }
0x34: {  	[spmem:s4] =	stream.linear.scatter [tilespmem:s16], [sflag:$0x1], $0x4000, $0x38;
	[tilespmem:$0x1A880] =	vst v63  }
0x35: {  	_ =	swait.ge [sflag:s17], $0x4000  }
0x36: {  	[sflag:s17] =	ssyncset.done $0x0  }
0x37: {  	[sflag:s17] =	ssyncadd.s32 $0xFFFFC000  }
0x38: {  	[spmem:s5] =	stream.linear.scatter [tilespmem:s16], [sflag:$0x1], $0x4000, $0x38;
	[tilespmem:$0x1A880] =	vst v63  }
0x39: {  	_ =	swait.ge [sflag:s17], $0x4000  }
0x3a: {  	[sflag:s17] =	ssyncset.done $0x0  }
0x3b: {  	[sflag:s17] =	ssyncadd.s32 $0xFFFFC000  }
0x3c: {  	[spmem:s6] =	stream.linear.scatter [tilespmem:s16], [sflag:$0x1], $0x4000, $0x38;
	[tilespmem:$0x1A880] =	vst v63  }
0x3d: {  	_ =	swait.ge [sflag:s17], $0x4000  }
0x3e: {  	[sflag:s17] =	ssyncset.done $0x0  }
0x3f: {  	[sflag:s17] =	ssyncadd.s32 $0xFFFFC000  }
0x40: {  	[spmem:s7] =	stream.linear.scatter [tilespmem:s16], [sflag:$0x1], $0x4000, $0x38;
	[tilespmem:$0x1A880] =	vst v63  }
0x41: {  	_ =	swait.ge [sflag:s17], $0x4000  }
0x42: {  	[sflag:s17] =	ssyncset.done $0x0  }
0x43: {  	[sflag:s17] =	ssyncadd.s32 $0xFFFFC000  }
0x44: {  	[spmem:s8] =	stream.linear.scatter [tilespmem:s16], [sflag:$0x1], $0x4000, $0x38;
	[tilespmem:$0x1A880] =	vst v63  }
0x45: {  	_ =	swait.ge [sflag:s17], $0x4000  }
0x46: {  	[sflag:s17] =	ssyncset.done $0x0  }
0x47: {  	[sflag:s17] =	ssyncadd.s32 $0xFFFFC000  }
0x48: {  	s31 =	sadd.s32 $0x0, s15;
	[bflag:$0x0] =	sbarrier.arrive $0xFFFF  }
0x49: {  	[tilespmem:s3], [sflag:$0x1] =	stream.linear.gather [hbm4b:s31+s3], $0x50, $0x38;
	[tilespmem:$0x1A880] =	vst v63  }
0x4a: {  	_ =	swait.ge [sflag:s17], $0x50  }
0x4b: {  	[sflag:s17] =	ssyncset.done $0x0  }
0x4c: {  	[sflag:s17] =	ssyncadd.s32 $0xFFFFFFB0  }
0x4d: {  	[spmem:s2] =	stream.indirect.scatter.add.f32 [tilespmem:s19], [sflag:$0x1], $0x80, s3, s18, $0xb8;
	[tilespmem:$0x1A880] =	vst v63  }
0x4e: {  	_ =	swait.ge [sflag:s17], $0x2800  }
0x4f: {  	s21 =	simm.s32 $0xA;
	s22 =	simm.s32 $0x14;
	[sflag:s17] =	ssyncset.done $0x0  }
.LBB2_6:
0x50: {  	s23 =	sadd.s32 s21, s15  }
0x51: {  	[sflag:s17] =	ssyncadd.s32 $0xFFFFD800;
	s21 =	smov.u32 s22;
	s24 =	sadd.s32 $0xA, s22  }
0x52: {  	[tilespmem:s3], [sflag:$0x1] =	stream.linear.gather [hbm4b:s23+s3], $0x50, $0x38;
	[tilespmem:$0x1A880] =	vst v63  }
0x53: {  	p0 =	sne.s32 s22, $0x4D8;
	_ =	swait.ge [sflag:s17], $0x50  }
.Ltmp2:
0x54: {  	[sflag:s17] =	ssyncset.done $0x0;
	(pc) =	sbr.rel @p0 .LBB2_6-.Ltmp2, $4  }
0x55: {  	[sflag:s17] =	ssyncadd.s32 $0xFFFFFFB0  }
0x56: {  	[spmem:s2] =	stream.indirect.scatter.add.f32 [tilespmem:s19], [sflag:$0x1], $0x80, s3, s18, $0xb8;
	[tilespmem:$0x1A880] =	vst v63  }
0x57: {  	_ =	swait.ge [sflag:s17], $0x2800  }
0x58: {  	s22 =	smov.u32 s24;
	[sflag:s17] =	ssyncset.done $0x0  }
0x59: {  	s21 =	sadd.s32 s21, s15;
	[sflag:s17] =	ssyncadd.s32 $0xFFFFD800  }
0x5a: {  	[tilespmem:s3], [sflag:$0x1] =	stream.linear.gather [hbm4b:s21+s3], $0x50, $0x38;
	[tilespmem:$0x1A880] =	vst v63  }
0x5b: {  	_ =	swait.ge [sflag:s17], $0x50  }
0x5c: {  	[sflag:s17] =	ssyncset.done $0x0  }
0x5d: {  	[sflag:s17] =	ssyncadd.s32 $0xFFFFFFB0  }
0x5e: {  	[spmem:s2] =	stream.indirect.scatter.add.f32 [tilespmem:s19], [sflag:$0x1], $0x80, s3, s18, $0xb8;
	[tilespmem:$0x1A880] =	vst v63  }
0x5f: {  	_ =	swait.ge [sflag:s17], $0x2800  }
0x60: {  	[sflag:s17] =	ssyncset.done $0x0  }
0x61: {  	[sflag:s17] =	ssyncadd.s32 $0xFFFFD800  }
0x62: {  	[bflag:$0x0] =	sbarrier.arrive $0xFFFF  }
0x63: {  	[tilespmem:s16], [sflag:$0x1] =	stream.linear.gather [spmem:s4], $0x4000, $0x38;
	[tilespmem:$0x1A880] =	vst v63  }
0x64: {  	_ =	swait.ge [sflag:s17], $0x4000  }
0x65: {  	[sflag:s17] =	ssyncset.done $0x0  }
0x66: {  	[sflag:s17] =	ssyncadd.s32 $0xFFFFC000  }
0x67: {  	[hbm4b:s9+s3] =	stream.linear.scatter [tilespmem:s16], [sflag:$0x1], $0x4000, $0x38;
	[tilespmem:$0x1A880] =	vst v63  }
0x68: {  	_ =	swait.ge [sflag:s17], $0x4000  }
0x69: {  	[sflag:s17] =	ssyncset.done $0x0  }
0x6a: {  	[sflag:s17] =	ssyncadd.s32 $0xFFFFC000  }
0x6b: {  	[tilespmem:s16], [sflag:$0x1] =	stream.linear.gather [spmem:s5], $0x4000, $0x38;
	[tilespmem:$0x1A880] =	vst v63  }
0x6c: {  	_ =	swait.ge [sflag:s17], $0x4000  }
0x6d: {  	[sflag:s17] =	ssyncset.done $0x0  }
0x6e: {  	[sflag:s17] =	ssyncadd.s32 $0xFFFFC000  }
0x6f: {  	[hbm4b:s10+s3] =	stream.linear.scatter [tilespmem:s16], [sflag:$0x1], $0x4000, $0x38;
	[tilespmem:$0x1A880] =	vst v63  }
0x70: {  	_ =	swait.ge [sflag:s17], $0x4000  }
0x71: {  	[sflag:s17] =	ssyncset.done $0x0  }
0x72: {  	[sflag:s17] =	ssyncadd.s32 $0xFFFFC000  }
0x73: {  	[tilespmem:s16], [sflag:$0x1] =	stream.linear.gather [spmem:s6], $0x4000, $0x38;
	[tilespmem:$0x1A880] =	vst v63  }
0x74: {  	_ =	swait.ge [sflag:s17], $0x4000  }
0x75: {  	[sflag:s17] =	ssyncset.done $0x0  }
0x76: {  	[sflag:s17] =	ssyncadd.s32 $0xFFFFC000  }
0x77: {  	[hbm4b:s11+s3] =	stream.linear.scatter [tilespmem:s16], [sflag:$0x1], $0x4000, $0x38;
	[tilespmem:$0x1A880] =	vst v63  }
0x78: {  	_ =	swait.ge [sflag:s17], $0x4000  }
0x79: {  	[sflag:s17] =	ssyncset.done $0x0  }
0x7a: {  	[sflag:s17] =	ssyncadd.s32 $0xFFFFC000  }
0x7b: {  	[tilespmem:s16], [sflag:$0x1] =	stream.linear.gather [spmem:s7], $0x4000, $0x38;
	[tilespmem:$0x1A880] =	vst v63  }
0x7c: {  	_ =	swait.ge [sflag:s17], $0x4000  }
0x7d: {  	[sflag:s17] =	ssyncset.done $0x0  }
0x7e: {  	[sflag:s17] =	ssyncadd.s32 $0xFFFFC000  }
0x7f: {  	[hbm4b:s12+s3] =	stream.linear.scatter [tilespmem:s16], [sflag:$0x1], $0x4000, $0x38;
	[tilespmem:$0x1A880] =	vst v63  }
0x80: {  	_ =	swait.ge [sflag:s17], $0x4000  }
0x81: {  	[sflag:s17] =	ssyncset.done $0x0  }
0x82: {  	[sflag:s17] =	ssyncadd.s32 $0xFFFFC000  }
0x83: {  	[tilespmem:s16], [sflag:$0x1] =	stream.linear.gather [spmem:s8], $0x4000, $0x38;
	[tilespmem:$0x1A880] =	vst v63  }
0x84: {  	s20 =	sadd.s32 $0x1, s20;
	_ =	swait.ge [sflag:s17], $0x4000  }
0x85: {  	p0 =	sne.s32 s20, s14;
	[sflag:s17] =	ssyncset.done $0x0  }
.Ltmp3:
0x86: {  	[sflag:s17] =	ssyncadd.s32 $0xFFFFC000;
	(pc) =	sbr.rel @p0 .LBB2_1-.Ltmp3, $4  }
0x87: {  	[hbm4b:s13+s3] =	stream.linear.scatter [tilespmem:s16], [sflag:$0x1], $0x4000, $0x38;
	[tilespmem:$0x1A880] =	vst v63  }
0x88: {  	_ =	swait.ge [sflag:s17], $0x4000  }
0x89: {  	[sflag:s17] =	ssyncset.done $0x0  }
0x8a: {  	[sflag:s17] =	ssyncadd.s32 $0xFFFFC000  }
0x8b: {  	_ =	sfence.sel $0x180000  }
0x8c: {  	[bflag:$0x0] =	sbarrier.arrive $0xFFFF  }
0x8d: {  	p0 =	sne.s32 s0, $0x0;
	_ =	strace $0x90000047  }
0x8e: {  	s0 =	sadd.s32 @!p0 $0x100000, s1;
	[bflag:$0x2] =	sbarrier.arrive $0xFFFF  }
0x8f: {  	[sflag:s0] =	ssyncadd.tile.s32 @!p0 $0x1;
	_ =	shalt  }
.Lfunc_end2:
_tile_overlayer_lowered:
.L_overlay_start_2:
0x90: {  	(tag) =	ssettag $0x2  }
0x91: {  	s0 =	rddreg [dreg:$0x0];
	s2 =	stileid.u32  }
0x92: {  	s1 =	rddreg [dreg:$0x1];
	p0 =	sne.s32 s2, $0x0  }
0x93: {  	s3 =	rddreg [dreg:$0x2];
	[bflag:$0x3] =	sbarrier.arrive $0xFFFF;
	s2 =	simm.s32 @!p0 $0x1C01  }
0x94: {  	[timem:s3], [sflag:s2] =	dma.local @!p0 [hbm:s0], s1  }
0x95: {  	s0 =	simm.s32 @!p0 $0x1  }
0x96: {  	_ =	swait.ge @!p0 [sflag:s0], s1  }
0x97: {  	s1 =	ssub.s32 @!p0 $0x0, s1;
	[sflag:s0] =	ssyncset.done @!p0 $0x0  }
0x98: {  	[sflag:s0] =	ssyncadd.s32 @!p0 s1  }
0x99: {  	[bflag:$0x3] =	sbarrier.arrive $0xFFFF  }
0x9a: {  	_ =	shalt  }

</sc_bundles>
